<compile_context>
chip_gen: v7x
topology: tpu7x:2x2x1
jax: 0.10.2.dev20260603
libtpu: 0.0.44.dev20260713+nightly
codegen_flags: <defaults>
</compile_context>

<pallas_src>
import functools

import jax
import jax.numpy as jnp
from jax import lax
from jax.experimental import pallas as pl
from jax.experimental.pallas import tpu as pltpu
from jax.experimental.pallas import tpu_sc as plsc

NC, NS = 2, 16
NW = NC * NS
C = 80
D = 128

NV = 10000
NE = 5000
NV_PAD = 10240
NE_PAD = 5120
NV_ACC = 10016
NE_ACC = 5008
NNZ = 320000
PW = NNZ // NW
NCH = PW // C
SLAB = PW


def _mesh():
  return plsc.VectorSubcoreMesh(
      core_axis_name="c", subcore_axis_name="s", num_cores=NC, num_subcores=NS)


def _zero_1d(ref, n):
  def body(i, _):
    ref[pl.ds(i * 16, 16)] = jnp.zeros((16,), jnp.float32)
    return 0
  lax.fori_loop(0, n // 16, body, 0)


def _zero_2d(ref, nrows, ncols):
  k = ncols // 16
  def body(i, _):
    r = i // k
    j = i % k
    ref[r, pl.ds(j * 16, 16)] = jnp.zeros((16,), jnp.float32)
    return 0
  lax.fori_loop(0, nrows * k, body, 0)


def _load_slab(src, slab, wid):
  pltpu.sync_copy(src.at[pl.ds(wid * PW, PW)], slab)


def _fill(dst, slab, j):
  def fb(k, _):
    dst[pl.ds(k * 16, 16)] = slab[pl.ds(j * C + k * 16, 16)]
    return 0
  lax.fori_loop(0, C // 16, fb, 0)


@functools.partial(
    pl.kernel,
    out_type=(jax.ShapeDtypeStruct((NC * NV_PAD,), jnp.float32),
              jax.ShapeDtypeStruct((NC * NE_PAD,), jnp.float32)),
    mesh=_mesh(),
    scratch_types=[
        pltpu.VMEM((SLAB,), jnp.int32),
        pltpu.VMEM((SLAB,), jnp.int32),
        pltpu.VMEM((C,), jnp.int32),
        pltpu.VMEM((C,), jnp.int32),
        pltpu.VMEM((C,), jnp.int32),
        pltpu.VMEM((C,), jnp.int32),
        pltpu.VMEM((C,), jnp.float32),
        pltpu.VMEM((NV_PAD // NS,), jnp.float32),
        pltpu.VMEM_SHARED((NV_PAD,), jnp.float32),
        pltpu.VMEM_SHARED((NE_PAD,), jnp.float32),
        pltpu.SemaphoreType.DMA,
        pltpu.SemaphoreType.DMA,
        pltpu.SemaphoreType.DMA,
        pltpu.SemaphoreType.DMA,
    ],
)
def _hist(nidx, hidx, dv_out, de_out,
          nl, hl, in0, in1, ih0, ih1, ones_v, zeros_v, dv_s, de_s,
          sn0, sn1, sh0, sh1):
  c = lax.axis_index("c")
  s = lax.axis_index("s")
  wid = s * NC + c

  _load_slab(nidx, nl, wid)
  _load_slab(hidx, hl, wid)
  _zero_1d(zeros_v, NV_PAD // NS)

  def ob(i, _):
    ones_v[pl.ds(i * 16, 16)] = jnp.ones((16,), jnp.float32)
    return 0
  lax.fori_loop(0, C // 16, ob, 0)

  vslice = NV_PAD // NS
  eslice = NE_PAD // NS
  pltpu.sync_copy(zeros_v, dv_s.at[pl.ds(s * vslice, vslice)])
  pltpu.sync_copy(zeros_v.at[pl.ds(0, eslice)], de_s.at[pl.ds(s * eslice, eslice)])
  plsc.subcore_barrier()

  def slot_step(j, me_in, me_ih, me_sn, me_sh):
    @pl.when(j >= 2)
    def _():
      pltpu.make_async_copy(ones_v, dv_s.at[me_in], me_sn).wait()
      pltpu.make_async_copy(ones_v, de_s.at[me_ih], me_sh).wait()
    _fill(me_in, nl, j)
    _fill(me_ih, hl, j)
    pltpu.async_copy(ones_v, dv_s.at[me_in], me_sn, add=True)
    pltpu.async_copy(ones_v, de_s.at[me_ih], me_sh, add=True)

  def body(j, _):
    @pl.when(j % 2 == 0)
    def _():
      slot_step(j, in0, ih0, sn0, sh0)
    @pl.when(j % 2 == 1)
    def _():
      slot_step(j, in1, ih1, sn1, sh1)
    return 0
  lax.fori_loop(0, NCH, body, 0)

  pltpu.make_async_copy(ones_v, dv_s.at[in0], sn0).wait()
  pltpu.make_async_copy(ones_v, de_s.at[ih0], sh0).wait()
  pltpu.make_async_copy(ones_v, dv_s.at[in1], sn1).wait()
  pltpu.make_async_copy(ones_v, de_s.at[ih1], sh1).wait()
  plsc.subcore_barrier()

  pltpu.sync_copy(dv_s.at[pl.ds(s * vslice, vslice)], zeros_v)
  pltpu.sync_copy(zeros_v, dv_out.at[pl.ds(c * NV_PAD + s * vslice, vslice)])
  pltpu.sync_copy(de_s.at[pl.ds(s * eslice, eslice)],
                  zeros_v.at[pl.ds(0, eslice)])
  pltpu.sync_copy(zeros_v.at[pl.ds(0, eslice)],
                  de_out.at[pl.ds(c * NE_PAD + s * eslice, eslice)])


def _matmul_body(x_ref, w_ref, b_ref, h_ref):
  h = lax.dot_general(x_ref[...], w_ref[...], (((1,), (1,)), ((), ())),
                      preferred_element_type=jnp.float32,
                      precision=lax.Precision.HIGHEST)
  h_ref[...] = h + b_ref[...]


def _matmul(x, w, b2):
  return pl.pallas_call(
      _matmul_body,
      out_shape=jax.ShapeDtypeStruct((NV, D), jnp.float32),
  )(x, w, b2)


def _scale_body(h_ref, dvp_ref, dep_ref, hs_ref, dvi_ref, dei_ref):
  dv = dvp_ref[0] + dvp_ref[1]
  dvi = jnp.where(dv > 0, lax.rsqrt(dv), 0.0)
  de = dep_ref[0] + dep_ref[1]
  dei = jnp.where(de > 0, 1.0 / de, 0.0)
  hs_ref[...] = h_ref[...] * dvi
  dvi_ref[...] = dvi
  dei_ref[...] = dei


def _scale(h, dvp, dep):
  return pl.pallas_call(
      _scale_body,
      out_shape=(jax.ShapeDtypeStruct((NV, D), jnp.float32),
                 jax.ShapeDtypeStruct((NV, 1), jnp.float32),
                 jax.ShapeDtypeStruct((NE, 1), jnp.float32)),
  )(h, dvp, dep)


def _make_agg(acc_rows, nslots):

  @functools.partial(
      pl.kernel,
      out_type=jax.ShapeDtypeStruct((NC, acc_rows, D), jnp.float32),
      mesh=_mesh(),
      scratch_types=(
          [pltpu.VMEM((SLAB,), jnp.int32)] * 2
          + [pltpu.VMEM((C,), jnp.int32)] * (2 * nslots)
          + [pltpu.VMEM((C, D), jnp.float32)] * nslots
          + [pltpu.VMEM_SHARED((acc_rows, D), jnp.float32)]
          + [pltpu.SemaphoreType.DMA] * (2 * nslots)
      ),
  )
  def agg(table, gidx, sidx, out, gl, sl, *bufs):
    gbufs = bufs[0:nslots]
    sbufs = bufs[nslots:2 * nslots]
    rowss = bufs[2 * nslots:3 * nslots]
    acc_s = bufs[3 * nslots]
    gsems = bufs[3 * nslots + 1:4 * nslots + 1]
    ssems = bufs[4 * nslots + 1:5 * nslots + 1]
    c = lax.axis_index("c")
    s = lax.axis_index("s")
    wid = s * NC + c

    _load_slab(gidx, gl, wid)
    _load_slab(sidx, sl, wid)
    _fill(gbufs[0], gl, 0)
    _fill(sbufs[0], sl, 0)
    pltpu.async_copy(table.at[gbufs[0]], rowss[0], gsems[0])

    _zero_2d(rowss[1], C, D)
    bpt = 8 * (-(-acc_rows // (8 * NS)))
    last = acc_rows - (NS - 1) * bpt

    def _span(base, nrows, fn):
      full, tail = nrows // C, nrows % C
      def sb(i, _):
        fn(base + i * C, C)
        return 0
      lax.fori_loop(0, full, sb, 0)
      if tail:
        fn(base + full * C, tail)

    def _zero_at(off, n):
      pltpu.sync_copy(rowss[1].at[pl.ds(0, n)], acc_s.at[pl.ds(off, n)])

    @pl.when(s < NS - 1)
    def _():
      _span(s * bpt, bpt, _zero_at)
    @pl.when(s == NS - 1)
    def _():
      _span((NS - 1) * bpt, last, _zero_at)
    plsc.subcore_barrier()

    slots = tuple((gbufs[p], sbufs[p], rowss[p], gsems[p], ssems[p])
                  for p in range(nslots))

    def slot_step(j, me, nx):
      me_g, me_s, me_rows, me_gs, me_ss = me
      nx_g, nx_s, nx_rows, nx_gs, nx_ss = nx
      @pl.when(j + 1 < NCH)
      def _():
        @pl.when(j >= nslots - 1)
        def _():
          pltpu.make_async_copy(nx_rows, acc_s.at[nx_s], nx_ss).wait()
        _fill(nx_g, gl, j + 1)
        _fill(nx_s, sl, j + 1)
        pltpu.async_copy(table.at[nx_g], nx_rows, nx_gs)
      pltpu.make_async_copy(table.at[me_g], me_rows, me_gs).wait()
      pltpu.async_copy(me_rows, acc_s.at[me_s], me_ss, add=True)

    def body(j, _):
      for p in range(nslots):
        @pl.when(j % nslots == p)
        def _(p=p):
          slot_step(j, slots[p], slots[(p + 1) % nslots])
      return 0
    lax.fori_loop(0, NCH, body, 0)

    for p in range(nslots):
      g_p, s_p, rows_p, gs_p, ss_p = slots[p]
      pltpu.make_async_copy(rows_p, acc_s.at[s_p], ss_p).wait()
    plsc.subcore_barrier()

    def _dump_at(off, n):
      pltpu.sync_copy(acc_s.at[pl.ds(off, n)], rowss[0].at[pl.ds(0, n)])
      pltpu.sync_copy(rowss[0].at[pl.ds(0, n)], out.at[c, pl.ds(off, n)])

    @pl.when(s < NS - 1)
    def _():
      _span(s * bpt, bpt, _dump_at)
    @pl.when(s == NS - 1)
    def _():
      _span((NS - 1) * bpt, last, _dump_at)

  return agg


_hedge_agg = _make_agg(NE_ACC, 2)
_node_agg = _make_agg(NV_ACC, 2)


def _ye_combine_body(yep_ref, dei_ref, ye_ref):
  ye = yep_ref[0, :NE, :] + yep_ref[1, :NE, :]
  ye_ref[...] = ye * dei_ref[...]


def _ye_combine(yep, dei):
  return pl.pallas_call(
      _ye_combine_body,
      out_shape=jax.ShapeDtypeStruct((NE, D), jnp.float32),
  )(yep, dei)


def _z_combine_body(zp_ref, dvi_ref, z_ref):
  z = zp_ref[0, :NV, :] + zp_ref[1, :NV, :]
  z_ref[...] = jnp.maximum(z * dvi_ref[...], 0.0)


def _z_combine(zp, dvi):
  return pl.pallas_call(
      _z_combine_body,
      out_shape=jax.ShapeDtypeStruct((NV, D), jnp.float32),
  )(zp, dvi)


def kernel(X, node_idx, hedge_idx, W, b):
  nidx = node_idx.astype(jnp.int32)
  hidx = hedge_idx.astype(jnp.int32)
  h = _matmul(X, W, b.reshape(1, D))
  dvp, dep = _hist(nidx, hidx)
  dvp = dvp.reshape(NC, NV_PAD)[:, :NV, None]
  dep = dep.reshape(NC, NE_PAD)[:, :NE, None]
  hs, dvi, dei = _scale(h, dvp, dep)
  yep = _hedge_agg(hs, nidx, hidx)
  ye = _ye_combine(yep, dei)
  zp = _node_agg(ye, hidx, nidx)
  return _z_combine(zp, dvi)

# --- scband reference (transcript-rebuilt; emitter-appended) ---
"""Pipeline reference for scband-hgnnconv-17901423690226 (READ-ONLY COPY).

The authoritative reference and input builder live on the scoring server;
editing this copy changes nothing except your own understanding.
"""

import jax, jax.numpy as jnp
import numpy as np

N_NODES = 10000
N_HEDGES = 5000
NNZ = 320000
D_IN = 128
D_OUT = 128


def setup_inputs(seed: int = 0) -> dict:
    key = jax.random.key(seed)
    k1, k2, k3, k4, k5 = jax.random.split(key, 5)
    X = jax.random.normal(k1, (N_NODES, D_IN), dtype=jnp.float32)
    node_idx = jax.random.randint(k2, (NNZ,), 0, N_NODES)
    hedge_idx = jax.random.randint(k3, (NNZ,), 0, N_HEDGES)
    W = jax.random.normal(k4, (D_OUT, D_IN), dtype=jnp.float32) * (1.0 / np.sqrt(D_IN))
    b = jax.random.normal(k5, (D_OUT,), dtype=jnp.float32) * 0.01
    return {"X": X, "node_idx": node_idx, "hedge_idx": hedge_idx, "W": W, "b": b}


def reference(X, node_idx, hedge_idx, W, b):
    # theta: linear projection
    H = X @ W.T + b
    # hypergraph degrees from incidence pairs (unit hyperedge weights)
    ones = jnp.ones(node_idx.shape[0], dtype=H.dtype)
    dv = jax.ops.segment_sum(ones, node_idx, num_segments=N_NODES)
    de = jax.ops.segment_sum(ones, hedge_idx, num_segments=N_HEDGES)
    dv_isqrt = jnp.where(dv > 0, 1.0 / jnp.sqrt(dv), 0.0)
    de_inv = jnp.where(de > 0, 1.0 / de, 0.0)
    # smoothing_with_HGNN: D_v^{-1/2} H W_e D_e^{-1} H^T D_v^{-1/2} X
    Hs = H * dv_isqrt[:, None]
    msg = jnp.take(Hs, node_idx, axis=0)
    Ye = jax.ops.segment_sum(msg, hedge_idx, num_segments=N_HEDGES)
    Ye = Ye * de_inv[:, None]
    back = jnp.take(Ye, hedge_idx, axis=0)
    Z = jax.ops.segment_sum(back, node_idx, num_segments=N_NODES)
    Z = Z * dv_isqrt[:, None]
    # not is_last: ReLU (dropout is identity in eval mode)
    return jax.nn.relu(Z)

if __name__ == "__main__":
    import jax
    _d = setup_inputs()
    print(jax.jit(kernel)(*tuple(_d.values())))

</pallas_src>

<mosaic_0001>
#map = affine_map<(d0, d1) -> (0)>
module attributes {stable_mosaic.version = 14 : i64} {
  func.func @_hist(%arg0: i32, %arg1: i32, %arg2: memref<320000xi32, #tpu.memory_space<hbm>>, %arg3: memref<320000xi32, #tpu.memory_space<hbm>>, %arg4: memref<20480xf32, #tpu.memory_space<hbm>>, %arg5: memref<10240xf32, #tpu.memory_space<hbm>>, %arg6: memref<10000xi32, #tpu.memory_space<vmem>>, %arg7: memref<10000xi32, #tpu.memory_space<vmem>>, %arg8: memref<80xi32, #tpu.memory_space<vmem>>, %arg9: memref<80xi32, #tpu.memory_space<vmem>>, %arg10: memref<80xi32, #tpu.memory_space<vmem>>, %arg11: memref<80xi32, #tpu.memory_space<vmem>>, %arg12: memref<80xf32, #tpu.memory_space<vmem>>, %arg13: memref<640xf32, #tpu.memory_space<vmem>>, %arg14: memref<10240xf32, #tpu.memory_space<vmem_shared>>, %arg15: memref<5120xf32, #tpu.memory_space<vmem_shared>>, %arg16: memref<!tpu.dma_semaphore, #tpu.memory_space<semaphore_mem>>, %arg17: memref<!tpu.dma_semaphore, #tpu.memory_space<semaphore_mem>>, %arg18: memref<!tpu.dma_semaphore, #tpu.memory_space<semaphore_mem>>, %arg19: memref<!tpu.dma_semaphore, #tpu.memory_space<semaphore_mem>>) attributes {dimension_semantics = [#tpu.dimension_semantics<core_parallel>, #tpu.dimension_semantics<subcore_parallel>], iteration_bounds = array<i64: 2, 16>, scalar_prefetch = 0 : i64, scratch_operands = 14 : i64, tpu.core_type = #tpu.core_type<sc_vector_subcore>, window_params = [{transform_indices = #map}, {transform_indices = #map}, {transform_indices = #map}, {transform_indices = #map}]} {
    %mul3A = arith.constant 2 : i32
    %mul3A_0 = arith.muli %arg1, %mul3A : i32
    %add3A = arith.addi %mul3A_0, %arg0 : i32
    %mul3A_1 = arith.constant 10000 : i32
    %mul3A_2 = arith.muli %add3A, %mul3A_1 : i32
    "tpu.region"() ({
      %run_scoped3A = tpu.sem_alloc : memref<!tpu.dma_semaphore, #tpu.memory_space<semaphore_mem>>
      %dma_start3A = tpu.memref_slice %arg2[%mul3A_2] : memref<320000xi32, #tpu.memory_space<hbm>> -> memref<10000xi32, #tpu.memory_space<hbm>>
      %dma_start3A_51 = tpu.memref_slice %arg2[%mul3A_2] : memref<320000xi32, #tpu.memory_space<hbm>> -> memref<10000xi32, #tpu.memory_space<hbm>>
      tpu.enqueue_dma source(%dma_start3A_51 : memref<10000xi32, #tpu.memory_space<hbm>>) target(%arg6 : memref<10000xi32, #tpu.memory_space<vmem>>) target_semaphore(%run_scoped3A : memref<!tpu.dma_semaphore, #tpu.memory_space<semaphore_mem>>)
      %dma_wait3A_52 = tpu.memref_slice %arg2[%mul3A_2] : memref<320000xi32, #tpu.memory_space<hbm>> -> memref<10000xi32, #tpu.memory_space<hbm>>
      %dma_wait3A_53 = tpu.memref_slice %arg2[%mul3A_2] : memref<320000xi32, #tpu.memory_space<hbm>> -> memref<10000xi32, #tpu.memory_space<hbm>>
      tpu.wait_dma2 semaphore(%run_scoped3A : memref<!tpu.dma_semaphore, #tpu.memory_space<semaphore_mem>>) src(%dma_wait3A_53 : memref<10000xi32, #tpu.memory_space<hbm>>) dst(%arg6 : memref<10000xi32, #tpu.memory_space<vmem>>)
      tpu.yield
    }) : () -> ()
    %mul3A_3 = arith.constant 10000 : i32
    %mul3A_4 = arith.muli %add3A, %mul3A_3 : i32
    "tpu.region"() ({
      %run_scoped3A = tpu.sem_alloc : memref<!tpu.dma_semaphore, #tpu.memory_space<semaphore_mem>>
      %dma_start3A = tpu.memref_slice %arg3[%mul3A_4] : memref<320000xi32, #tpu.memory_space<hbm>> -> memref<10000xi32, #tpu.memory_space<hbm>>
      %dma_start3A_51 = tpu.memref_slice %arg3[%mul3A_4] : memref<320000xi32, #tpu.memory_space<hbm>> -> memref<10000xi32, #tpu.memory_space<hbm>>
      tpu.enqueue_dma source(%dma_start3A_51 : memref<10000xi32, #tpu.memory_space<hbm>>) target(%arg7 : memref<10000xi32, #tpu.memory_space<vmem>>) target_semaphore(%run_scoped3A : memref<!tpu.dma_semaphore, #tpu.memory_space<semaphore_mem>>)
      %dma_wait3A_52 = tpu.memref_slice %arg3[%mul3A_4] : memref<320000xi32, #tpu.memory_space<hbm>> -> memref<10000xi32, #tpu.memory_space<hbm>>
      %dma_wait3A_53 = tpu.memref_slice %arg3[%mul3A_4] : memref<320000xi32, #tpu.memory_space<hbm>> -> memref<10000xi32, #tpu.memory_space<hbm>>
      tpu.wait_dma2 semaphore(%run_scoped3A : memref<!tpu.dma_semaphore, #tpu.memory_space<semaphore_mem>>) src(%dma_wait3A_53 : memref<10000xi32, #tpu.memory_space<hbm>>) dst(%arg7 : memref<10000xi32, #tpu.memory_space<vmem>>)
      tpu.yield
    }) : () -> ()
    %scan3A = arith.constant 0 : i32
    %scan3A_5 = arith.constant 0 : i32
    %scan3A_6 = arith.constant 40 : i32
    %scan3A_7 = arith.addi %scan3A_5, %scan3A_6 : i32
    %scan3A_8 = arith.constant 1 : i32
    %scan3A_9 = scf.for %scan3A_51 = %scan3A_5 to %scan3A_7 step %scan3A_8 iter_args(%scan3A_52 = %scan3A) -> (i32)  : i32 {
      %broadcast_in_dim3A = arith.constant 0.000000e+00 : f32
      %broadcast_in_dim3A_53 = vector.broadcast %broadcast_in_dim3A : f32 to vector<16xf32>
      %mul3A_54 = arith.constant 16 : i32
      %mul3A_55 = arith.muli %scan3A_51, %mul3A_54 : i32
      %swap3A = arith.index_cast %mul3A_55 : i32 to index
      %swap3A_56 = tpu.vector_load %arg13[%swap3A] {strides = array<i32>} : memref<640xf32, #tpu.memory_space<vmem>>, vector<16xf32>,
      %swap3A_57 = vector.shape_cast %swap3A_56 : vector<16xf32> to vector<16xf32>
      %swap3A_58 = vector.shape_cast %broadcast_in_dim3A_53 : vector<16xf32> to vector<16xf32>
      tpu.vector_store %arg13[%swap3A], %swap3A_58 {strides = array<i32>} : memref<640xf32, #tpu.memory_space<vmem>>, vector<16xf32>,
      %scan3A_59 = arith.constant 0 : i32
      scf.yield %scan3A_59 : i32
    }
    %scan3A_10 = arith.constant 40 : i32
    %scan3A_11 = arith.constant 0 : i32
    %scan3A_12 = arith.constant 0 : i32
    %scan3A_13 = arith.constant 5 : i32
    %scan3A_14 = arith.addi %scan3A_12, %scan3A_13 : i32
    %scan3A_15 = arith.constant 1 : i32
    %scan3A_16 = scf.for %scan3A_51 = %scan3A_12 to %scan3A_14 step %scan3A_15 iter_args(%scan3A_52 = %scan3A_11) -> (i32)  : i32 {
      %broadcast_in_dim3A = arith.constant 1.000000e+00 : f32
      %broadcast_in_dim3A_53 = vector.broadcast %broadcast_in_dim3A : f32 to vector<16xf32>
      %mul3A_54 = arith.constant 16 : i32
      %mul3A_55 = arith.muli %scan3A_51, %mul3A_54 : i32
      %swap3A = arith.index_cast %mul3A_55 : i32 to index
      %swap3A_56 = tpu.vector_load %arg12[%swap3A] {strides = array<i32>} : memref<80xf32, #tpu.memory_space<vmem>>, vector<16xf32>,
      %swap3A_57 = vector.shape_cast %swap3A_56 : vector<16xf32> to vector<16xf32>
      %swap3A_58 = vector.shape_cast %broadcast_in_dim3A_53 : vector<16xf32> to vector<16xf32>
      tpu.vector_store %arg12[%swap3A], %swap3A_58 {strides = array<i32>} : memref<80xf32, #tpu.memory_space<vmem>>, vector<16xf32>,
      %scan3A_59 = arith.constant 0 : i32
      scf.yield %scan3A_59 : i32
    }
    %scan3A_17 = arith.constant 5 : i32
    %mul3A_18 = arith.constant 640 : i32
    %mul3A_19 = arith.muli %arg1, %mul3A_18 : i32
    "tpu.region"() ({
      %run_scoped3A = tpu.sem_alloc : memref<!tpu.dma_semaphore, #tpu.memory_space<semaphore_mem>>
      %dma_start3A = tpu.memref_slice %arg14[%mul3A_19] : memref<10240xf32, #tpu.memory_space<vmem_shared>> -> memref<640xf32, #tpu.memory_space<vmem_shared>>
      %dma_start3A_51 = tpu.memref_slice %arg14[%mul3A_19] : memref<10240xf32, #tpu.memory_space<vmem_shared>> -> memref<640xf32, #tpu.memory_space<vmem_shared>>
      tpu.enqueue_dma source(%arg13 : memref<640xf32, #tpu.memory_space<vmem>>) target(%dma_start3A_51 : memref<640xf32, #tpu.memory_space<vmem_shared>>) target_semaphore(%run_scoped3A : memref<!tpu.dma_semaphore, #tpu.memory_space<semaphore_mem>>)
      %dma_wait3A_52 = tpu.memref_slice %arg14[%mul3A_19] : memref<10240xf32, #tpu.memory_space<vmem_shared>> -> memref<640xf32, #tpu.memory_space<vmem_shared>>
      %dma_wait3A_53 = tpu.memref_slice %arg14[%mul3A_19] : memref<10240xf32, #tpu.memory_space<vmem_shared>> -> memref<640xf32, #tpu.memory_space<vmem_shared>>
      tpu.wait_dma2 semaphore(%run_scoped3A : memref<!tpu.dma_semaphore, #tpu.memory_space<semaphore_mem>>) src(%arg13 : memref<640xf32, #tpu.memory_space<vmem>>) dst(%dma_wait3A_53 : memref<640xf32, #tpu.memory_space<vmem_shared>>)
      tpu.yield
    }) : () -> ()
    %mul3A_20 = arith.constant 320 : i32
    %mul3A_21 = arith.muli %arg1, %mul3A_20 : i32
    "tpu.region"() ({
      %run_scoped3A = tpu.sem_alloc : memref<!tpu.dma_semaphore, #tpu.memory_space<semaphore_mem>>
      %dma_start3A = arith.constant 0 : i32
      %dma_start3A_51 = tpu.memref_slice %arg13[%dma_start3A] : memref<640xf32, #tpu.memory_space<vmem>> -> memref<320xf32, #tpu.memory_space<vmem>>
      %dma_start3A_52 = tpu.memref_slice %arg15[%mul3A_21] : memref<5120xf32, #tpu.memory_space<vmem_shared>> -> memref<320xf32, #tpu.memory_space<vmem_shared>>
      %dma_start3A_53 = tpu.memref_slice %arg15[%mul3A_21] : memref<5120xf32, #tpu.memory_space<vmem_shared>> -> memref<320xf32, #tpu.memory_space<vmem_shared>>
      %dma_start3A_54 = arith.constant 0 : i32
      %dma_start3A_55 = tpu.memref_slice %arg13[%dma_start3A_54] : memref<640xf32, #tpu.memory_space<vmem>> -> memref<320xf32, #tpu.memory_space<vmem>>
      tpu.enqueue_dma source(%dma_start3A_55 : memref<320xf32, #tpu.memory_space<vmem>>) target(%dma_start3A_53 : memref<320xf32, #tpu.memory_space<vmem_shared>>) target_semaphore(%run_scoped3A : memref<!tpu.dma_semaphore, #tpu.memory_space<semaphore_mem>>)
      %dma_wait3A_56 = arith.constant 0 : i32
      %dma_wait3A_57 = tpu.memref_slice %arg13[%dma_wait3A_56] : memref<640xf32, #tpu.memory_space<vmem>> -> memref<320xf32, #tpu.memory_space<vmem>>
      %dma_wait3A_58 = tpu.memref_slice %arg15[%mul3A_21] : memref<5120xf32, #tpu.memory_space<vmem_shared>> -> memref<320xf32, #tpu.memory_space<vmem_shared>>
      %dma_wait3A_59 = tpu.memref_slice %arg15[%mul3A_21] : memref<5120xf32, #tpu.memory_space<vmem_shared>> -> memref<320xf32, #tpu.memory_space<vmem_shared>>
      %dma_wait3A_60 = arith.constant 0 : i32
      %dma_wait3A_61 = tpu.memref_slice %arg13[%dma_wait3A_60] : memref<640xf32, #tpu.memory_space<vmem>> -> memref<320xf32, #tpu.memory_space<vmem>>
      tpu.wait_dma2 semaphore(%run_scoped3A : memref<!tpu.dma_semaphore, #tpu.memory_space<semaphore_mem>>) src(%dma_wait3A_61 : memref<320xf32, #tpu.memory_space<vmem>>) dst(%dma_wait3A_59 : memref<320xf32, #tpu.memory_space<vmem_shared>>)
      tpu.yield
    }) : () -> ()
    %barrier3A = arith.constant 0 : index
    tpu.barrier barrier_id(%barrier3A)
    %scan3A_22 = arith.constant 0 : i32
    %scan3A_23 = arith.constant 0 : i32
    %scan3A_24 = arith.constant 125 : i32
    %scan3A_25 = arith.addi %scan3A_23, %scan3A_24 : i32
    %scan3A_26 = arith.constant 1 : i32
    %scan3A_27 = scf.for %scan3A_51 = %scan3A_23 to %scan3A_25 step %scan3A_26 iter_args(%scan3A_52 = %scan3A_22) -> (i32)  : i32 {
      %jit3A = arith.constant 2 : i32
      %eq3A = arith.constant 0 : i32
      %eq3A_53 = arith.cmpi eq, %jit3A, %eq3A : i32
      %jit3A_54 = arith.constant 1 : i32
      %select_n3A = arith.select %eq3A_53, %jit3A_54, %jit3A : i32
      %rem3A = arith.remsi %scan3A_51, %select_n3A : i32
      %ne3A = arith.constant 0 : i32
      %ne3A_55 = arith.cmpi ne, %rem3A, %ne3A : i32
      %lt3A = arith.constant 0 : i32
      %lt3A_56 = arith.cmpi slt, %rem3A, %lt3A : i32
      %lt3A_57 = arith.constant 0 : i32
      %lt3A_58 = arith.cmpi slt, %select_n3A, %lt3A_57 : i32
      %ne3A_59 = arith.xori %lt3A_56, %lt3A_58 : i1
      %and3A = arith.andi %ne3A_59, %ne3A_55 : i1
      %add3A_60 = arith.addi %rem3A, %select_n3A : i32
      %select_n3A_61 = arith.select %and3A, %add3A_60, %rem3A : i32
      %eq3A_62 = arith.constant 0 : i32
      %eq3A_63 = arith.cmpi eq, %select_n3A_61, %eq3A_62 : i32
      %convert_element_type3A = arith.extui %eq3A_63 : i1 to i32
      %cond3A = arith.constant 0 : i32
      %cond3A_64 = arith.cmpi ne, %convert_element_type3A, %cond3A : i32
      scf.if %cond3A_64 {
        %ge3A = arith.constant 2 : i32
        %ge3A_87 = arith.cmpi sge, %scan3A_51, %ge3A : i32
        %convert_element_type3A_88 = arith.extui %ge3A_87 : i1 to i32
        %cond3A_89 = arith.constant 0 : i32
        %cond3A_90 = arith.cmpi ne, %convert_element_type3A_88, %cond3A_89 : i32
        scf.if %cond3A_90 {
          %dma_wait3A_108 = arith.constant 0 : i32
          %dma_wait3A_109 = tpu.memref_slice %arg14[%dma_wait3A_108] : memref<10240xf32, #tpu.memory_space<vmem_shared>> -> memref<10240xf32, #tpu.memory_space<vmem_shared>>
          tpu.wait_indirect_dma semaphore(%arg16 : memref<!tpu.dma_semaphore, #tpu.memory_space<semaphore_mem>>) src(%arg12 : memref<80xf32, #tpu.memory_space<vmem>>) dst(%dma_wait3A_109 : memref<10240xf32, #tpu.memory_space<vmem_shared>>)
          %dma_wait3A_110 = arith.constant 0 : i32
          %dma_wait3A_111 = tpu.memref_slice %arg15[%dma_wait3A_110] : memref<5120xf32, #tpu.memory_space<vmem_shared>> -> memref<5120xf32, #tpu.memory_space<vmem_shared>>
          tpu.wait_indirect_dma semaphore(%arg18 : memref<!tpu.dma_semaphore, #tpu.memory_space<semaphore_mem>>) src(%arg12 : memref<80xf32, #tpu.memory_space<vmem>>) dst(%dma_wait3A_111 : memref<5120xf32, #tpu.memory_space<vmem_shared>>)
        } else {
        }
        %scan3A_91 = arith.constant 0 : i32
        %scan3A_92 = arith.constant 0 : i32
        %scan3A_93 = arith.constant 5 : i32
        %scan3A_94 = arith.addi %scan3A_92, %scan3A_93 : i32
        %scan3A_95 = arith.constant 1 : i32
        %scan3A_96 = scf.for %scan3A_108 = %scan3A_92 to %scan3A_94 step %scan3A_95 iter_args(%scan3A_109 = %scan3A_91) -> (i32)  : i32 {
          %mul3A_110 = arith.constant 80 : i32
          %mul3A_111 = arith.muli %scan3A_51, %mul3A_110 : i32
          %mul3A_112 = arith.constant 16 : i32
          %mul3A_113 = arith.muli %scan3A_108, %mul3A_112 : i32
          %add3A_114 = arith.addi %mul3A_111, %mul3A_113 : i32
          %get3A = arith.index_cast %add3A_114 : i32 to index
          %get3A_115 = tpu.vector_load %arg6[%get3A] {strides = array<i32>} : memref<10000xi32, #tpu.memory_space<vmem>>, vector<16xi32>,
          %get3A_116 = vector.shape_cast %get3A_115 : vector<16xi32> to vector<16xi32>
          %mul3A_117 = arith.constant 16 : i32
          %mul3A_118 = arith.muli %scan3A_108, %mul3A_117 : i32
          %swap3A = arith.index_cast %mul3A_118 : i32 to index
          %swap3A_119 = tpu.vector_load %arg8[%swap3A] {strides = array<i32>} : memref<80xi32, #tpu.memory_space<vmem>>, vector<16xi32>,
          %swap3A_120 = vector.shape_cast %swap3A_119 : vector<16xi32> to vector<16xi32>
          %swap3A_121 = vector.shape_cast %get3A_116 : vector<16xi32> to vector<16xi32>
          tpu.vector_store %arg8[%swap3A], %swap3A_121 {strides = array<i32>} : memref<80xi32, #tpu.memory_space<vmem>>, vector<16xi32>,
          %scan3A_122 = arith.constant 0 : i32
          scf.yield %scan3A_122 : i32
        }
        %scan3A_97 = arith.constant 5 : i32
        %scan3A_98 = arith.constant 0 : i32
        %scan3A_99 = arith.constant 0 : i32
        %scan3A_100 = arith.constant 5 : i32
        %scan3A_101 = arith.addi %scan3A_99, %scan3A_100 : i32
        %scan3A_102 = arith.constant 1 : i32
        %scan3A_103 = scf.for %scan3A_108 = %scan3A_99 to %scan3A_101 step %scan3A_102 iter_args(%scan3A_109 = %scan3A_98) -> (i32)  : i32 {
          %mul3A_110 = arith.constant 80 : i32
          %mul3A_111 = arith.muli %scan3A_51, %mul3A_110 : i32
          %mul3A_112 = arith.constant 16 : i32
          %mul3A_113 = arith.muli %scan3A_108, %mul3A_112 : i32
          %add3A_114 = arith.addi %mul3A_111, %mul3A_113 : i32
          %get3A = arith.index_cast %add3A_114 : i32 to index
          %get3A_115 = tpu.vector_load %arg7[%get3A] {strides = array<i32>} : memref<10000xi32, #tpu.memory_space<vmem>>, vector<16xi32>,
          %get3A_116 = vector.shape_cast %get3A_115 : vector<16xi32> to vector<16xi32>
          %mul3A_117 = arith.constant 16 : i32
          %mul3A_118 = arith.muli %scan3A_108, %mul3A_117 : i32
          %swap3A = arith.index_cast %mul3A_118 : i32 to index
          %swap3A_119 = tpu.vector_load %arg10[%swap3A] {strides = array<i32>} : memref<80xi32, #tpu.memory_space<vmem>>, vector<16xi32>,
          %swap3A_120 = vector.shape_cast %swap3A_119 : vector<16xi32> to vector<16xi32>
          %swap3A_121 = vector.shape_cast %get3A_116 : vector<16xi32> to vector<16xi32>
          tpu.vector_store %arg10[%swap3A], %swap3A_121 {strides = array<i32>} : memref<80xi32, #tpu.memory_space<vmem>>, vector<16xi32>,
          %scan3A_122 = arith.constant 0 : i32
          scf.yield %scan3A_122 : i32
        }
        %scan3A_104 = arith.constant 5 : i32
        %dma_start3A = arith.constant 0 : i32
        %dma_start3A_105 = tpu.memref_slice %arg14[%dma_start3A] : memref<10240xf32, #tpu.memory_space<vmem_shared>> -> memref<10240xf32, #tpu.memory_space<vmem_shared>>
        tpu.enqueue_indirect_dma source(%arg12 : memref<80xf32, #tpu.memory_space<vmem>>) target(%dma_start3A_105 : memref<10240xf32, #tpu.memory_space<vmem_shared>>) offsets(%arg8 : memref<80xi32, #tpu.memory_space<vmem>>) semaphore(%arg16 : memref<!tpu.dma_semaphore, #tpu.memory_space<semaphore_mem>>) {add = true}
        %dma_start3A_106 = arith.constant 0 : i32
        %dma_start3A_107 = tpu.memref_slice %arg15[%dma_start3A_106] : memref<5120xf32, #tpu.memory_space<vmem_shared>> -> memref<5120xf32, #tpu.memory_space<vmem_shared>>
        tpu.enqueue_indirect_dma source(%arg12 : memref<80xf32, #tpu.memory_space<vmem>>) target(%dma_start3A_107 : memref<5120xf32, #tpu.memory_space<vmem_shared>>) offsets(%arg10 : memref<80xi32, #tpu.memory_space<vmem>>) semaphore(%arg18 : memref<!tpu.dma_semaphore, #tpu.memory_space<semaphore_mem>>) {add = true}
      } else {
      }
      %jit3A_65 = arith.constant 2 : i32
      %eq3A_66 = arith.constant 0 : i32
      %eq3A_67 = arith.cmpi eq, %jit3A_65, %eq3A_66 : i32
      %jit3A_68 = arith.constant 1 : i32
      %select_n3A_69 = arith.select %eq3A_67, %jit3A_68, %jit3A_65 : i32
      %rem3A_70 = arith.remsi %scan3A_51, %select_n3A_69 : i32
      %ne3A_71 = arith.constant 0 : i32
      %ne3A_72 = arith.cmpi ne, %rem3A_70, %ne3A_71 : i32
      %lt3A_73 = arith.constant 0 : i32
      %lt3A_74 = arith.cmpi slt, %rem3A_70, %lt3A_73 : i32
      %lt3A_75 = arith.constant 0 : i32
      %lt3A_76 = arith.cmpi slt, %select_n3A_69, %lt3A_75 : i32
      %ne3A_77 = arith.xori %lt3A_74, %lt3A_76 : i1
      %and3A_78 = arith.andi %ne3A_77, %ne3A_72 : i1
      %add3A_79 = arith.addi %rem3A_70, %select_n3A_69 : i32
      %select_n3A_80 = arith.select %and3A_78, %add3A_79, %rem3A_70 : i32
      %eq3A_81 = arith.constant 1 : i32
      %eq3A_82 = arith.cmpi eq, %select_n3A_80, %eq3A_81 : i32
      %convert_element_type3A_83 = arith.extui %eq3A_82 : i1 to i32
      %cond3A_84 = arith.constant 0 : i32
      %cond3A_85 = arith.cmpi ne, %convert_element_type3A_83, %cond3A_84 : i32
      scf.if %cond3A_85 {
        %ge3A = arith.constant 2 : i32
        %ge3A_87 = arith.cmpi sge, %scan3A_51, %ge3A : i32
        %convert_element_type3A_88 = arith.extui %ge3A_87 : i1 to i32
        %cond3A_89 = arith.constant 0 : i32
        %cond3A_90 = arith.cmpi ne, %convert_element_type3A_88, %cond3A_89 : i32
        scf.if %cond3A_90 {
          %dma_wait3A_108 = arith.constant 0 : i32
          %dma_wait3A_109 = tpu.memref_slice %arg14[%dma_wait3A_108] : memref<10240xf32, #tpu.memory_space<vmem_shared>> -> memref<10240xf32, #tpu.memory_space<vmem_shared>>
          tpu.wait_indirect_dma semaphore(%arg17 : memref<!tpu.dma_semaphore, #tpu.memory_space<semaphore_mem>>) src(%arg12 : memref<80xf32, #tpu.memory_space<vmem>>) dst(%dma_wait3A_109 : memref<10240xf32, #tpu.memory_space<vmem_shared>>)
          %dma_wait3A_110 = arith.constant 0 : i32
          %dma_wait3A_111 = tpu.memref_slice %arg15[%dma_wait3A_110] : memref<5120xf32, #tpu.memory_space<vmem_shared>> -> memref<5120xf32, #tpu.memory_space<vmem_shared>>
          tpu.wait_indirect_dma semaphore(%arg19 : memref<!tpu.dma_semaphore, #tpu.memory_space<semaphore_mem>>) src(%arg12 : memref<80xf32, #tpu.memory_space<vmem>>) dst(%dma_wait3A_111 : memref<5120xf32, #tpu.memory_space<vmem_shared>>)
        } else {
        }
        %scan3A_91 = arith.constant 0 : i32
        %scan3A_92 = arith.constant 0 : i32
        %scan3A_93 = arith.constant 5 : i32
        %scan3A_94 = arith.addi %scan3A_92, %scan3A_93 : i32
        %scan3A_95 = arith.constant 1 : i32
        %scan3A_96 = scf.for %scan3A_108 = %scan3A_92 to %scan3A_94 step %scan3A_95 iter_args(%scan3A_109 = %scan3A_91) -> (i32)  : i32 {
          %mul3A_110 = arith.constant 80 : i32
          %mul3A_111 = arith.muli %scan3A_51, %mul3A_110 : i32
          %mul3A_112 = arith.constant 16 : i32
          %mul3A_113 = arith.muli %scan3A_108, %mul3A_112 : i32
          %add3A_114 = arith.addi %mul3A_111, %mul3A_113 : i32
          %get3A = arith.index_cast %add3A_114 : i32 to index
          %get3A_115 = tpu.vector_load %arg6[%get3A] {strides = array<i32>} : memref<10000xi32, #tpu.memory_space<vmem>>, vector<16xi32>,
          %get3A_116 = vector.shape_cast %get3A_115 : vector<16xi32> to vector<16xi32>
          %mul3A_117 = arith.constant 16 : i32
          %mul3A_118 = arith.muli %scan3A_108, %mul3A_117 : i32
          %swap3A = arith.index_cast %mul3A_118 : i32 to index
          %swap3A_119 = tpu.vector_load %arg9[%swap3A] {strides = array<i32>} : memref<80xi32, #tpu.memory_space<vmem>>, vector<16xi32>,
          %swap3A_120 = vector.shape_cast %swap3A_119 : vector<16xi32> to vector<16xi32>
          %swap3A_121 = vector.shape_cast %get3A_116 : vector<16xi32> to vector<16xi32>
          tpu.vector_store %arg9[%swap3A], %swap3A_121 {strides = array<i32>} : memref<80xi32, #tpu.memory_space<vmem>>, vector<16xi32>,
          %scan3A_122 = arith.constant 0 : i32
          scf.yield %scan3A_122 : i32
        }
        %scan3A_97 = arith.constant 5 : i32
        %scan3A_98 = arith.constant 0 : i32
        %scan3A_99 = arith.constant 0 : i32
        %scan3A_100 = arith.constant 5 : i32
        %scan3A_101 = arith.addi %scan3A_99, %scan3A_100 : i32
        %scan3A_102 = arith.constant 1 : i32
        %scan3A_103 = scf.for %scan3A_108 = %scan3A_99 to %scan3A_101 step %scan3A_102 iter_args(%scan3A_109 = %scan3A_98) -> (i32)  : i32 {
          %mul3A_110 = arith.constant 80 : i32
          %mul3A_111 = arith.muli %scan3A_51, %mul3A_110 : i32
          %mul3A_112 = arith.constant 16 : i32
          %mul3A_113 = arith.muli %scan3A_108, %mul3A_112 : i32
          %add3A_114 = arith.addi %mul3A_111, %mul3A_113 : i32
          %get3A = arith.index_cast %add3A_114 : i32 to index
          %get3A_115 = tpu.vector_load %arg7[%get3A] {strides = array<i32>} : memref<10000xi32, #tpu.memory_space<vmem>>, vector<16xi32>,
          %get3A_116 = vector.shape_cast %get3A_115 : vector<16xi32> to vector<16xi32>
          %mul3A_117 = arith.constant 16 : i32
          %mul3A_118 = arith.muli %scan3A_108, %mul3A_117 : i32
          %swap3A = arith.index_cast %mul3A_118 : i32 to index
          %swap3A_119 = tpu.vector_load %arg11[%swap3A] {strides = array<i32>} : memref<80xi32, #tpu.memory_space<vmem>>, vector<16xi32>,
          %swap3A_120 = vector.shape_cast %swap3A_119 : vector<16xi32> to vector<16xi32>
          %swap3A_121 = vector.shape_cast %get3A_116 : vector<16xi32> to vector<16xi32>
          tpu.vector_store %arg11[%swap3A], %swap3A_121 {strides = array<i32>} : memref<80xi32, #tpu.memory_space<vmem>>, vector<16xi32>,
          %scan3A_122 = arith.constant 0 : i32
          scf.yield %scan3A_122 : i32
        }
        %scan3A_104 = arith.constant 5 : i32
        %dma_start3A = arith.constant 0 : i32
        %dma_start3A_105 = tpu.memref_slice %arg14[%dma_start3A] : memref<10240xf32, #tpu.memory_space<vmem_shared>> -> memref<10240xf32, #tpu.memory_space<vmem_shared>>
        tpu.enqueue_indirect_dma source(%arg12 : memref<80xf32, #tpu.memory_space<vmem>>) target(%dma_start3A_105 : memref<10240xf32, #tpu.memory_space<vmem_shared>>) offsets(%arg9 : memref<80xi32, #tpu.memory_space<vmem>>) semaphore(%arg17 : memref<!tpu.dma_semaphore, #tpu.memory_space<semaphore_mem>>) {add = true}
        %dma_start3A_106 = arith.constant 0 : i32
        %dma_start3A_107 = tpu.memref_slice %arg15[%dma_start3A_106] : memref<5120xf32, #tpu.memory_space<vmem_shared>> -> memref<5120xf32, #tpu.memory_space<vmem_shared>>
        tpu.enqueue_indirect_dma source(%arg12 : memref<80xf32, #tpu.memory_space<vmem>>) target(%dma_start3A_107 : memref<5120xf32, #tpu.memory_space<vmem_shared>>) offsets(%arg11 : memref<80xi32, #tpu.memory_space<vmem>>) semaphore(%arg19 : memref<!tpu.dma_semaphore, #tpu.memory_space<semaphore_mem>>) {add = true}
      } else {
      }
      %scan3A_86 = arith.constant 0 : i32
      scf.yield %scan3A_86 : i32
    }
    %scan3A_28 = arith.constant 125 : i32
    %dma_wait3A = arith.constant 0 : i32
    %dma_wait3A_29 = tpu.memref_slice %arg14[%dma_wait3A] : memref<10240xf32, #tpu.memory_space<vmem_shared>> -> memref<10240xf32, #tpu.memory_space<vmem_shared>>
    tpu.wait_indirect_dma semaphore(%arg16 : memref<!tpu.dma_semaphore, #tpu.memory_space<semaphore_mem>>) src(%arg12 : memref<80xf32, #tpu.memory_space<vmem>>) dst(%dma_wait3A_29 : memref<10240xf32, #tpu.memory_space<vmem_shared>>)
    %dma_wait3A_30 = arith.constant 0 : i32
    %dma_wait3A_31 = tpu.memref_slice %arg15[%dma_wait3A_30] : memref<5120xf32, #tpu.memory_space<vmem_shared>> -> memref<5120xf32, #tpu.memory_space<vmem_shared>>
    tpu.wait_indirect_dma semaphore(%arg18 : memref<!tpu.dma_semaphore, #tpu.memory_space<semaphore_mem>>) src(%arg12 : memref<80xf32, #tpu.memory_space<vmem>>) dst(%dma_wait3A_31 : memref<5120xf32, #tpu.memory_space<vmem_shared>>)
    %dma_wait3A_32 = arith.constant 0 : i32
    %dma_wait3A_33 = tpu.memref_slice %arg14[%dma_wait3A_32] : memref<10240xf32, #tpu.memory_space<vmem_shared>> -> memref<10240xf32, #tpu.memory_space<vmem_shared>>
    tpu.wait_indirect_dma semaphore(%arg17 : memref<!tpu.dma_semaphore, #tpu.memory_space<semaphore_mem>>) src(%arg12 : memref<80xf32, #tpu.memory_space<vmem>>) dst(%dma_wait3A_33 : memref<10240xf32, #tpu.memory_space<vmem_shared>>)
    %dma_wait3A_34 = arith.constant 0 : i32
    %dma_wait3A_35 = tpu.memref_slice %arg15[%dma_wait3A_34] : memref<5120xf32, #tpu.memory_space<vmem_shared>> -> memref<5120xf32, #tpu.memory_space<vmem_shared>>
    tpu.wait_indirect_dma semaphore(%arg19 : memref<!tpu.dma_semaphore, #tpu.memory_space<semaphore_mem>>) src(%arg12 : memref<80xf32, #tpu.memory_space<vmem>>) dst(%dma_wait3A_35 : memref<5120xf32, #tpu.memory_space<vmem_shared>>)
    %barrier3A_36 = arith.constant 0 : index
    tpu.barrier barrier_id(%barrier3A_36)
    %mul3A_37 = arith.constant 640 : i32
    %mul3A_38 = arith.muli %arg1, %mul3A_37 : i32
    "tpu.region"() ({
      %run_scoped3A = tpu.sem_alloc : memref<!tpu.dma_semaphore, #tpu.memory_space<semaphore_mem>>
      %dma_start3A = tpu.memref_slice %arg14[%mul3A_38] : memref<10240xf32, #tpu.memory_space<vmem_shared>> -> memref<640xf32, #tpu.memory_space<vmem_shared>>
      %dma_start3A_51 = tpu.memref_slice %arg14[%mul3A_38] : memref<10240xf32, #tpu.memory_space<vmem_shared>> -> memref<640xf32, #tpu.memory_space<vmem_shared>>
      tpu.enqueue_dma source(%dma_start3A_51 : memref<640xf32, #tpu.memory_space<vmem_shared>>) target(%arg13 : memref<640xf32, #tpu.memory_space<vmem>>) target_semaphore(%run_scoped3A : memref<!tpu.dma_semaphore, #tpu.memory_space<semaphore_mem>>)
      %dma_wait3A_52 = tpu.memref_slice %arg14[%mul3A_38] : memref<10240xf32, #tpu.memory_space<vmem_shared>> -> memref<640xf32, #tpu.memory_space<vmem_shared>>
      %dma_wait3A_53 = tpu.memref_slice %arg14[%mul3A_38] : memref<10240xf32, #tpu.memory_space<vmem_shared>> -> memref<640xf32, #tpu.memory_space<vmem_shared>>
      tpu.wait_dma2 semaphore(%run_scoped3A : memref<!tpu.dma_semaphore, #tpu.memory_space<semaphore_mem>>) src(%dma_wait3A_53 : memref<640xf32, #tpu.memory_space<vmem_shared>>) dst(%arg13 : memref<640xf32, #tpu.memory_space<vmem>>)
      tpu.yield
    }) : () -> ()
    %mul3A_39 = arith.constant 10240 : i32
    %mul3A_40 = arith.muli %arg0, %mul3A_39 : i32
    %mul3A_41 = arith.constant 640 : i32
    %mul3A_42 = arith.muli %arg1, %mul3A_41 : i32
    %add3A_43 = arith.addi %mul3A_40, %mul3A_42 : i32
    "tpu.region"() ({
      %run_scoped3A = tpu.sem_alloc : memref<!tpu.dma_semaphore, #tpu.memory_space<semaphore_mem>>
      %dma_start3A = tpu.memref_slice %arg4[%add3A_43] : memref<20480xf32, #tpu.memory_space<hbm>> -> memref<640xf32, #tpu.memory_space<hbm>>
      %dma_start3A_51 = tpu.memref_slice %arg4[%add3A_43] : memref<20480xf32, #tpu.memory_space<hbm>> -> memref<640xf32, #tpu.memory_space<hbm>>
      tpu.enqueue_dma source(%arg13 : memref<640xf32, #tpu.memory_space<vmem>>) target(%dma_start3A_51 : memref<640xf32, #tpu.memory_space<hbm>>) target_semaphore(%run_scoped3A : memref<!tpu.dma_semaphore, #tpu.memory_space<semaphore_mem>>)
      %dma_wait3A_52 = tpu.memref_slice %arg4[%add3A_43] : memref<20480xf32, #tpu.memory_space<hbm>> -> memref<640xf32, #tpu.memory_space<hbm>>
      %dma_wait3A_53 = tpu.memref_slice %arg4[%add3A_43] : memref<20480xf32, #tpu.memory_space<hbm>> -> memref<640xf32, #tpu.memory_space<hbm>>
      tpu.wait_dma2 semaphore(%run_scoped3A : memref<!tpu.dma_semaphore, #tpu.memory_space<semaphore_mem>>) src(%arg13 : memref<640xf32, #tpu.memory_space<vmem>>) dst(%dma_wait3A_53 : memref<640xf32, #tpu.memory_space<hbm>>)
      tpu.yield
    }) : () -> ()
    %mul3A_44 = arith.constant 320 : i32
    %mul3A_45 = arith.muli %arg1, %mul3A_44 : i32
    "tpu.region"() ({
      %run_scoped3A = tpu.sem_alloc : memref<!tpu.dma_semaphore, #tpu.memory_space<semaphore_mem>>
      %dma_start3A = arith.constant 0 : i32
      %dma_start3A_51 = tpu.memref_slice %arg13[%dma_start3A] : memref<640xf32, #tpu.memory_space<vmem>> -> memref<320xf32, #tpu.memory_space<vmem>>
      %dma_start3A_52 = tpu.memref_slice %arg15[%mul3A_45] : memref<5120xf32, #tpu.memory_space<vmem_shared>> -> memref<320xf32, #tpu.memory_space<vmem_shared>>
      %dma_start3A_53 = arith.constant 0 : i32
      %dma_start3A_54 = tpu.memref_slice %arg13[%dma_start3A_53] : memref<640xf32, #tpu.memory_space<vmem>> -> memref<320xf32, #tpu.memory_space<vmem>>
      %dma_start3A_55 = tpu.memref_slice %arg15[%mul3A_45] : memref<5120xf32, #tpu.memory_space<vmem_shared>> -> memref<320xf32, #tpu.memory_space<vmem_shared>>
      tpu.enqueue_dma source(%dma_start3A_55 : memref<320xf32, #tpu.memory_space<vmem_shared>>) target(%dma_start3A_54 : memref<320xf32, #tpu.memory_space<vmem>>) target_semaphore(%run_scoped3A : memref<!tpu.dma_semaphore, #tpu.memory_space<semaphore_mem>>)
      %dma_wait3A_56 = arith.constant 0 : i32
      %dma_wait3A_57 = tpu.memref_slice %arg13[%dma_wait3A_56] : memref<640xf32, #tpu.memory_space<vmem>> -> memref<320xf32, #tpu.memory_space<vmem>>
      %dma_wait3A_58 = tpu.memref_slice %arg15[%mul3A_45] : memref<5120xf32, #tpu.memory_space<vmem_shared>> -> memref<320xf32, #tpu.memory_space<vmem_shared>>
      %dma_wait3A_59 = arith.constant 0 : i32
      %dma_wait3A_60 = tpu.memref_slice %arg13[%dma_wait3A_59] : memref<640xf32, #tpu.memory_space<vmem>> -> memref<320xf32, #tpu.memory_space<vmem>>
      %dma_wait3A_61 = tpu.memref_slice %arg15[%mul3A_45] : memref<5120xf32, #tpu.memory_space<vmem_shared>> -> memref<320xf32, #tpu.memory_space<vmem_shared>>
      tpu.wait_dma2 semaphore(%run_scoped3A : memref<!tpu.dma_semaphore, #tpu.memory_space<semaphore_mem>>) src(%dma_wait3A_61 : memref<320xf32, #tpu.memory_space<vmem_shared>>) dst(%dma_wait3A_60 : memref<320xf32, #tpu.memory_space<vmem>>)
      tpu.yield
    }) : () -> ()
    %mul3A_46 = arith.constant 5120 : i32
    %mul3A_47 = arith.muli %arg0, %mul3A_46 : i32
    %mul3A_48 = arith.constant 320 : i32
    %mul3A_49 = arith.muli %arg1, %mul3A_48 : i32
    %add3A_50 = arith.addi %mul3A_47, %mul3A_49 : i32
    "tpu.region"() ({
      %run_scoped3A = tpu.sem_alloc : memref<!tpu.dma_semaphore, #tpu.memory_space<semaphore_mem>>
      %dma_start3A = arith.constant 0 : i32
      %dma_start3A_51 = tpu.memref_slice %arg13[%dma_start3A] : memref<640xf32, #tpu.memory_space<vmem>> -> memref<320xf32, #tpu.memory_space<vmem>>
      %dma_start3A_52 = tpu.memref_slice %arg5[%add3A_50] : memref<10240xf32, #tpu.memory_space<hbm>> -> memref<320xf32, #tpu.memory_space<hbm>>
      %dma_start3A_53 = tpu.memref_slice %arg5[%add3A_50] : memref<10240xf32, #tpu.memory_space<hbm>> -> memref<320xf32, #tpu.memory_space<hbm>>
      %dma_start3A_54 = arith.constant 0 : i32
      %dma_start3A_55 = tpu.memref_slice %arg13[%dma_start3A_54] : memref<640xf32, #tpu.memory_space<vmem>> -> memref<320xf32, #tpu.memory_space<vmem>>
      tpu.enqueue_dma source(%dma_start3A_55 : memref<320xf32, #tpu.memory_space<vmem>>) target(%dma_start3A_53 : memref<320xf32, #tpu.memory_space<hbm>>) target_semaphore(%run_scoped3A : memref<!tpu.dma_semaphore, #tpu.memory_space<semaphore_mem>>)
      %dma_wait3A_56 = arith.constant 0 : i32
      %dma_wait3A_57 = tpu.memref_slice %arg13[%dma_wait3A_56] : memref<640xf32, #tpu.memory_space<vmem>> -> memref<320xf32, #tpu.memory_space<vmem>>
      %dma_wait3A_58 = tpu.memref_slice %arg5[%add3A_50] : memref<10240xf32, #tpu.memory_space<hbm>> -> memref<320xf32, #tpu.memory_space<hbm>>
      %dma_wait3A_59 = tpu.memref_slice %arg5[%add3A_50] : memref<10240xf32, #tpu.memory_space<hbm>> -> memref<320xf32, #tpu.memory_space<hbm>>
      %dma_wait3A_60 = arith.constant 0 : i32
      %dma_wait3A_61 = tpu.memref_slice %arg13[%dma_wait3A_60] : memref<640xf32, #tpu.memory_space<vmem>> -> memref<320xf32, #tpu.memory_space<vmem>>
      tpu.wait_dma2 semaphore(%run_scoped3A : memref<!tpu.dma_semaphore, #tpu.memory_space<semaphore_mem>>) src(%dma_wait3A_61 : memref<320xf32, #tpu.memory_space<vmem>>) dst(%dma_wait3A_59 : memref<320xf32, #tpu.memory_space<hbm>>)
      tpu.yield
    }) : () -> ()
    return
  }
}

#map = affine_map<(d0, d1) -> (0, 0)>
#map1 = affine_map<(d0, d1) -> (0)>
#map2 = affine_map<(d0, d1) -> (0, 0, 0)>
module attributes {stable_mosaic.version = 14 : i64} {
  func.func @agg(%arg0: i32, %arg1: i32, %arg2: memref<10000x128xf32, #tpu.memory_space<hbm>>, %arg3: memref<320000xi32, #tpu.memory_space<hbm>>, %arg4: memref<320000xi32, #tpu.memory_space<hbm>>, %arg5: memref<2x5008x128xf32, #tpu.memory_space<hbm>>, %arg6: memref<10000xi32, #tpu.memory_space<vmem>>, %arg7: memref<10000xi32, #tpu.memory_space<vmem>>, %arg8: memref<80xi32, #tpu.memory_space<vmem>>, %arg9: memref<80xi32, #tpu.memory_space<vmem>>, %arg10: memref<80xi32, #tpu.memory_space<vmem>>, %arg11: memref<80xi32, #tpu.memory_space<vmem>>, %arg12: memref<80x128xf32, #tpu.memory_space<vmem>>, %arg13: memref<80x128xf32, #tpu.memory_space<vmem>>, %arg14: memref<5008x128xf32, #tpu.memory_space<vmem_shared>>, %arg15: memref<!tpu.dma_semaphore, #tpu.memory_space<semaphore_mem>>, %arg16: memref<!tpu.dma_semaphore, #tpu.memory_space<semaphore_mem>>, %arg17: memref<!tpu.dma_semaphore, #tpu.memory_space<semaphore_mem>>, %arg18: memref<!tpu.dma_semaphore, #tpu.memory_space<semaphore_mem>>) attributes {dimension_semantics = [#tpu.dimension_semantics<core_parallel>, #tpu.dimension_semantics<subcore_parallel>], iteration_bounds = array<i64: 2, 16>, scalar_prefetch = 0 : i64, scratch_operands = 13 : i64, tpu.core_type = #tpu.core_type<sc_vector_subcore>, window_params = [{transform_indices = #map}, {transform_indices = #map1}, {transform_indices = #map1}, {transform_indices = #map2}]} {
    %mul3A = arith.constant 2 : i32
    %mul3A_0 = arith.muli %arg1, %mul3A : i32
    %add3A = arith.addi %mul3A_0, %arg0 : i32
    %mul3A_1 = arith.constant 10000 : i32
    %mul3A_2 = arith.muli %add3A, %mul3A_1 : i32
    "tpu.region"() ({
      %run_scoped3A = tpu.sem_alloc : memref<!tpu.dma_semaphore, #tpu.memory_space<semaphore_mem>>
      %dma_start3A_56 = tpu.memref_slice %arg3[%mul3A_2] : memref<320000xi32, #tpu.memory_space<hbm>> -> memref<10000xi32, #tpu.memory_space<hbm>>
      %dma_start3A_57 = tpu.memref_slice %arg3[%mul3A_2] : memref<320000xi32, #tpu.memory_space<hbm>> -> memref<10000xi32, #tpu.memory_space<hbm>>
      tpu.enqueue_dma source(%dma_start3A_57 : memref<10000xi32, #tpu.memory_space<hbm>>) target(%arg6 : memref<10000xi32, #tpu.memory_space<vmem>>) target_semaphore(%run_scoped3A : memref<!tpu.dma_semaphore, #tpu.memory_space<semaphore_mem>>)
      %dma_wait3A_58 = tpu.memref_slice %arg3[%mul3A_2] : memref<320000xi32, #tpu.memory_space<hbm>> -> memref<10000xi32, #tpu.memory_space<hbm>>
      %dma_wait3A_59 = tpu.memref_slice %arg3[%mul3A_2] : memref<320000xi32, #tpu.memory_space<hbm>> -> memref<10000xi32, #tpu.memory_space<hbm>>
      tpu.wait_dma2 semaphore(%run_scoped3A : memref<!tpu.dma_semaphore, #tpu.memory_space<semaphore_mem>>) src(%dma_wait3A_59 : memref<10000xi32, #tpu.memory_space<hbm>>) dst(%arg6 : memref<10000xi32, #tpu.memory_space<vmem>>)
      tpu.yield
    }) : () -> ()
    %mul3A_3 = arith.constant 10000 : i32
    %mul3A_4 = arith.muli %add3A, %mul3A_3 : i32
    "tpu.region"() ({
      %run_scoped3A = tpu.sem_alloc : memref<!tpu.dma_semaphore, #tpu.memory_space<semaphore_mem>>
      %dma_start3A_56 = tpu.memref_slice %arg4[%mul3A_4] : memref<320000xi32, #tpu.memory_space<hbm>> -> memref<10000xi32, #tpu.memory_space<hbm>>
      %dma_start3A_57 = tpu.memref_slice %arg4[%mul3A_4] : memref<320000xi32, #tpu.memory_space<hbm>> -> memref<10000xi32, #tpu.memory_space<hbm>>
      tpu.enqueue_dma source(%dma_start3A_57 : memref<10000xi32, #tpu.memory_space<hbm>>) target(%arg7 : memref<10000xi32, #tpu.memory_space<vmem>>) target_semaphore(%run_scoped3A : memref<!tpu.dma_semaphore, #tpu.memory_space<semaphore_mem>>)
      %dma_wait3A_58 = tpu.memref_slice %arg4[%mul3A_4] : memref<320000xi32, #tpu.memory_space<hbm>> -> memref<10000xi32, #tpu.memory_space<hbm>>
      %dma_wait3A_59 = tpu.memref_slice %arg4[%mul3A_4] : memref<320000xi32, #tpu.memory_space<hbm>> -> memref<10000xi32, #tpu.memory_space<hbm>>
      tpu.wait_dma2 semaphore(%run_scoped3A : memref<!tpu.dma_semaphore, #tpu.memory_space<semaphore_mem>>) src(%dma_wait3A_59 : memref<10000xi32, #tpu.memory_space<hbm>>) dst(%arg7 : memref<10000xi32, #tpu.memory_space<vmem>>)
      tpu.yield
    }) : () -> ()
    %scan3A = arith.constant 0 : i32
    %scan3A_5 = arith.constant 0 : i32
    %scan3A_6 = arith.constant 5 : i32
    %scan3A_7 = arith.addi %scan3A_5, %scan3A_6 : i32
    %scan3A_8 = arith.constant 1 : i32
    %scan3A_9 = scf.for %scan3A_56 = %scan3A_5 to %scan3A_7 step %scan3A_8 iter_args(%scan3A_57 = %scan3A) -> (i32)  : i32 {
      %mul3A_58 = arith.constant 16 : i32
      %mul3A_59 = arith.muli %scan3A_56, %mul3A_58 : i32
      %add3A_60 = arith.constant 0 : i32
      %add3A_61 = arith.addi %add3A_60, %mul3A_59 : i32
      %get3A = arith.index_cast %add3A_61 : i32 to index
      %get3A_62 = tpu.vector_load %arg6[%get3A] {strides = array<i32>} : memref<10000xi32, #tpu.memory_space<vmem>>, vector<16xi32>,
      %get3A_63 = vector.shape_cast %get3A_62 : vector<16xi32> to vector<16xi32>
      %mul3A_64 = arith.constant 16 : i32
      %mul3A_65 = arith.muli %scan3A_56, %mul3A_64 : i32
      %swap3A = arith.index_cast %mul3A_65 : i32 to index
      %swap3A_66 = tpu.vector_load %arg8[%swap3A] {strides = array<i32>} : memref<80xi32, #tpu.memory_space<vmem>>, vector<16xi32>,
      %swap3A_67 = vector.shape_cast %swap3A_66 : vector<16xi32> to vector<16xi32>
      %swap3A_68 = vector.shape_cast %get3A_63 : vector<16xi32> to vector<16xi32>
      tpu.vector_store %arg8[%swap3A], %swap3A_68 {strides = array<i32>} : memref<80xi32, #tpu.memory_space<vmem>>, vector<16xi32>,
      %scan3A_69 = arith.constant 0 : i32
      scf.yield %scan3A_69 : i32
    }
    %scan3A_10 = arith.constant 5 : i32
    %scan3A_11 = arith.constant 0 : i32
    %scan3A_12 = arith.constant 0 : i32
    %scan3A_13 = arith.constant 5 : i32
    %scan3A_14 = arith.addi %scan3A_12, %scan3A_13 : i32
    %scan3A_15 = arith.constant 1 : i32
    %scan3A_16 = scf.for %scan3A_56 = %scan3A_12 to %scan3A_14 step %scan3A_15 iter_args(%scan3A_57 = %scan3A_11) -> (i32)  : i32 {
      %mul3A_58 = arith.constant 16 : i32
      %mul3A_59 = arith.muli %scan3A_56, %mul3A_58 : i32
      %add3A_60 = arith.constant 0 : i32
      %add3A_61 = arith.addi %add3A_60, %mul3A_59 : i32
      %get3A = arith.index_cast %add3A_61 : i32 to index
      %get3A_62 = tpu.vector_load %arg7[%get3A] {strides = array<i32>} : memref<10000xi32, #tpu.memory_space<vmem>>, vector<16xi32>,
      %get3A_63 = vector.shape_cast %get3A_62 : vector<16xi32> to vector<16xi32>
      %mul3A_64 = arith.constant 16 : i32
      %mul3A_65 = arith.muli %scan3A_56, %mul3A_64 : i32
      %swap3A = arith.index_cast %mul3A_65 : i32 to index
      %swap3A_66 = tpu.vector_load %arg10[%swap3A] {strides = array<i32>} : memref<80xi32, #tpu.memory_space<vmem>>, vector<16xi32>,
      %swap3A_67 = vector.shape_cast %swap3A_66 : vector<16xi32> to vector<16xi32>
      %swap3A_68 = vector.shape_cast %get3A_63 : vector<16xi32> to vector<16xi32>
      tpu.vector_store %arg10[%swap3A], %swap3A_68 {strides = array<i32>} : memref<80xi32, #tpu.memory_space<vmem>>, vector<16xi32>,
      %scan3A_69 = arith.constant 0 : i32
      scf.yield %scan3A_69 : i32
    }
    %scan3A_17 = arith.constant 5 : i32
    %dma_start3A = arith.constant 0 : i32
    %dma_start3A_18 = arith.constant 0 : i32
    %dma_start3A_19 = tpu.memref_slice %arg2[%dma_start3A, %dma_start3A_18] : memref<10000x128xf32, #tpu.memory_space<hbm>> -> memref<10000x128xf32, #tpu.memory_space<hbm>>
    tpu.enqueue_indirect_dma source(%dma_start3A_19 : memref<10000x128xf32, #tpu.memory_space<hbm>>) target(%arg12 : memref<80x128xf32, #tpu.memory_space<vmem>>) offsets(%arg8 : memref<80xi32, #tpu.memory_space<vmem>>) semaphore(%arg15 : memref<!tpu.dma_semaphore, #tpu.memory_space<semaphore_mem>>)
    %scan3A_20 = arith.constant 0 : i32
    %scan3A_21 = arith.constant 0 : i32
    %scan3A_22 = arith.constant 640 : i32
    %scan3A_23 = arith.addi %scan3A_21, %scan3A_22 : i32
    %scan3A_24 = arith.constant 1 : i32
    %scan3A_25 = scf.for %scan3A_56 = %scan3A_21 to %scan3A_23 step %scan3A_24 iter_args(%scan3A_57 = %scan3A_20) -> (i32)  : i32 {
      %jit3A = arith.constant 8 : i32
      %div3A = arith.divsi %scan3A_56, %jit3A : i32
      %sign3A = arith.constant 0 : i32
      %sign3A_58 = arith.cmpi sgt, %scan3A_56, %sign3A : i32
      %sign3A_59 = arith.extui %sign3A_58 : i1 to i32
      %sign3A_60 = arith.constant 0 : i32
      %sign3A_61 = arith.cmpi slt, %scan3A_56, %sign3A_60 : i32
      %sign3A_62 = arith.extui %sign3A_61 : i1 to i32
      %sign3A_63 = arith.subi %sign3A_59, %sign3A_62 : i32
      %sign3A_64 = arith.constant 0 : i32
      %sign3A_65 = arith.cmpi sgt, %jit3A, %sign3A_64 : i32
      %sign3A_66 = arith.extui %sign3A_65 : i1 to i32
      %sign3A_67 = arith.constant 0 : i32
      %sign3A_68 = arith.cmpi slt, %jit3A, %sign3A_67 : i32
      %sign3A_69 = arith.extui %sign3A_68 : i1 to i32
      %sign3A_70 = arith.subi %sign3A_66, %sign3A_69 : i32
      %ne3A = arith.cmpi ne, %sign3A_63, %sign3A_70 : i32
      %rem3A = arith.remsi %scan3A_56, %jit3A : i32
      %ne3A_71 = arith.constant 0 : i32
      %ne3A_72 = arith.cmpi ne, %rem3A, %ne3A_71 : i32
      %and3A = arith.andi %ne3A, %ne3A_72 : i1
      %sub3A = arith.constant 1 : i32
      %sub3A_73 = arith.subi %div3A, %sub3A : i32
      %select_n3A = arith.select %and3A, %sub3A_73, %div3A : i32
      %jit3A_74 = arith.constant 8 : i32
      %eq3A_75 = arith.constant 0 : i32
      %eq3A_76 = arith.cmpi eq, %jit3A_74, %eq3A_75 : i32
      %jit3A_77 = arith.constant 1 : i32
      %select_n3A_78 = arith.select %eq3A_76, %jit3A_77, %jit3A_74 : i32
      %rem3A_79 = arith.remsi %scan3A_56, %select_n3A_78 : i32
      %ne3A_80 = arith.constant 0 : i32
      %ne3A_81 = arith.cmpi ne, %rem3A_79, %ne3A_80 : i32
      %lt3A_82 = arith.constant 0 : i32
      %lt3A_83 = arith.cmpi slt, %rem3A_79, %lt3A_82 : i32
      %lt3A_84 = arith.constant 0 : i32
      %lt3A_85 = arith.cmpi slt, %select_n3A_78, %lt3A_84 : i32
      %ne3A_86 = arith.xori %lt3A_83, %lt3A_85 : i1
      %and3A_87 = arith.andi %ne3A_86, %ne3A_81 : i1
      %add3A_88 = arith.addi %rem3A_79, %select_n3A_78 : i32
      %select_n3A_89 = arith.select %and3A_87, %add3A_88, %rem3A_79 : i32
      %broadcast_in_dim3A = arith.constant 0.000000e+00 : f32
      %broadcast_in_dim3A_90 = vector.broadcast %broadcast_in_dim3A : f32 to vector<16xf32>
      %mul3A_91 = arith.constant 16 : i32
      %mul3A_92 = arith.muli %select_n3A_89, %mul3A_91 : i32
      %swap3A = arith.index_cast %select_n3A : i32 to index
      %swap3A_93 = arith.index_cast %mul3A_92 : i32 to index
      %swap3A_94 = tpu.vector_load %arg13[%swap3A, %swap3A_93] {strides = array<i32>} : memref<80x128xf32, #tpu.memory_space<vmem>>, vector<1x16xf32>,
      %swap3A_95 = vector.shape_cast %swap3A_94 : vector<1x16xf32> to vector<16xf32>
      %swap3A_96 = vector.shape_cast %broadcast_in_dim3A_90 : vector<16xf32> to vector<1x16xf32>
      tpu.vector_store %arg13[%swap3A, %swap3A_93], %swap3A_96 {strides = array<i32>} : memref<80x128xf32, #tpu.memory_space<vmem>>, vector<1x16xf32>,
      %scan3A_97 = arith.constant 0 : i32
      scf.yield %scan3A_97 : i32
    }
    %scan3A_26 = arith.constant 640 : i32
    %lt3A = arith.constant 15 : i32
    %lt3A_27 = arith.cmpi slt, %arg1, %lt3A : i32
    %convert_element_type3A = arith.extui %lt3A_27 : i1 to i32
    %cond3A = arith.constant 0 : i32
    %cond3A_28 = arith.cmpi ne, %convert_element_type3A, %cond3A : i32
    scf.if %cond3A_28 {
      %mul3A_56 = arith.constant 320 : i32
      %mul3A_57 = arith.muli %arg1, %mul3A_56 : i32
      %scan3A_58 = arith.constant 0 : i32
      %scan3A_59 = arith.constant 0 : i32
      %scan3A_60 = arith.constant 4 : i32
      %scan3A_61 = arith.addi %scan3A_59, %scan3A_60 : i32
      %scan3A_62 = arith.constant 1 : i32
      %scan3A_63 = scf.for %scan3A_65 = %scan3A_59 to %scan3A_61 step %scan3A_62 iter_args(%scan3A_66 = %scan3A_58) -> (i32)  : i32 {
        %mul3A_67 = arith.constant 80 : i32
        %mul3A_68 = arith.muli %scan3A_65, %mul3A_67 : i32
        %add3A_69 = arith.addi %mul3A_57, %mul3A_68 : i32
        "tpu.region"() ({
          %run_scoped3A = tpu.sem_alloc : memref<!tpu.dma_semaphore, #tpu.memory_space<semaphore_mem>>
          %dma_start3A_71 = arith.constant 0 : i32
          %dma_start3A_72 = arith.constant 0 : i32
          %dma_start3A_73 = tpu.memref_slice %arg13[%dma_start3A_71, %dma_start3A_72] : memref<80x128xf32, #tpu.memory_space<vmem>> -> memref<80x128xf32, #tpu.memory_space<vmem>>
          %dma_start3A_74 = arith.constant 0 : i32
          %dma_start3A_75 = tpu.memref_slice %arg14[%add3A_69, %dma_start3A_74] : memref<5008x128xf32, #tpu.memory_space<vmem_shared>> -> memref<80x128xf32, #tpu.memory_space<vmem_shared>>
          %dma_start3A_76 = arith.constant 0 : i32
          %dma_start3A_77 = tpu.memref_slice %arg14[%add3A_69, %dma_start3A_76] : memref<5008x128xf32, #tpu.memory_space<vmem_shared>> -> memref<80x128xf32, #tpu.memory_space<vmem_shared>>
          %dma_start3A_78 = arith.constant 0 : i32
          %dma_start3A_79 = arith.constant 0 : i32
          %dma_start3A_80 = tpu.memref_slice %arg13[%dma_start3A_78, %dma_start3A_79] : memref<80x128xf32, #tpu.memory_space<vmem>> -> memref<80x128xf32, #tpu.memory_space<vmem>>
          tpu.enqueue_dma source(%dma_start3A_80 : memref<80x128xf32, #tpu.memory_space<vmem>>) target(%dma_start3A_77 : memref<80x128xf32, #tpu.memory_space<vmem_shared>>) target_semaphore(%run_scoped3A : memref<!tpu.dma_semaphore, #tpu.memory_space<semaphore_mem>>)
          %dma_wait3A_81 = arith.constant 0 : i32
          %dma_wait3A_82 = arith.constant 0 : i32
          %dma_wait3A_83 = tpu.memref_slice %arg13[%dma_wait3A_81, %dma_wait3A_82] : memref<80x128xf32, #tpu.memory_space<vmem>> -> memref<80x128xf32, #tpu.memory_space<vmem>>
          %dma_wait3A_84 = arith.constant 0 : i32
          %dma_wait3A_85 = tpu.memref_slice %arg14[%add3A_69, %dma_wait3A_84] : memref<5008x128xf32, #tpu.memory_space<vmem_shared>> -> memref<80x128xf32, #tpu.memory_space<vmem_shared>>
          %dma_wait3A_86 = arith.constant 0 : i32
          %dma_wait3A_87 = tpu.memref_slice %arg14[%add3A_69, %dma_wait3A_86] : memref<5008x128xf32, #tpu.memory_space<vmem_shared>> -> memref<80x128xf32, #tpu.memory_space<vmem_shared>>
          %dma_wait3A_88 = arith.constant 0 : i32
          %dma_wait3A_89 = arith.constant 0 : i32
          %dma_wait3A_90 = tpu.memref_slice %arg13[%dma_wait3A_88, %dma_wait3A_89] : memref<80x128xf32, #tpu.memory_space<vmem>> -> memref<80x128xf32, #tpu.memory_space<vmem>>
          tpu.wait_dma2 semaphore(%run_scoped3A : memref<!tpu.dma_semaphore, #tpu.memory_space<semaphore_mem>>) src(%dma_wait3A_90 : memref<80x128xf32, #tpu.memory_space<vmem>>) dst(%dma_wait3A_87 : memref<80x128xf32, #tpu.memory_space<vmem_shared>>)
          tpu.yield
        }) : () -> ()
        %scan3A_70 = arith.constant 0 : i32
        scf.yield %scan3A_70 : i32
      }
      %scan3A_64 = arith.constant 4 : i32
    } else {
    }
    %eq3A = arith.constant 15 : i32
    %eq3A_29 = arith.cmpi eq, %arg1, %eq3A : i32
    %convert_element_type3A_30 = arith.extui %eq3A_29 : i1 to i32
    %cond3A_31 = arith.constant 0 : i32
    %cond3A_32 = arith.cmpi ne, %convert_element_type3A_30, %cond3A_31 : i32
    scf.if %cond3A_32 {
      %scan3A_56 = arith.constant 0 : i32
      %scan3A_57 = arith.constant 0 : i32
      %scan3A_58 = arith.constant 2 : i32
      %scan3A_59 = arith.addi %scan3A_57, %scan3A_58 : i32
      %scan3A_60 = arith.constant 1 : i32
      %scan3A_61 = scf.for %scan3A_63 = %scan3A_57 to %scan3A_59 step %scan3A_60 iter_args(%scan3A_64 = %scan3A_56) -> (i32)  : i32 {
        %mul3A_65 = arith.constant 80 : i32
        %mul3A_66 = arith.muli %scan3A_63, %mul3A_65 : i32
        %add3A_67 = arith.constant 4800 : i32
        %add3A_68 = arith.addi %add3A_67, %mul3A_66 : i32
        "tpu.region"() ({
          %run_scoped3A = tpu.sem_alloc : memref<!tpu.dma_semaphore, #tpu.memory_space<semaphore_mem>>
          %dma_start3A_70 = arith.constant 0 : i32
          %dma_start3A_71 = arith.constant 0 : i32
          %dma_start3A_72 = tpu.memref_slice %arg13[%dma_start3A_70, %dma_start3A_71] : memref<80x128xf32, #tpu.memory_space<vmem>> -> memref<80x128xf32, #tpu.memory_space<vmem>>
          %dma_start3A_73 = arith.constant 0 : i32
          %dma_start3A_74 = tpu.memref_slice %arg14[%add3A_68, %dma_start3A_73] : memref<5008x128xf32, #tpu.memory_space<vmem_shared>> -> memref<80x128xf32, #tpu.memory_space<vmem_shared>>
          %dma_start3A_75 = arith.constant 0 : i32
          %dma_start3A_76 = tpu.memref_slice %arg14[%add3A_68, %dma_start3A_75] : memref<5008x128xf32, #tpu.memory_space<vmem_shared>> -> memref<80x128xf32, #tpu.memory_space<vmem_shared>>
          %dma_start3A_77 = arith.constant 0 : i32
          %dma_start3A_78 = arith.constant 0 : i32
          %dma_start3A_79 = tpu.memref_slice %arg13[%dma_start3A_77, %dma_start3A_78] : memref<80x128xf32, #tpu.memory_space<vmem>> -> memref<80x128xf32, #tpu.memory_space<vmem>>
          tpu.enqueue_dma source(%dma_start3A_79 : memref<80x128xf32, #tpu.memory_space<vmem>>) target(%dma_start3A_76 : memref<80x128xf32, #tpu.memory_space<vmem_shared>>) target_semaphore(%run_scoped3A : memref<!tpu.dma_semaphore, #tpu.memory_space<semaphore_mem>>)
          %dma_wait3A_80 = arith.constant 0 : i32
          %dma_wait3A_81 = arith.constant 0 : i32
          %dma_wait3A_82 = tpu.memref_slice %arg13[%dma_wait3A_80, %dma_wait3A_81] : memref<80x128xf32, #tpu.memory_space<vmem>> -> memref<80x128xf32, #tpu.memory_space<vmem>>
          %dma_wait3A_83 = arith.constant 0 : i32
          %dma_wait3A_84 = tpu.memref_slice %arg14[%add3A_68, %dma_wait3A_83] : memref<5008x128xf32, #tpu.memory_space<vmem_shared>> -> memref<80x128xf32, #tpu.memory_space<vmem_shared>>
          %dma_wait3A_85 = arith.constant 0 : i32
          %dma_wait3A_86 = tpu.memref_slice %arg14[%add3A_68, %dma_wait3A_85] : memref<5008x128xf32, #tpu.memory_space<vmem_shared>> -> memref<80x128xf32, #tpu.memory_space<vmem_shared>>
          %dma_wait3A_87 = arith.constant 0 : i32
          %dma_wait3A_88 = arith.constant 0 : i32
          %dma_wait3A_89 = tpu.memref_slice %arg13[%dma_wait3A_87, %dma_wait3A_88] : memref<80x128xf32, #tpu.memory_space<vmem>> -> memref<80x128xf32, #tpu.memory_space<vmem>>
          tpu.wait_dma2 semaphore(%run_scoped3A : memref<!tpu.dma_semaphore, #tpu.memory_space<semaphore_mem>>) src(%dma_wait3A_89 : memref<80x128xf32, #tpu.memory_space<vmem>>) dst(%dma_wait3A_86 : memref<80x128xf32, #tpu.memory_space<vmem_shared>>)
          tpu.yield
        }) : () -> ()
        %scan3A_69 = arith.constant 0 : i32
        scf.yield %scan3A_69 : i32
      }
      %scan3A_62 = arith.constant 2 : i32
      "tpu.region"() ({
        %run_scoped3A = tpu.sem_alloc : memref<!tpu.dma_semaphore, #tpu.memory_space<semaphore_mem>>
        %dma_start3A_63 = arith.constant 0 : i32
        %dma_start3A_64 = arith.constant 0 : i32
        %dma_start3A_65 = tpu.memref_slice %arg13[%dma_start3A_63, %dma_start3A_64] : memref<80x128xf32, #tpu.memory_space<vmem>> -> memref<48x128xf32, #tpu.memory_space<vmem>>
        %dma_start3A_66 = arith.constant 4960 : i32
        %dma_start3A_67 = arith.constant 0 : i32
        %dma_start3A_68 = tpu.memref_slice %arg14[%dma_start3A_66, %dma_start3A_67] : memref<5008x128xf32, #tpu.memory_space<vmem_shared>> -> memref<48x128xf32, #tpu.memory_space<vmem_shared>>
        %dma_start3A_69 = arith.constant 4960 : i32
        %dma_start3A_70 = arith.constant 0 : i32
        %dma_start3A_71 = tpu.memref_slice %arg14[%dma_start3A_69, %dma_start3A_70] : memref<5008x128xf32, #tpu.memory_space<vmem_shared>> -> memref<48x128xf32, #tpu.memory_space<vmem_shared>>
        %dma_start3A_72 = arith.constant 0 : i32
        %dma_start3A_73 = arith.constant 0 : i32
        %dma_start3A_74 = tpu.memref_slice %arg13[%dma_start3A_72, %dma_start3A_73] : memref<80x128xf32, #tpu.memory_space<vmem>> -> memref<48x128xf32, #tpu.memory_space<vmem>>
        tpu.enqueue_dma source(%dma_start3A_74 : memref<48x128xf32, #tpu.memory_space<vmem>>) target(%dma_start3A_71 : memref<48x128xf32, #tpu.memory_space<vmem_shared>>) target_semaphore(%run_scoped3A : memref<!tpu.dma_semaphore, #tpu.memory_space<semaphore_mem>>)
        %dma_wait3A_75 = arith.constant 0 : i32
        %dma_wait3A_76 = arith.constant 0 : i32
        %dma_wait3A_77 = tpu.memref_slice %arg13[%dma_wait3A_75, %dma_wait3A_76] : memref<80x128xf32, #tpu.memory_space<vmem>> -> memref<48x128xf32, #tpu.memory_space<vmem>>
        %dma_wait3A_78 = arith.constant 4960 : i32
        %dma_wait3A_79 = arith.constant 0 : i32
        %dma_wait3A_80 = tpu.memref_slice %arg14[%dma_wait3A_78, %dma_wait3A_79] : memref<5008x128xf32, #tpu.memory_space<vmem_shared>> -> memref<48x128xf32, #tpu.memory_space<vmem_shared>>
        %dma_wait3A_81 = arith.constant 4960 : i32
        %dma_wait3A_82 = arith.constant 0 : i32
        %dma_wait3A_83 = tpu.memref_slice %arg14[%dma_wait3A_81, %dma_wait3A_82] : memref<5008x128xf32, #tpu.memory_space<vmem_shared>> -> memref<48x128xf32, #tpu.memory_space<vmem_shared>>
        %dma_wait3A_84 = arith.constant 0 : i32
        %dma_wait3A_85 = arith.constant 0 : i32
        %dma_wait3A_86 = tpu.memref_slice %arg13[%dma_wait3A_84, %dma_wait3A_85] : memref<80x128xf32, #tpu.memory_space<vmem>> -> memref<48x128xf32, #tpu.memory_space<vmem>>
        tpu.wait_dma2 semaphore(%run_scoped3A : memref<!tpu.dma_semaphore, #tpu.memory_space<semaphore_mem>>) src(%dma_wait3A_86 : memref<48x128xf32, #tpu.memory_space<vmem>>) dst(%dma_wait3A_83 : memref<48x128xf32, #tpu.memory_space<vmem_shared>>)
        tpu.yield
      }) : () -> ()
    } else {
    }
    %barrier3A = arith.constant 0 : index
    tpu.barrier barrier_id(%barrier3A)
    %scan3A_33 = arith.constant 0 : i32
    %scan3A_34 = arith.constant 0 : i32
    %scan3A_35 = arith.constant 125 : i32
    %scan3A_36 = arith.addi %scan3A_34, %scan3A_35 : i32
    %scan3A_37 = arith.constant 1 : i32
    %scan3A_38 = scf.for %scan3A_56 = %scan3A_34 to %scan3A_36 step %scan3A_37 iter_args(%scan3A_57 = %scan3A_33) -> (i32)  : i32 {
      %jit3A = arith.constant 2 : i32
      %eq3A_58 = arith.constant 0 : i32
      %eq3A_59 = arith.cmpi eq, %jit3A, %eq3A_58 : i32
      %jit3A_60 = arith.constant 1 : i32
      %select_n3A = arith.select %eq3A_59, %jit3A_60, %jit3A : i32
      %rem3A = arith.remsi %scan3A_56, %select_n3A : i32
      %ne3A = arith.constant 0 : i32
      %ne3A_61 = arith.cmpi ne, %rem3A, %ne3A : i32
      %lt3A_62 = arith.constant 0 : i32
      %lt3A_63 = arith.cmpi slt, %rem3A, %lt3A_62 : i32
      %lt3A_64 = arith.constant 0 : i32
      %lt3A_65 = arith.cmpi slt, %select_n3A, %lt3A_64 : i32
      %ne3A_66 = arith.xori %lt3A_63, %lt3A_65 : i1
      %and3A = arith.andi %ne3A_66, %ne3A_61 : i1
      %add3A_67 = arith.addi %rem3A, %select_n3A : i32
      %select_n3A_68 = arith.select %and3A, %add3A_67, %rem3A : i32
      %eq3A_69 = arith.constant 0 : i32
      %eq3A_70 = arith.cmpi eq, %select_n3A_68, %eq3A_69 : i32
      %convert_element_type3A_71 = arith.extui %eq3A_70 : i1 to i32
      %cond3A_72 = arith.constant 0 : i32
      %cond3A_73 = arith.cmpi ne, %convert_element_type3A_71, %cond3A_72 : i32
      scf.if %cond3A_73 {
        %add3A_96 = arith.constant 1 : i32
        %add3A_97 = arith.addi %scan3A_56, %add3A_96 : i32
        %lt3A_98 = arith.constant 125 : i32
        %lt3A_99 = arith.cmpi slt, %add3A_97, %lt3A_98 : i32
        %convert_element_type3A_100 = arith.extui %lt3A_99 : i1 to i32
        %cond3A_101 = arith.constant 0 : i32
        %cond3A_102 = arith.cmpi ne, %convert_element_type3A_100, %cond3A_101 : i32
        scf.if %cond3A_102 {
          %ge3A = arith.constant 1 : i32
          %ge3A_109 = arith.cmpi sge, %scan3A_56, %ge3A : i32
          %convert_element_type3A_110 = arith.extui %ge3A_109 : i1 to i32
          %cond3A_111 = arith.constant 0 : i32
          %cond3A_112 = arith.cmpi ne, %convert_element_type3A_110, %cond3A_111 : i32
          scf.if %cond3A_112 {
            %dma_wait3A_134 = arith.constant 0 : i32
            %dma_wait3A_135 = arith.constant 0 : i32
            %dma_wait3A_136 = tpu.memref_slice %arg14[%dma_wait3A_134, %dma_wait3A_135] : memref<5008x128xf32, #tpu.memory_space<vmem_shared>> -> memref<5008x128xf32, #tpu.memory_space<vmem_shared>>
            tpu.wait_indirect_dma semaphore(%arg18 : memref<!tpu.dma_semaphore, #tpu.memory_space<semaphore_mem>>) src(%arg13 : memref<80x128xf32, #tpu.memory_space<vmem>>) dst(%dma_wait3A_136 : memref<5008x128xf32, #tpu.memory_space<vmem_shared>>)
          } else {
          }
          %add3A_113 = arith.constant 1 : i32
          %add3A_114 = arith.addi %scan3A_56, %add3A_113 : i32
          %scan3A_115 = arith.constant 0 : i32
          %scan3A_116 = arith.constant 0 : i32
          %scan3A_117 = arith.constant 5 : i32
          %scan3A_118 = arith.addi %scan3A_116, %scan3A_117 : i32
          %scan3A_119 = arith.constant 1 : i32
          %scan3A_120 = scf.for %scan3A_134 = %scan3A_116 to %scan3A_118 step %scan3A_119 iter_args(%scan3A_135 = %scan3A_115) -> (i32)  : i32 {
            %mul3A_136 = arith.constant 80 : i32
            %mul3A_137 = arith.muli %add3A_114, %mul3A_136 : i32
            %mul3A_138 = arith.constant 16 : i32
            %mul3A_139 = arith.muli %scan3A_134, %mul3A_138 : i32
            %add3A_140 = arith.addi %mul3A_137, %mul3A_139 : i32
            %get3A = arith.index_cast %add3A_140 : i32 to index
            %get3A_141 = tpu.vector_load %arg6[%get3A] {strides = array<i32>} : memref<10000xi32, #tpu.memory_space<vmem>>, vector<16xi32>,
            %get3A_142 = vector.shape_cast %get3A_141 : vector<16xi32> to vector<16xi32>
            %mul3A_143 = arith.constant 16 : i32
            %mul3A_144 = arith.muli %scan3A_134, %mul3A_143 : i32
            %swap3A = arith.index_cast %mul3A_144 : i32 to index
            %swap3A_145 = tpu.vector_load %arg9[%swap3A] {strides = array<i32>} : memref<80xi32, #tpu.memory_space<vmem>>, vector<16xi32>,
            %swap3A_146 = vector.shape_cast %swap3A_145 : vector<16xi32> to vector<16xi32>
            %swap3A_147 = vector.shape_cast %get3A_142 : vector<16xi32> to vector<16xi32>
            tpu.vector_store %arg9[%swap3A], %swap3A_147 {strides = array<i32>} : memref<80xi32, #tpu.memory_space<vmem>>, vector<16xi32>,
            %scan3A_148 = arith.constant 0 : i32
            scf.yield %scan3A_148 : i32
          }
          %scan3A_121 = arith.constant 5 : i32
          %add3A_122 = arith.constant 1 : i32
          %add3A_123 = arith.addi %scan3A_56, %add3A_122 : i32
          %scan3A_124 = arith.constant 0 : i32
          %scan3A_125 = arith.constant 0 : i32
          %scan3A_126 = arith.constant 5 : i32
          %scan3A_127 = arith.addi %scan3A_125, %scan3A_126 : i32
          %scan3A_128 = arith.constant 1 : i32
          %scan3A_129 = scf.for %scan3A_134 = %scan3A_125 to %scan3A_127 step %scan3A_128 iter_args(%scan3A_135 = %scan3A_124) -> (i32)  : i32 {
            %mul3A_136 = arith.constant 80 : i32
            %mul3A_137 = arith.muli %add3A_123, %mul3A_136 : i32
            %mul3A_138 = arith.constant 16 : i32
            %mul3A_139 = arith.muli %scan3A_134, %mul3A_138 : i32
            %add3A_140 = arith.addi %mul3A_137, %mul3A_139 : i32
            %get3A = arith.index_cast %add3A_140 : i32 to index
            %get3A_141 = tpu.vector_load %arg7[%get3A] {strides = array<i32>} : memref<10000xi32, #tpu.memory_space<vmem>>, vector<16xi32>,
            %get3A_142 = vector.shape_cast %get3A_141 : vector<16xi32> to vector<16xi32>
            %mul3A_143 = arith.constant 16 : i32
            %mul3A_144 = arith.muli %scan3A_134, %mul3A_143 : i32
            %swap3A = arith.index_cast %mul3A_144 : i32 to index
            %swap3A_145 = tpu.vector_load %arg11[%swap3A] {strides = array<i32>} : memref<80xi32, #tpu.memory_space<vmem>>, vector<16xi32>,
            %swap3A_146 = vector.shape_cast %swap3A_145 : vector<16xi32> to vector<16xi32>
            %swap3A_147 = vector.shape_cast %get3A_142 : vector<16xi32> to vector<16xi32>
            tpu.vector_store %arg11[%swap3A], %swap3A_147 {strides = array<i32>} : memref<80xi32, #tpu.memory_space<vmem>>, vector<16xi32>,
            %scan3A_148 = arith.constant 0 : i32
            scf.yield %scan3A_148 : i32
          }
          %scan3A_130 = arith.constant 5 : i32
          %dma_start3A_131 = arith.constant 0 : i32
          %dma_start3A_132 = arith.constant 0 : i32
          %dma_start3A_133 = tpu.memref_slice %arg2[%dma_start3A_131, %dma_start3A_132] : memref<10000x128xf32, #tpu.memory_space<hbm>> -> memref<10000x128xf32, #tpu.memory_space<hbm>>
          tpu.enqueue_indirect_dma source(%dma_start3A_133 : memref<10000x128xf32, #tpu.memory_space<hbm>>) target(%arg13 : memref<80x128xf32, #tpu.memory_space<vmem>>) offsets(%arg9 : memref<80xi32, #tpu.memory_space<vmem>>) semaphore(%arg16 : memref<!tpu.dma_semaphore, #tpu.memory_space<semaphore_mem>>)
        } else {
        }
        %dma_wait3A_103 = arith.constant 0 : i32
        %dma_wait3A_104 = arith.constant 0 : i32
        %dma_wait3A_105 = tpu.memref_slice %arg2[%dma_wait3A_103, %dma_wait3A_104] : memref<10000x128xf32, #tpu.memory_space<hbm>> -> memref<10000x128xf32, #tpu.memory_space<hbm>>
        tpu.wait_indirect_dma semaphore(%arg15 : memref<!tpu.dma_semaphore, #tpu.memory_space<semaphore_mem>>) src(%dma_wait3A_105 : memref<10000x128xf32, #tpu.memory_space<hbm>>) dst(%arg12 : memref<80x128xf32, #tpu.memory_space<vmem>>)
        %dma_start3A_106 = arith.constant 0 : i32
        %dma_start3A_107 = arith.constant 0 : i32
        %dma_start3A_108 = tpu.memref_slice %arg14[%dma_start3A_106, %dma_start3A_107] : memref<5008x128xf32, #tpu.memory_space<vmem_shared>> -> memref<5008x128xf32, #tpu.memory_space<vmem_shared>>
        tpu.enqueue_indirect_dma source(%arg12 : memref<80x128xf32, #tpu.memory_space<vmem>>) target(%dma_start3A_108 : memref<5008x128xf32, #tpu.memory_space<vmem_shared>>) offsets(%arg10 : memref<80xi32, #tpu.memory_space<vmem>>) semaphore(%arg17 : memref<!tpu.dma_semaphore, #tpu.memory_space<semaphore_mem>>) {add = true}
      } else {
      }
      %jit3A_74 = arith.constant 2 : i32
      %eq3A_75 = arith.constant 0 : i32
      %eq3A_76 = arith.cmpi eq, %jit3A_74, %eq3A_75 : i32
      %jit3A_77 = arith.constant 1 : i32
      %select_n3A_78 = arith.select %eq3A_76, %jit3A_77, %jit3A_74 : i32
      %rem3A_79 = arith.remsi %scan3A_56, %select_n3A_78 : i32
      %ne3A_80 = arith.constant 0 : i32
      %ne3A_81 = arith.cmpi ne, %rem3A_79, %ne3A_80 : i32
      %lt3A_82 = arith.constant 0 : i32
      %lt3A_83 = arith.cmpi slt, %rem3A_79, %lt3A_82 : i32
      %lt3A_84 = arith.constant 0 : i32
      %lt3A_85 = arith.cmpi slt, %select_n3A_78, %lt3A_84 : i32
      %ne3A_86 = arith.xori %lt3A_83, %lt3A_85 : i1
      %and3A_87 = arith.andi %ne3A_86, %ne3A_81 : i1
      %add3A_88 = arith.addi %rem3A_79, %select_n3A_78 : i32
      %select_n3A_89 = arith.select %and3A_87, %add3A_88, %rem3A_79 : i32
      %eq3A_90 = arith.constant 1 : i32
      %eq3A_91 = arith.cmpi eq, %select_n3A_89, %eq3A_90 : i32
      %convert_element_type3A_92 = arith.extui %eq3A_91 : i1 to i32
      %cond3A_93 = arith.constant 0 : i32
      %cond3A_94 = arith.cmpi ne, %convert_element_type3A_92, %cond3A_93 : i32
      scf.if %cond3A_94 {
        %add3A_96 = arith.constant 1 : i32
        %add3A_97 = arith.addi %scan3A_56, %add3A_96 : i32
        %lt3A_98 = arith.constant 125 : i32
        %lt3A_99 = arith.cmpi slt, %add3A_97, %lt3A_98 : i32
        %convert_element_type3A_100 = arith.extui %lt3A_99 : i1 to i32
        %cond3A_101 = arith.constant 0 : i32
        %cond3A_102 = arith.cmpi ne, %convert_element_type3A_100, %cond3A_101 : i32
        scf.if %cond3A_102 {
          %ge3A = arith.constant 1 : i32
          %ge3A_109 = arith.cmpi sge, %scan3A_56, %ge3A : i32
          %convert_element_type3A_110 = arith.extui %ge3A_109 : i1 to i32
          %cond3A_111 = arith.constant 0 : i32
          %cond3A_112 = arith.cmpi ne, %convert_element_type3A_110, %cond3A_111 : i32
          scf.if %cond3A_112 {
            %dma_wait3A_134 = arith.constant 0 : i32
            %dma_wait3A_135 = arith.constant 0 : i32
            %dma_wait3A_136 = tpu.memref_slice %arg14[%dma_wait3A_134, %dma_wait3A_135] : memref<5008x128xf32, #tpu.memory_space<vmem_shared>> -> memref<5008x128xf32, #tpu.memory_space<vmem_shared>>
            tpu.wait_indirect_dma semaphore(%arg17 : memref<!tpu.dma_semaphore, #tpu.memory_space<semaphore_mem>>) src(%arg12 : memref<80x128xf32, #tpu.memory_space<vmem>>) dst(%dma_wait3A_136 : memref<5008x128xf32, #tpu.memory_space<vmem_shared>>)
          } else {
          }
          %add3A_113 = arith.constant 1 : i32
          %add3A_114 = arith.addi %scan3A_56, %add3A_113 : i32
          %scan3A_115 = arith.constant 0 : i32
          %scan3A_116 = arith.constant 0 : i32
          %scan3A_117 = arith.constant 5 : i32
          %scan3A_118 = arith.addi %scan3A_116, %scan3A_117 : i32
          %scan3A_119 = arith.constant 1 : i32
          %scan3A_120 = scf.for %scan3A_134 = %scan3A_116 to %scan3A_118 step %scan3A_119 iter_args(%scan3A_135 = %scan3A_115) -> (i32)  : i32 {
            %mul3A_136 = arith.constant 80 : i32
            %mul3A_137 = arith.muli %add3A_114, %mul3A_136 : i32
            %mul3A_138 = arith.constant 16 : i32
            %mul3A_139 = arith.muli %scan3A_134, %mul3A_138 : i32
            %add3A_140 = arith.addi %mul3A_137, %mul3A_139 : i32
            %get3A = arith.index_cast %add3A_140 : i32 to index
            %get3A_141 = tpu.vector_load %arg6[%get3A] {strides = array<i32>} : memref<10000xi32, #tpu.memory_space<vmem>>, vector<16xi32>,
            %get3A_142 = vector.shape_cast %get3A_141 : vector<16xi32> to vector<16xi32>
            %mul3A_143 = arith.constant 16 : i32
            %mul3A_144 = arith.muli %scan3A_134, %mul3A_143 : i32
            %swap3A = arith.index_cast %mul3A_144 : i32 to index
            %swap3A_145 = tpu.vector_load %arg8[%swap3A] {strides = array<i32>} : memref<80xi32, #tpu.memory_space<vmem>>, vector<16xi32>,
            %swap3A_146 = vector.shape_cast %swap3A_145 : vector<16xi32> to vector<16xi32>
            %swap3A_147 = vector.shape_cast %get3A_142 : vector<16xi32> to vector<16xi32>
            tpu.vector_store %arg8[%swap3A], %swap3A_147 {strides = array<i32>} : memref<80xi32, #tpu.memory_space<vmem>>, vector<16xi32>,
            %scan3A_148 = arith.constant 0 : i32
            scf.yield %scan3A_148 : i32
          }
          %scan3A_121 = arith.constant 5 : i32
          %add3A_122 = arith.constant 1 : i32
          %add3A_123 = arith.addi %scan3A_56, %add3A_122 : i32
          %scan3A_124 = arith.constant 0 : i32
          %scan3A_125 = arith.constant 0 : i32
          %scan3A_126 = arith.constant 5 : i32
          %scan3A_127 = arith.addi %scan3A_125, %scan3A_126 : i32
          %scan3A_128 = arith.constant 1 : i32
          %scan3A_129 = scf.for %scan3A_134 = %scan3A_125 to %scan3A_127 step %scan3A_128 iter_args(%scan3A_135 = %scan3A_124) -> (i32)  : i32 {
            %mul3A_136 = arith.constant 80 : i32
            %mul3A_137 = arith.muli %add3A_123, %mul3A_136 : i32
            %mul3A_138 = arith.constant 16 : i32
            %mul3A_139 = arith.muli %scan3A_134, %mul3A_138 : i32
            %add3A_140 = arith.addi %mul3A_137, %mul3A_139 : i32
            %get3A = arith.index_cast %add3A_140 : i32 to index
            %get3A_141 = tpu.vector_load %arg7[%get3A] {strides = array<i32>} : memref<10000xi32, #tpu.memory_space<vmem>>, vector<16xi32>,
            %get3A_142 = vector.shape_cast %get3A_141 : vector<16xi32> to vector<16xi32>
            %mul3A_143 = arith.constant 16 : i32
            %mul3A_144 = arith.muli %scan3A_134, %mul3A_143 : i32
            %swap3A = arith.index_cast %mul3A_144 : i32 to index
            %swap3A_145 = tpu.vector_load %arg10[%swap3A] {strides = array<i32>} : memref<80xi32, #tpu.memory_space<vmem>>, vector<16xi32>,
            %swap3A_146 = vector.shape_cast %swap3A_145 : vector<16xi32> to vector<16xi32>
            %swap3A_147 = vector.shape_cast %get3A_142 : vector<16xi32> to vector<16xi32>
            tpu.vector_store %arg10[%swap3A], %swap3A_147 {strides = array<i32>} : memref<80xi32, #tpu.memory_space<vmem>>, vector<16xi32>,
            %scan3A_148 = arith.constant 0 : i32
            scf.yield %scan3A_148 : i32
          }
          %scan3A_130 = arith.constant 5 : i32
          %dma_start3A_131 = arith.constant 0 : i32
          %dma_start3A_132 = arith.constant 0 : i32
          %dma_start3A_133 = tpu.memref_slice %arg2[%dma_start3A_131, %dma_start3A_132] : memref<10000x128xf32, #tpu.memory_space<hbm>> -> memref<10000x128xf32, #tpu.memory_space<hbm>>
          tpu.enqueue_indirect_dma source(%dma_start3A_133 : memref<10000x128xf32, #tpu.memory_space<hbm>>) target(%arg12 : memref<80x128xf32, #tpu.memory_space<vmem>>) offsets(%arg8 : memref<80xi32, #tpu.memory_space<vmem>>) semaphore(%arg15 : memref<!tpu.dma_semaphore, #tpu.memory_space<semaphore_mem>>)
        } else {
        }
        %dma_wait3A_103 = arith.constant 0 : i32
        %dma_wait3A_104 = arith.constant 0 : i32
        %dma_wait3A_105 = tpu.memref_slice %arg2[%dma_wait3A_103, %dma_wait3A_104] : memref<10000x128xf32, #tpu.memory_space<hbm>> -> memref<10000x128xf32, #tpu.memory_space<hbm>>
        tpu.wait_indirect_dma semaphore(%arg16 : memref<!tpu.dma_semaphore, #tpu.memory_space<semaphore_mem>>) src(%dma_wait3A_105 : memref<10000x128xf32, #tpu.memory_space<hbm>>) dst(%arg13 : memref<80x128xf32, #tpu.memory_space<vmem>>)
        %dma_start3A_106 = arith.constant 0 : i32
        %dma_start3A_107 = arith.constant 0 : i32
        %dma_start3A_108 = tpu.memref_slice %arg14[%dma_start3A_106, %dma_start3A_107] : memref<5008x128xf32, #tpu.memory_space<vmem_shared>> -> memref<5008x128xf32, #tpu.memory_space<vmem_shared>>
        tpu.enqueue_indirect_dma source(%arg13 : memref<80x128xf32, #tpu.memory_space<vmem>>) target(%dma_start3A_108 : memref<5008x128xf32, #tpu.memory_space<vmem_shared>>) offsets(%arg11 : memref<80xi32, #tpu.memory_space<vmem>>) semaphore(%arg18 : memref<!tpu.dma_semaphore, #tpu.memory_space<semaphore_mem>>) {add = true}
      } else {
      }
      %scan3A_95 = arith.constant 0 : i32
      scf.yield %scan3A_95 : i32
    }
    %scan3A_39 = arith.constant 125 : i32
    %dma_wait3A = arith.constant 0 : i32
    %dma_wait3A_40 = arith.constant 0 : i32
    %dma_wait3A_41 = tpu.memref_slice %arg14[%dma_wait3A, %dma_wait3A_40] : memref<5008x128xf32, #tpu.memory_space<vmem_shared>> -> memref<5008x128xf32, #tpu.memory_space<vmem_shared>>
    tpu.wait_indirect_dma semaphore(%arg17 : memref<!tpu.dma_semaphore, #tpu.memory_space<semaphore_mem>>) src(%arg12 : memref<80x128xf32, #tpu.memory_space<vmem>>) dst(%dma_wait3A_41 : memref<5008x128xf32, #tpu.memory_space<vmem_shared>>)
    %dma_wait3A_42 = arith.constant 0 : i32
    %dma_wait3A_43 = arith.constant 0 : i32
    %dma_wait3A_44 = tpu.memref_slice %arg14[%dma_wait3A_42, %dma_wait3A_43] : memref<5008x128xf32, #tpu.memory_space<vmem_shared>> -> memref<5008x128xf32, #tpu.memory_space<vmem_shared>>
    tpu.wait_indirect_dma semaphore(%arg18 : memref<!tpu.dma_semaphore, #tpu.memory_space<semaphore_mem>>) src(%arg13 : memref<80x128xf32, #tpu.memory_space<vmem>>) dst(%dma_wait3A_44 : memref<5008x128xf32, #tpu.memory_space<vmem_shared>>)
    %barrier3A_45 = arith.constant 0 : index
    tpu.barrier barrier_id(%barrier3A_45)
    %lt3A_46 = arith.constant 15 : i32
    %lt3A_47 = arith.cmpi slt, %arg1, %lt3A_46 : i32
    %convert_element_type3A_48 = arith.extui %lt3A_47 : i1 to i32
    %cond3A_49 = arith.constant 0 : i32
    %cond3A_50 = arith.cmpi ne, %convert_element_type3A_48, %cond3A_49 : i32
    scf.if %cond3A_50 {
      %mul3A_56 = arith.constant 320 : i32
      %mul3A_57 = arith.muli %arg1, %mul3A_56 : i32
      %scan3A_58 = arith.constant 0 : i32
      %scan3A_59 = arith.constant 0 : i32
      %scan3A_60 = arith.constant 4 : i32
      %scan3A_61 = arith.addi %scan3A_59, %scan3A_60 : i32
      %scan3A_62 = arith.constant 1 : i32
      %scan3A_63 = scf.for %scan3A_65 = %scan3A_59 to %scan3A_61 step %scan3A_62 iter_args(%scan3A_66 = %scan3A_58) -> (i32)  : i32 {
        %mul3A_67 = arith.constant 80 : i32
        %mul3A_68 = arith.muli %scan3A_65, %mul3A_67 : i32
        %add3A_69 = arith.addi %mul3A_57, %mul3A_68 : i32
        "tpu.region"() ({
          %run_scoped3A = tpu.sem_alloc : memref<!tpu.dma_semaphore, #tpu.memory_space<semaphore_mem>>
          %dma_start3A_71 = arith.constant 0 : i32
          %dma_start3A_72 = arith.constant 0 : i32
          %dma_start3A_73 = tpu.memref_slice %arg12[%dma_start3A_71, %dma_start3A_72] : memref<80x128xf32, #tpu.memory_space<vmem>> -> memref<80x128xf32, #tpu.memory_space<vmem>>
          %dma_start3A_74 = arith.constant 0 : i32
          %dma_start3A_75 = tpu.memref_slice %arg14[%add3A_69, %dma_start3A_74] : memref<5008x128xf32, #tpu.memory_space<vmem_shared>> -> memref<80x128xf32, #tpu.memory_space<vmem_shared>>
          %dma_start3A_76 = arith.constant 0 : i32
          %dma_start3A_77 = arith.constant 0 : i32
          %dma_start3A_78 = tpu.memref_slice %arg12[%dma_start3A_76, %dma_start3A_77] : memref<80x128xf32, #tpu.memory_space<vmem>> -> memref<80x128xf32, #tpu.memory_space<vmem>>
          %dma_start3A_79 = arith.constant 0 : i32
          %dma_start3A_80 = tpu.memref_slice %arg14[%add3A_69, %dma_start3A_79] : memref<5008x128xf32, #tpu.memory_space<vmem_shared>> -> memref<80x128xf32, #tpu.memory_space<vmem_shared>>
          tpu.enqueue_dma source(%dma_start3A_80 : memref<80x128xf32, #tpu.memory_space<vmem_shared>>) target(%dma_start3A_78 : memref<80x128xf32, #tpu.memory_space<vmem>>) target_semaphore(%run_scoped3A : memref<!tpu.dma_semaphore, #tpu.memory_space<semaphore_mem>>)
          %dma_wait3A_81 = arith.constant 0 : i32
          %dma_wait3A_82 = arith.constant 0 : i32
          %dma_wait3A_83 = tpu.memref_slice %arg12[%dma_wait3A_81, %dma_wait3A_82] : memref<80x128xf32, #tpu.memory_space<vmem>> -> memref<80x128xf32, #tpu.memory_space<vmem>>
          %dma_wait3A_84 = arith.constant 0 : i32
          %dma_wait3A_85 = tpu.memref_slice %arg14[%add3A_69, %dma_wait3A_84] : memref<5008x128xf32, #tpu.memory_space<vmem_shared>> -> memref<80x128xf32, #tpu.memory_space<vmem_shared>>
          %dma_wait3A_86 = arith.constant 0 : i32
          %dma_wait3A_87 = arith.constant 0 : i32
          %dma_wait3A_88 = tpu.memref_slice %arg12[%dma_wait3A_86, %dma_wait3A_87] : memref<80x128xf32, #tpu.memory_space<vmem>> -> memref<80x128xf32, #tpu.memory_space<vmem>>
          %dma_wait3A_89 = arith.constant 0 : i32
          %dma_wait3A_90 = tpu.memref_slice %arg14[%add3A_69, %dma_wait3A_89] : memref<5008x128xf32, #tpu.memory_space<vmem_shared>> -> memref<80x128xf32, #tpu.memory_space<vmem_shared>>
          tpu.wait_dma2 semaphore(%run_scoped3A : memref<!tpu.dma_semaphore, #tpu.memory_space<semaphore_mem>>) src(%dma_wait3A_90 : memref<80x128xf32, #tpu.memory_space<vmem_shared>>) dst(%dma_wait3A_88 : memref<80x128xf32, #tpu.memory_space<vmem>>)
          tpu.yield
        }) : () -> ()
        "tpu.region"() ({
          %run_scoped3A = tpu.sem_alloc : memref<!tpu.dma_semaphore, #tpu.memory_space<semaphore_mem>>
          %dma_start3A_71 = arith.constant 0 : i32
          %dma_start3A_72 = arith.constant 0 : i32
          %dma_start3A_73 = tpu.memref_slice %arg12[%dma_start3A_71, %dma_start3A_72] : memref<80x128xf32, #tpu.memory_space<vmem>> -> memref<80x128xf32, #tpu.memory_space<vmem>>
          %dma_start3A_74 = arith.constant 0 : i32
          %dma_start3A_75 = tpu.memref_slice %arg5[%arg0, %add3A_69, %dma_start3A_74] : memref<2x5008x128xf32, #tpu.memory_space<hbm>> -> memref<1x80x128xf32, #tpu.memory_space<hbm>>
          %dma_start3A_76 = tpu.memref_squeeze %dma_start3A_75 : memref<1x80x128xf32, #tpu.memory_space<hbm>> -> memref<80x128xf32, #tpu.memory_space<hbm>>
          %dma_start3A_77 = arith.constant 0 : i32
          %dma_start3A_78 = tpu.memref_slice %arg5[%arg0, %add3A_69, %dma_start3A_77] : memref<2x5008x128xf32, #tpu.memory_space<hbm>> -> memref<1x80x128xf32, #tpu.memory_space<hbm>>
          %dma_start3A_79 = tpu.memref_squeeze %dma_start3A_78 : memref<1x80x128xf32, #tpu.memory_space<hbm>> -> memref<80x128xf32, #tpu.memory_space<hbm>>
          %dma_start3A_80 = arith.constant 0 : i32
          %dma_start3A_81 = arith.constant 0 : i32
          %dma_start3A_82 = tpu.memref_slice %arg12[%dma_start3A_80, %dma_start3A_81] : memref<80x128xf32, #tpu.memory_space<vmem>> -> memref<80x128xf32, #tpu.memory_space<vmem>>
          tpu.enqueue_dma source(%dma_start3A_82 : memref<80x128xf32, #tpu.memory_space<vmem>>) target(%dma_start3A_79 : memref<80x128xf32, #tpu.memory_space<hbm>>) target_semaphore(%run_scoped3A : memref<!tpu.dma_semaphore, #tpu.memory_space<semaphore_mem>>)
          %dma_wait3A_83 = arith.constant 0 : i32
          %dma_wait3A_84 = arith.constant 0 : i32
          %dma_wait3A_85 = tpu.memref_slice %arg12[%dma_wait3A_83, %dma_wait3A_84] : memref<80x128xf32, #tpu.memory_space<vmem>> -> memref<80x128xf32, #tpu.memory_space<vmem>>
          %dma_wait3A_86 = arith.constant 0 : i32
          %dma_wait3A_87 = tpu.memref_slice %arg5[%arg0, %add3A_69, %dma_wait3A_86] : memref<2x5008x128xf32, #tpu.memory_space<hbm>> -> memref<1x80x128xf32, #tpu.memory_space<hbm>>
          %dma_wait3A_88 = tpu.memref_squeeze %dma_wait3A_87 : memref<1x80x128xf32, #tpu.memory_space<hbm>> -> memref<80x128xf32, #tpu.memory_space<hbm>>
          %dma_wait3A_89 = arith.constant 0 : i32
          %dma_wait3A_90 = tpu.memref_slice %arg5[%arg0, %add3A_69, %dma_wait3A_89] : memref<2x5008x128xf32, #tpu.memory_space<hbm>> -> memref<1x80x128xf32, #tpu.memory_space<hbm>>
          %dma_wait3A_91 = tpu.memref_squeeze %dma_wait3A_90 : memref<1x80x128xf32, #tpu.memory_space<hbm>> -> memref<80x128xf32, #tpu.memory_space<hbm>>
          %dma_wait3A_92 = arith.constant 0 : i32
          %dma_wait3A_93 = arith.constant 0 : i32
          %dma_wait3A_94 = tpu.memref_slice %arg12[%dma_wait3A_92, %dma_wait3A_93] : memref<80x128xf32, #tpu.memory_space<vmem>> -> memref<80x128xf32, #tpu.memory_space<vmem>>
          tpu.wait_dma2 semaphore(%run_scoped3A : memref<!tpu.dma_semaphore, #tpu.memory_space<semaphore_mem>>) src(%dma_wait3A_94 : memref<80x128xf32, #tpu.memory_space<vmem>>) dst(%dma_wait3A_91 : memref<80x128xf32, #tpu.memory_space<hbm>>)
          tpu.yield
        }) : () -> ()
        %scan3A_70 = arith.constant 0 : i32
        scf.yield %scan3A_70 : i32
      }
      %scan3A_64 = arith.constant 4 : i32
    } else {
    }
    %eq3A_51 = arith.constant 15 : i32
    %eq3A_52 = arith.cmpi eq, %arg1, %eq3A_51 : i32
    %convert_element_type3A_53 = arith.extui %eq3A_52 : i1 to i32
    %cond3A_54 = arith.constant 0 : i32
    %cond3A_55 = arith.cmpi ne, %convert_element_type3A_53, %cond3A_54 : i32
    scf.if %cond3A_55 {
      %scan3A_56 = arith.constant 0 : i32
      %scan3A_57 = arith.constant 0 : i32
      %scan3A_58 = arith.constant 2 : i32
      %scan3A_59 = arith.addi %scan3A_57, %scan3A_58 : i32
      %scan3A_60 = arith.constant 1 : i32
      %scan3A_61 = scf.for %scan3A_63 = %scan3A_57 to %scan3A_59 step %scan3A_60 iter_args(%scan3A_64 = %scan3A_56) -> (i32)  : i32 {
        %mul3A_65 = arith.constant 80 : i32
        %mul3A_66 = arith.muli %scan3A_63, %mul3A_65 : i32
        %add3A_67 = arith.constant 4800 : i32
        %add3A_68 = arith.addi %add3A_67, %mul3A_66 : i32
        "tpu.region"() ({
          %run_scoped3A = tpu.sem_alloc : memref<!tpu.dma_semaphore, #tpu.memory_space<semaphore_mem>>
          %dma_start3A_70 = arith.constant 0 : i32
          %dma_start3A_71 = arith.constant 0 : i32
          %dma_start3A_72 = tpu.memref_slice %arg12[%dma_start3A_70, %dma_start3A_71] : memref<80x128xf32, #tpu.memory_space<vmem>> -> memref<80x128xf32, #tpu.memory_space<vmem>>
          %dma_start3A_73 = arith.constant 0 : i32
          %dma_start3A_74 = tpu.memref_slice %arg14[%add3A_68, %dma_start3A_73] : memref<5008x128xf32, #tpu.memory_space<vmem_shared>> -> memref<80x128xf32, #tpu.memory_space<vmem_shared>>
          %dma_start3A_75 = arith.constant 0 : i32
          %dma_start3A_76 = arith.constant 0 : i32
          %dma_start3A_77 = tpu.memref_slice %arg12[%dma_start3A_75, %dma_start3A_76] : memref<80x128xf32, #tpu.memory_space<vmem>> -> memref<80x128xf32, #tpu.memory_space<vmem>>
          %dma_start3A_78 = arith.constant 0 : i32
          %dma_start3A_79 = tpu.memref_slice %arg14[%add3A_68, %dma_start3A_78] : memref<5008x128xf32, #tpu.memory_space<vmem_shared>> -> memref<80x128xf32, #tpu.memory_space<vmem_shared>>
          tpu.enqueue_dma source(%dma_start3A_79 : memref<80x128xf32, #tpu.memory_space<vmem_shared>>) target(%dma_start3A_77 : memref<80x128xf32, #tpu.memory_space<vmem>>) target_semaphore(%run_scoped3A : memref<!tpu.dma_semaphore, #tpu.memory_space<semaphore_mem>>)
          %dma_wait3A_80 = arith.constant 0 : i32
          %dma_wait3A_81 = arith.constant 0 : i32
          %dma_wait3A_82 = tpu.memref_slice %arg12[%dma_wait3A_80, %dma_wait3A_81] : memref<80x128xf32, #tpu.memory_space<vmem>> -> memref<80x128xf32, #tpu.memory_space<vmem>>
          %dma_wait3A_83 = arith.constant 0 : i32
          %dma_wait3A_84 = tpu.memref_slice %arg14[%add3A_68, %dma_wait3A_83] : memref<5008x128xf32, #tpu.memory_space<vmem_shared>> -> memref<80x128xf32, #tpu.memory_space<vmem_shared>>
          %dma_wait3A_85 = arith.constant 0 : i32
          %dma_wait3A_86 = arith.constant 0 : i32
          %dma_wait3A_87 = tpu.memref_slice %arg12[%dma_wait3A_85, %dma_wait3A_86] : memref<80x128xf32, #tpu.memory_space<vmem>> -> memref<80x128xf32, #tpu.memory_space<vmem>>
          %dma_wait3A_88 = arith.constant 0 : i32
          %dma_wait3A_89 = tpu.memref_slice %arg14[%add3A_68, %dma_wait3A_88] : memref<5008x128xf32, #tpu.memory_space<vmem_shared>> -> memref<80x128xf32, #tpu.memory_space<vmem_shared>>
          tpu.wait_dma2 semaphore(%run_scoped3A : memref<!tpu.dma_semaphore, #tpu.memory_space<semaphore_mem>>) src(%dma_wait3A_89 : memref<80x128xf32, #tpu.memory_space<vmem_shared>>) dst(%dma_wait3A_87 : memref<80x128xf32, #tpu.memory_space<vmem>>)
          tpu.yield
        }) : () -> ()
        "tpu.region"() ({
          %run_scoped3A = tpu.sem_alloc : memref<!tpu.dma_semaphore, #tpu.memory_space<semaphore_mem>>
          %dma_start3A_70 = arith.constant 0 : i32
          %dma_start3A_71 = arith.constant 0 : i32
          %dma_start3A_72 = tpu.memref_slice %arg12[%dma_start3A_70, %dma_start3A_71] : memref<80x128xf32, #tpu.memory_space<vmem>> -> memref<80x128xf32, #tpu.memory_space<vmem>>
          %dma_start3A_73 = arith.constant 0 : i32
          %dma_start3A_74 = tpu.memref_slice %arg5[%arg0, %add3A_68, %dma_start3A_73] : memref<2x5008x128xf32, #tpu.memory_space<hbm>> -> memref<1x80x128xf32, #tpu.memory_space<hbm>>
          %dma_start3A_75 = tpu.memref_squeeze %dma_start3A_74 : memref<1x80x128xf32, #tpu.memory_space<hbm>> -> memref<80x128xf32, #tpu.memory_space<hbm>>
          %dma_start3A_76 = arith.constant 0 : i32
          %dma_start3A_77 = tpu.memref_slice %arg5[%arg0, %add3A_68, %dma_start3A_76] : memref<2x5008x128xf32, #tpu.memory_space<hbm>> -> memref<1x80x128xf32, #tpu.memory_space<hbm>>
          %dma_start3A_78 = tpu.memref_squeeze %dma_start3A_77 : memref<1x80x128xf32, #tpu.memory_space<hbm>> -> memref<80x128xf32, #tpu.memory_space<hbm>>
          %dma_start3A_79 = arith.constant 0 : i32
          %dma_start3A_80 = arith.constant 0 : i32
          %dma_start3A_81 = tpu.memref_slice %arg12[%dma_start3A_79, %dma_start3A_80] : memref<80x128xf32, #tpu.memory_space<vmem>> -> memref<80x128xf32, #tpu.memory_space<vmem>>
          tpu.enqueue_dma source(%dma_start3A_81 : memref<80x128xf32, #tpu.memory_space<vmem>>) target(%dma_start3A_78 : memref<80x128xf32, #tpu.memory_space<hbm>>) target_semaphore(%run_scoped3A : memref<!tpu.dma_semaphore, #tpu.memory_space<semaphore_mem>>)
          %dma_wait3A_82 = arith.constant 0 : i32
          %dma_wait3A_83 = arith.constant 0 : i32
          %dma_wait3A_84 = tpu.memref_slice %arg12[%dma_wait3A_82, %dma_wait3A_83] : memref<80x128xf32, #tpu.memory_space<vmem>> -> memref<80x128xf32, #tpu.memory_space<vmem>>
          %dma_wait3A_85 = arith.constant 0 : i32
          %dma_wait3A_86 = tpu.memref_slice %arg5[%arg0, %add3A_68, %dma_wait3A_85] : memref<2x5008x128xf32, #tpu.memory_space<hbm>> -> memref<1x80x128xf32, #tpu.memory_space<hbm>>
          %dma_wait3A_87 = tpu.memref_squeeze %dma_wait3A_86 : memref<1x80x128xf32, #tpu.memory_space<hbm>> -> memref<80x128xf32, #tpu.memory_space<hbm>>
          %dma_wait3A_88 = arith.constant 0 : i32
          %dma_wait3A_89 = tpu.memref_slice %arg5[%arg0, %add3A_68, %dma_wait3A_88] : memref<2x5008x128xf32, #tpu.memory_space<hbm>> -> memref<1x80x128xf32, #tpu.memory_space<hbm>>
          %dma_wait3A_90 = tpu.memref_squeeze %dma_wait3A_89 : memref<1x80x128xf32, #tpu.memory_space<hbm>> -> memref<80x128xf32, #tpu.memory_space<hbm>>
          %dma_wait3A_91 = arith.constant 0 : i32
          %dma_wait3A_92 = arith.constant 0 : i32
          %dma_wait3A_93 = tpu.memref_slice %arg12[%dma_wait3A_91, %dma_wait3A_92] : memref<80x128xf32, #tpu.memory_space<vmem>> -> memref<80x128xf32, #tpu.memory_space<vmem>>
          tpu.wait_dma2 semaphore(%run_scoped3A : memref<!tpu.dma_semaphore, #tpu.memory_space<semaphore_mem>>) src(%dma_wait3A_93 : memref<80x128xf32, #tpu.memory_space<vmem>>) dst(%dma_wait3A_90 : memref<80x128xf32, #tpu.memory_space<hbm>>)
          tpu.yield
        }) : () -> ()
        %scan3A_69 = arith.constant 0 : i32
        scf.yield %scan3A_69 : i32
      }
      %scan3A_62 = arith.constant 2 : i32
      "tpu.region"() ({
        %run_scoped3A = tpu.sem_alloc : memref<!tpu.dma_semaphore, #tpu.memory_space<semaphore_mem>>
        %dma_start3A_63 = arith.constant 0 : i32
        %dma_start3A_64 = arith.constant 0 : i32
        %dma_start3A_65 = tpu.memref_slice %arg12[%dma_start3A_63, %dma_start3A_64] : memref<80x128xf32, #tpu.memory_space<vmem>> -> memref<48x128xf32, #tpu.memory_space<vmem>>
        %dma_start3A_66 = arith.constant 4960 : i32
        %dma_start3A_67 = arith.constant 0 : i32
        %dma_start3A_68 = tpu.memref_slice %arg14[%dma_start3A_66, %dma_start3A_67] : memref<5008x128xf32, #tpu.memory_space<vmem_shared>> -> memref<48x128xf32, #tpu.memory_space<vmem_shared>>
        %dma_start3A_69 = arith.constant 0 : i32
        %dma_start3A_70 = arith.constant 0 : i32
        %dma_start3A_71 = tpu.memref_slice %arg12[%dma_start3A_69, %dma_start3A_70] : memref<80x128xf32, #tpu.memory_space<vmem>> -> memref<48x128xf32, #tpu.memory_space<vmem>>
        %dma_start3A_72 = arith.constant 4960 : i32
        %dma_start3A_73 = arith.constant 0 : i32
        %dma_start3A_74 = tpu.memref_slice %arg14[%dma_start3A_72, %dma_start3A_73] : memref<5008x128xf32, #tpu.memory_space<vmem_shared>> -> memref<48x128xf32, #tpu.memory_space<vmem_shared>>
        tpu.enqueue_dma source(%dma_start3A_74 : memref<48x128xf32, #tpu.memory_space<vmem_shared>>) target(%dma_start3A_71 : memref<48x128xf32, #tpu.memory_space<vmem>>) target_semaphore(%run_scoped3A : memref<!tpu.dma_semaphore, #tpu.memory_space<semaphore_mem>>)
        %dma_wait3A_75 = arith.constant 0 : i32
        %dma_wait3A_76 = arith.constant 0 : i32
        %dma_wait3A_77 = tpu.memref_slice %arg12[%dma_wait3A_75, %dma_wait3A_76] : memref<80x128xf32, #tpu.memory_space<vmem>> -> memref<48x128xf32, #tpu.memory_space<vmem>>
        %dma_wait3A_78 = arith.constant 4960 : i32
        %dma_wait3A_79 = arith.constant 0 : i32
        %dma_wait3A_80 = tpu.memref_slice %arg14[%dma_wait3A_78, %dma_wait3A_79] : memref<5008x128xf32, #tpu.memory_space<vmem_shared>> -> memref<48x128xf32, #tpu.memory_space<vmem_shared>>
        %dma_wait3A_81 = arith.constant 0 : i32
        %dma_wait3A_82 = arith.constant 0 : i32
        %dma_wait3A_83 = tpu.memref_slice %arg12[%dma_wait3A_81, %dma_wait3A_82] : memref<80x128xf32, #tpu.memory_space<vmem>> -> memref<48x128xf32, #tpu.memory_space<vmem>>
        %dma_wait3A_84 = arith.constant 4960 : i32
        %dma_wait3A_85 = arith.constant 0 : i32
        %dma_wait3A_86 = tpu.memref_slice %arg14[%dma_wait3A_84, %dma_wait3A_85] : memref<5008x128xf32, #tpu.memory_space<vmem_shared>> -> memref<48x128xf32, #tpu.memory_space<vmem_shared>>
        tpu.wait_dma2 semaphore(%run_scoped3A : memref<!tpu.dma_semaphore, #tpu.memory_space<semaphore_mem>>) src(%dma_wait3A_86 : memref<48x128xf32, #tpu.memory_space<vmem_shared>>) dst(%dma_wait3A_83 : memref<48x128xf32, #tpu.memory_space<vmem>>)
        tpu.yield
      }) : () -> ()
      "tpu.region"() ({
        %run_scoped3A = tpu.sem_alloc : memref<!tpu.dma_semaphore, #tpu.memory_space<semaphore_mem>>
        %dma_start3A_63 = arith.constant 0 : i32
        %dma_start3A_64 = arith.constant 0 : i32
        %dma_start3A_65 = tpu.memref_slice %arg12[%dma_start3A_63, %dma_start3A_64] : memref<80x128xf32, #tpu.memory_space<vmem>> -> memref<48x128xf32, #tpu.memory_space<vmem>>
        %dma_start3A_66 = arith.constant 4960 : i32
        %dma_start3A_67 = arith.constant 0 : i32
        %dma_start3A_68 = tpu.memref_slice %arg5[%arg0, %dma_start3A_66, %dma_start3A_67] : memref<2x5008x128xf32, #tpu.memory_space<hbm>> -> memref<1x48x128xf32, #tpu.memory_space<hbm>>
        %dma_start3A_69 = tpu.memref_squeeze %dma_start3A_68 : memref<1x48x128xf32, #tpu.memory_space<hbm>> -> memref<48x128xf32, #tpu.memory_space<hbm>>
        %dma_start3A_70 = arith.constant 4960 : i32
        %dma_start3A_71 = arith.constant 0 : i32
        %dma_start3A_72 = tpu.memref_slice %arg5[%arg0, %dma_start3A_70, %dma_start3A_71] : memref<2x5008x128xf32, #tpu.memory_space<hbm>> -> memref<1x48x128xf32, #tpu.memory_space<hbm>>
        %dma_start3A_73 = tpu.memref_squeeze %dma_start3A_72 : memref<1x48x128xf32, #tpu.memory_space<hbm>> -> memref<48x128xf32, #tpu.memory_space<hbm>>
        %dma_start3A_74 = arith.constant 0 : i32
        %dma_start3A_75 = arith.constant 0 : i32
        %dma_start3A_76 = tpu.memref_slice %arg12[%dma_start3A_74, %dma_start3A_75] : memref<80x128xf32, #tpu.memory_space<vmem>> -> memref<48x128xf32, #tpu.memory_space<vmem>>
        tpu.enqueue_dma source(%dma_start3A_76 : memref<48x128xf32, #tpu.memory_space<vmem>>) target(%dma_start3A_73 : memref<48x128xf32, #tpu.memory_space<hbm>>) target_semaphore(%run_scoped3A : memref<!tpu.dma_semaphore, #tpu.memory_space<semaphore_mem>>)
        %dma_wait3A_77 = arith.constant 0 : i32
        %dma_wait3A_78 = arith.constant 0 : i32
        %dma_wait3A_79 = tpu.memref_slice %arg12[%dma_wait3A_77, %dma_wait3A_78] : memref<80x128xf32, #tpu.memory_space<vmem>> -> memref<48x128xf32, #tpu.memory_space<vmem>>
        %dma_wait3A_80 = arith.constant 4960 : i32
        %dma_wait3A_81 = arith.constant 0 : i32
        %dma_wait3A_82 = tpu.memref_slice %arg5[%arg0, %dma_wait3A_80, %dma_wait3A_81] : memref<2x5008x128xf32, #tpu.memory_space<hbm>> -> memref<1x48x128xf32, #tpu.memory_space<hbm>>
        %dma_wait3A_83 = tpu.memref_squeeze %dma_wait3A_82 : memref<1x48x128xf32, #tpu.memory_space<hbm>> -> memref<48x128xf32, #tpu.memory_space<hbm>>
        %dma_wait3A_84 = arith.constant 4960 : i32
        %dma_wait3A_85 = arith.constant 0 : i32
        %dma_wait3A_86 = tpu.memref_slice %arg5[%arg0, %dma_wait3A_84, %dma_wait3A_85] : memref<2x5008x128xf32, #tpu.memory_space<hbm>> -> memref<1x48x128xf32, #tpu.memory_space<hbm>>
        %dma_wait3A_87 = tpu.memref_squeeze %dma_wait3A_86 : memref<1x48x128xf32, #tpu.memory_space<hbm>> -> memref<48x128xf32, #tpu.memory_space<hbm>>
        %dma_wait3A_88 = arith.constant 0 : i32
        %dma_wait3A_89 = arith.constant 0 : i32
        %dma_wait3A_90 = tpu.memref_slice %arg12[%dma_wait3A_88, %dma_wait3A_89] : memref<80x128xf32, #tpu.memory_space<vmem>> -> memref<48x128xf32, #tpu.memory_space<vmem>>
        tpu.wait_dma2 semaphore(%run_scoped3A : memref<!tpu.dma_semaphore, #tpu.memory_space<semaphore_mem>>) src(%dma_wait3A_90 : memref<48x128xf32, #tpu.memory_space<vmem>>) dst(%dma_wait3A_87 : memref<48x128xf32, #tpu.memory_space<hbm>>)
        tpu.yield
      }) : () -> ()
    } else {
    }
    return
  }
}

#map = affine_map<(d0, d1) -> (0, 0)>
#map1 = affine_map<(d0, d1) -> (0)>
#map2 = affine_map<(d0, d1) -> (0, 0, 0)>
module attributes {stable_mosaic.version = 14 : i64} {
  func.func @agg(%arg0: i32, %arg1: i32, %arg2: memref<5000x128xf32, #tpu.memory_space<hbm>>, %arg3: memref<320000xi32, #tpu.memory_space<hbm>>, %arg4: memref<320000xi32, #tpu.memory_space<hbm>>, %arg5: memref<2x10016x128xf32, #tpu.memory_space<hbm>>, %arg6: memref<10000xi32, #tpu.memory_space<vmem>>, %arg7: memref<10000xi32, #tpu.memory_space<vmem>>, %arg8: memref<80xi32, #tpu.memory_space<vmem>>, %arg9: memref<80xi32, #tpu.memory_space<vmem>>, %arg10: memref<80xi32, #tpu.memory_space<vmem>>, %arg11: memref<80xi32, #tpu.memory_space<vmem>>, %arg12: memref<80x128xf32, #tpu.memory_space<vmem>>, %arg13: memref<80x128xf32, #tpu.memory_space<vmem>>, %arg14: memref<10016x128xf32, #tpu.memory_space<vmem_shared>>, %arg15: memref<!tpu.dma_semaphore, #tpu.memory_space<semaphore_mem>>, %arg16: memref<!tpu.dma_semaphore, #tpu.memory_space<semaphore_mem>>, %arg17: memref<!tpu.dma_semaphore, #tpu.memory_space<semaphore_mem>>, %arg18: memref<!tpu.dma_semaphore, #tpu.memory_space<semaphore_mem>>) attributes {dimension_semantics = [#tpu.dimension_semantics<core_parallel>, #tpu.dimension_semantics<subcore_parallel>], iteration_bounds = array<i64: 2, 16>, scalar_prefetch = 0 : i64, scratch_operands = 13 : i64, tpu.core_type = #tpu.core_type<sc_vector_subcore>, window_params = [{transform_indices = #map}, {transform_indices = #map1}, {transform_indices = #map1}, {transform_indices = #map2}]} {
    %mul3A = arith.constant 2 : i32
    %mul3A_0 = arith.muli %arg1, %mul3A : i32
    %add3A = arith.addi %mul3A_0, %arg0 : i32
    %mul3A_1 = arith.constant 10000 : i32
    %mul3A_2 = arith.muli %add3A, %mul3A_1 : i32
    "tpu.region"() ({
      %run_scoped3A = tpu.sem_alloc : memref<!tpu.dma_semaphore, #tpu.memory_space<semaphore_mem>>
      %dma_start3A_56 = tpu.memref_slice %arg3[%mul3A_2] : memref<320000xi32, #tpu.memory_space<hbm>> -> memref<10000xi32, #tpu.memory_space<hbm>>
      %dma_start3A_57 = tpu.memref_slice %arg3[%mul3A_2] : memref<320000xi32, #tpu.memory_space<hbm>> -> memref<10000xi32, #tpu.memory_space<hbm>>
      tpu.enqueue_dma source(%dma_start3A_57 : memref<10000xi32, #tpu.memory_space<hbm>>) target(%arg6 : memref<10000xi32, #tpu.memory_space<vmem>>) target_semaphore(%run_scoped3A : memref<!tpu.dma_semaphore, #tpu.memory_space<semaphore_mem>>)
      %dma_wait3A_58 = tpu.memref_slice %arg3[%mul3A_2] : memref<320000xi32, #tpu.memory_space<hbm>> -> memref<10000xi32, #tpu.memory_space<hbm>>
      %dma_wait3A_59 = tpu.memref_slice %arg3[%mul3A_2] : memref<320000xi32, #tpu.memory_space<hbm>> -> memref<10000xi32, #tpu.memory_space<hbm>>
      tpu.wait_dma2 semaphore(%run_scoped3A : memref<!tpu.dma_semaphore, #tpu.memory_space<semaphore_mem>>) src(%dma_wait3A_59 : memref<10000xi32, #tpu.memory_space<hbm>>) dst(%arg6 : memref<10000xi32, #tpu.memory_space<vmem>>)
      tpu.yield
    }) : () -> ()
    %mul3A_3 = arith.constant 10000 : i32
    %mul3A_4 = arith.muli %add3A, %mul3A_3 : i32
    "tpu.region"() ({
      %run_scoped3A = tpu.sem_alloc : memref<!tpu.dma_semaphore, #tpu.memory_space<semaphore_mem>>
      %dma_start3A_56 = tpu.memref_slice %arg4[%mul3A_4] : memref<320000xi32, #tpu.memory_space<hbm>> -> memref<10000xi32, #tpu.memory_space<hbm>>
      %dma_start3A_57 = tpu.memref_slice %arg4[%mul3A_4] : memref<320000xi32, #tpu.memory_space<hbm>> -> memref<10000xi32, #tpu.memory_space<hbm>>
      tpu.enqueue_dma source(%dma_start3A_57 : memref<10000xi32, #tpu.memory_space<hbm>>) target(%arg7 : memref<10000xi32, #tpu.memory_space<vmem>>) target_semaphore(%run_scoped3A : memref<!tpu.dma_semaphore, #tpu.memory_space<semaphore_mem>>)
      %dma_wait3A_58 = tpu.memref_slice %arg4[%mul3A_4] : memref<320000xi32, #tpu.memory_space<hbm>> -> memref<10000xi32, #tpu.memory_space<hbm>>
      %dma_wait3A_59 = tpu.memref_slice %arg4[%mul3A_4] : memref<320000xi32, #tpu.memory_space<hbm>> -> memref<10000xi32, #tpu.memory_space<hbm>>
      tpu.wait_dma2 semaphore(%run_scoped3A : memref<!tpu.dma_semaphore, #tpu.memory_space<semaphore_mem>>) src(%dma_wait3A_59 : memref<10000xi32, #tpu.memory_space<hbm>>) dst(%arg7 : memref<10000xi32, #tpu.memory_space<vmem>>)
      tpu.yield
    }) : () -> ()
    %scan3A = arith.constant 0 : i32
    %scan3A_5 = arith.constant 0 : i32
    %scan3A_6 = arith.constant 5 : i32
    %scan3A_7 = arith.addi %scan3A_5, %scan3A_6 : i32
    %scan3A_8 = arith.constant 1 : i32
    %scan3A_9 = scf.for %scan3A_56 = %scan3A_5 to %scan3A_7 step %scan3A_8 iter_args(%scan3A_57 = %scan3A) -> (i32)  : i32 {
      %mul3A_58 = arith.constant 16 : i32
      %mul3A_59 = arith.muli %scan3A_56, %mul3A_58 : i32
      %add3A_60 = arith.constant 0 : i32
      %add3A_61 = arith.addi %add3A_60, %mul3A_59 : i32
      %get3A = arith.index_cast %add3A_61 : i32 to index
      %get3A_62 = tpu.vector_load %arg6[%get3A] {strides = array<i32>} : memref<10000xi32, #tpu.memory_space<vmem>>, vector<16xi32>,
      %get3A_63 = vector.shape_cast %get3A_62 : vector<16xi32> to vector<16xi32>
      %mul3A_64 = arith.constant 16 : i32
      %mul3A_65 = arith.muli %scan3A_56, %mul3A_64 : i32
      %swap3A = arith.index_cast %mul3A_65 : i32 to index
      %swap3A_66 = tpu.vector_load %arg8[%swap3A] {strides = array<i32>} : memref<80xi32, #tpu.memory_space<vmem>>, vector<16xi32>,
      %swap3A_67 = vector.shape_cast %swap3A_66 : vector<16xi32> to vector<16xi32>
      %swap3A_68 = vector.shape_cast %get3A_63 : vector<16xi32> to vector<16xi32>
      tpu.vector_store %arg8[%swap3A], %swap3A_68 {strides = array<i32>} : memref<80xi32, #tpu.memory_space<vmem>>, vector<16xi32>,
      %scan3A_69 = arith.constant 0 : i32
      scf.yield %scan3A_69 : i32
    }
    %scan3A_10 = arith.constant 5 : i32
    %scan3A_11 = arith.constant 0 : i32
    %scan3A_12 = arith.constant 0 : i32
    %scan3A_13 = arith.constant 5 : i32
    %scan3A_14 = arith.addi %scan3A_12, %scan3A_13 : i32
    %scan3A_15 = arith.constant 1 : i32
    %scan3A_16 = scf.for %scan3A_56 = %scan3A_12 to %scan3A_14 step %scan3A_15 iter_args(%scan3A_57 = %scan3A_11) -> (i32)  : i32 {
      %mul3A_58 = arith.constant 16 : i32
      %mul3A_59 = arith.muli %scan3A_56, %mul3A_58 : i32
      %add3A_60 = arith.constant 0 : i32
      %add3A_61 = arith.addi %add3A_60, %mul3A_59 : i32
      %get3A = arith.index_cast %add3A_61 : i32 to index
      %get3A_62 = tpu.vector_load %arg7[%get3A] {strides = array<i32>} : memref<10000xi32, #tpu.memory_space<vmem>>, vector<16xi32>,
      %get3A_63 = vector.shape_cast %get3A_62 : vector<16xi32> to vector<16xi32>
      %mul3A_64 = arith.constant 16 : i32
      %mul3A_65 = arith.muli %scan3A_56, %mul3A_64 : i32
      %swap3A = arith.index_cast %mul3A_65 : i32 to index
      %swap3A_66 = tpu.vector_load %arg10[%swap3A] {strides = array<i32>} : memref<80xi32, #tpu.memory_space<vmem>>, vector<16xi32>,
      %swap3A_67 = vector.shape_cast %swap3A_66 : vector<16xi32> to vector<16xi32>
      %swap3A_68 = vector.shape_cast %get3A_63 : vector<16xi32> to vector<16xi32>
      tpu.vector_store %arg10[%swap3A], %swap3A_68 {strides = array<i32>} : memref<80xi32, #tpu.memory_space<vmem>>, vector<16xi32>,
      %scan3A_69 = arith.constant 0 : i32
      scf.yield %scan3A_69 : i32
    }
    %scan3A_17 = arith.constant 5 : i32
    %dma_start3A = arith.constant 0 : i32
    %dma_start3A_18 = arith.constant 0 : i32
    %dma_start3A_19 = tpu.memref_slice %arg2[%dma_start3A, %dma_start3A_18] : memref<5000x128xf32, #tpu.memory_space<hbm>> -> memref<5000x128xf32, #tpu.memory_space<hbm>>
    tpu.enqueue_indirect_dma source(%dma_start3A_19 : memref<5000x128xf32, #tpu.memory_space<hbm>>) target(%arg12 : memref<80x128xf32, #tpu.memory_space<vmem>>) offsets(%arg8 : memref<80xi32, #tpu.memory_space<vmem>>) semaphore(%arg15 : memref<!tpu.dma_semaphore, #tpu.memory_space<semaphore_mem>>)
    %scan3A_20 = arith.constant 0 : i32
    %scan3A_21 = arith.constant 0 : i32
    %scan3A_22 = arith.constant 640 : i32
    %scan3A_23 = arith.addi %scan3A_21, %scan3A_22 : i32
    %scan3A_24 = arith.constant 1 : i32
    %scan3A_25 = scf.for %scan3A_56 = %scan3A_21 to %scan3A_23 step %scan3A_24 iter_args(%scan3A_57 = %scan3A_20) -> (i32)  : i32 {
      %jit3A = arith.constant 8 : i32
      %div3A = arith.divsi %scan3A_56, %jit3A : i32
      %sign3A = arith.constant 0 : i32
      %sign3A_58 = arith.cmpi sgt, %scan3A_56, %sign3A : i32
      %sign3A_59 = arith.extui %sign3A_58 : i1 to i32
      %sign3A_60 = arith.constant 0 : i32
      %sign3A_61 = arith.cmpi slt, %scan3A_56, %sign3A_60 : i32
      %sign3A_62 = arith.extui %sign3A_61 : i1 to i32
      %sign3A_63 = arith.subi %sign3A_59, %sign3A_62 : i32
      %sign3A_64 = arith.constant 0 : i32
      %sign3A_65 = arith.cmpi sgt, %jit3A, %sign3A_64 : i32
      %sign3A_66 = arith.extui %sign3A_65 : i1 to i32
      %sign3A_67 = arith.constant 0 : i32
      %sign3A_68 = arith.cmpi slt, %jit3A, %sign3A_67 : i32
      %sign3A_69 = arith.extui %sign3A_68 : i1 to i32
      %sign3A_70 = arith.subi %sign3A_66, %sign3A_69 : i32
      %ne3A = arith.cmpi ne, %sign3A_63, %sign3A_70 : i32
      %rem3A = arith.remsi %scan3A_56, %jit3A : i32
      %ne3A_71 = arith.constant 0 : i32
      %ne3A_72 = arith.cmpi ne, %rem3A, %ne3A_71 : i32
      %and3A = arith.andi %ne3A, %ne3A_72 : i1
      %sub3A = arith.constant 1 : i32
      %sub3A_73 = arith.subi %div3A, %sub3A : i32
      %select_n3A = arith.select %and3A, %sub3A_73, %div3A : i32
      %jit3A_74 = arith.constant 8 : i32
      %eq3A_75 = arith.constant 0 : i32
      %eq3A_76 = arith.cmpi eq, %jit3A_74, %eq3A_75 : i32
      %jit3A_77 = arith.constant 1 : i32
      %select_n3A_78 = arith.select %eq3A_76, %jit3A_77, %jit3A_74 : i32
      %rem3A_79 = arith.remsi %scan3A_56, %select_n3A_78 : i32
      %ne3A_80 = arith.constant 0 : i32
      %ne3A_81 = arith.cmpi ne, %rem3A_79, %ne3A_80 : i32
      %lt3A_82 = arith.constant 0 : i32
      %lt3A_83 = arith.cmpi slt, %rem3A_79, %lt3A_82 : i32
      %lt3A_84 = arith.constant 0 : i32
      %lt3A_85 = arith.cmpi slt, %select_n3A_78, %lt3A_84 : i32
      %ne3A_86 = arith.xori %lt3A_83, %lt3A_85 : i1
      %and3A_87 = arith.andi %ne3A_86, %ne3A_81 : i1
      %add3A_88 = arith.addi %rem3A_79, %select_n3A_78 : i32
      %select_n3A_89 = arith.select %and3A_87, %add3A_88, %rem3A_79 : i32
      %broadcast_in_dim3A = arith.constant 0.000000e+00 : f32
      %broadcast_in_dim3A_90 = vector.broadcast %broadcast_in_dim3A : f32 to vector<16xf32>
      %mul3A_91 = arith.constant 16 : i32
      %mul3A_92 = arith.muli %select_n3A_89, %mul3A_91 : i32
      %swap3A = arith.index_cast %select_n3A : i32 to index
      %swap3A_93 = arith.index_cast %mul3A_92 : i32 to index
      %swap3A_94 = tpu.vector_load %arg13[%swap3A, %swap3A_93] {strides = array<i32>} : memref<80x128xf32, #tpu.memory_space<vmem>>, vector<1x16xf32>,
      %swap3A_95 = vector.shape_cast %swap3A_94 : vector<1x16xf32> to vector<16xf32>
      %swap3A_96 = vector.shape_cast %broadcast_in_dim3A_90 : vector<16xf32> to vector<1x16xf32>
      tpu.vector_store %arg13[%swap3A, %swap3A_93], %swap3A_96 {strides = array<i32>} : memref<80x128xf32, #tpu.memory_space<vmem>>, vector<1x16xf32>,
      %scan3A_97 = arith.constant 0 : i32
      scf.yield %scan3A_97 : i32
    }
    %scan3A_26 = arith.constant 640 : i32
    %lt3A = arith.constant 15 : i32
    %lt3A_27 = arith.cmpi slt, %arg1, %lt3A : i32
    %convert_element_type3A = arith.extui %lt3A_27 : i1 to i32
    %cond3A = arith.constant 0 : i32
    %cond3A_28 = arith.cmpi ne, %convert_element_type3A, %cond3A : i32
    scf.if %cond3A_28 {
      %mul3A_56 = arith.constant 632 : i32
      %mul3A_57 = arith.muli %arg1, %mul3A_56 : i32
      %scan3A_58 = arith.constant 0 : i32
      %scan3A_59 = arith.constant 0 : i32
      %scan3A_60 = arith.constant 7 : i32
      %scan3A_61 = arith.addi %scan3A_59, %scan3A_60 : i32
      %scan3A_62 = arith.constant 1 : i32
      %scan3A_63 = scf.for %scan3A_67 = %scan3A_59 to %scan3A_61 step %scan3A_62 iter_args(%scan3A_68 = %scan3A_58) -> (i32)  : i32 {
        %mul3A_69 = arith.constant 80 : i32
        %mul3A_70 = arith.muli %scan3A_67, %mul3A_69 : i32
        %add3A_71 = arith.addi %mul3A_57, %mul3A_70 : i32
        "tpu.region"() ({
          %run_scoped3A = tpu.sem_alloc : memref<!tpu.dma_semaphore, #tpu.memory_space<semaphore_mem>>
          %dma_start3A_73 = arith.constant 0 : i32
          %dma_start3A_74 = arith.constant 0 : i32
          %dma_start3A_75 = tpu.memref_slice %arg13[%dma_start3A_73, %dma_start3A_74] : memref<80x128xf32, #tpu.memory_space<vmem>> -> memref<80x128xf32, #tpu.memory_space<vmem>>
          %dma_start3A_76 = arith.constant 0 : i32
          %dma_start3A_77 = tpu.memref_slice %arg14[%add3A_71, %dma_start3A_76] : memref<10016x128xf32, #tpu.memory_space<vmem_shared>> -> memref<80x128xf32, #tpu.memory_space<vmem_shared>>
          %dma_start3A_78 = arith.constant 0 : i32
          %dma_start3A_79 = tpu.memref_slice %arg14[%add3A_71, %dma_start3A_78] : memref<10016x128xf32, #tpu.memory_space<vmem_shared>> -> memref<80x128xf32, #tpu.memory_space<vmem_shared>>
          %dma_start3A_80 = arith.constant 0 : i32
          %dma_start3A_81 = arith.constant 0 : i32
          %dma_start3A_82 = tpu.memref_slice %arg13[%dma_start3A_80, %dma_start3A_81] : memref<80x128xf32, #tpu.memory_space<vmem>> -> memref<80x128xf32, #tpu.memory_space<vmem>>
          tpu.enqueue_dma source(%dma_start3A_82 : memref<80x128xf32, #tpu.memory_space<vmem>>) target(%dma_start3A_79 : memref<80x128xf32, #tpu.memory_space<vmem_shared>>) target_semaphore(%run_scoped3A : memref<!tpu.dma_semaphore, #tpu.memory_space<semaphore_mem>>)
          %dma_wait3A_83 = arith.constant 0 : i32
          %dma_wait3A_84 = arith.constant 0 : i32
          %dma_wait3A_85 = tpu.memref_slice %arg13[%dma_wait3A_83, %dma_wait3A_84] : memref<80x128xf32, #tpu.memory_space<vmem>> -> memref<80x128xf32, #tpu.memory_space<vmem>>
          %dma_wait3A_86 = arith.constant 0 : i32
          %dma_wait3A_87 = tpu.memref_slice %arg14[%add3A_71, %dma_wait3A_86] : memref<10016x128xf32, #tpu.memory_space<vmem_shared>> -> memref<80x128xf32, #tpu.memory_space<vmem_shared>>
          %dma_wait3A_88 = arith.constant 0 : i32
          %dma_wait3A_89 = tpu.memref_slice %arg14[%add3A_71, %dma_wait3A_88] : memref<10016x128xf32, #tpu.memory_space<vmem_shared>> -> memref<80x128xf32, #tpu.memory_space<vmem_shared>>
          %dma_wait3A_90 = arith.constant 0 : i32
          %dma_wait3A_91 = arith.constant 0 : i32
          %dma_wait3A_92 = tpu.memref_slice %arg13[%dma_wait3A_90, %dma_wait3A_91] : memref<80x128xf32, #tpu.memory_space<vmem>> -> memref<80x128xf32, #tpu.memory_space<vmem>>
          tpu.wait_dma2 semaphore(%run_scoped3A : memref<!tpu.dma_semaphore, #tpu.memory_space<semaphore_mem>>) src(%dma_wait3A_92 : memref<80x128xf32, #tpu.memory_space<vmem>>) dst(%dma_wait3A_89 : memref<80x128xf32, #tpu.memory_space<vmem_shared>>)
          tpu.yield
        }) : () -> ()
        %scan3A_72 = arith.constant 0 : i32
        scf.yield %scan3A_72 : i32
      }
      %scan3A_64 = arith.constant 7 : i32
      %add3A_65 = arith.constant 560 : i32
      %add3A_66 = arith.addi %mul3A_57, %add3A_65 : i32
      "tpu.region"() ({
        %run_scoped3A = tpu.sem_alloc : memref<!tpu.dma_semaphore, #tpu.memory_space<semaphore_mem>>
        %dma_start3A_67 = arith.constant 0 : i32
        %dma_start3A_68 = arith.constant 0 : i32
        %dma_start3A_69 = tpu.memref_slice %arg13[%dma_start3A_67, %dma_start3A_68] : memref<80x128xf32, #tpu.memory_space<vmem>> -> memref<72x128xf32, #tpu.memory_space<vmem>>
        %dma_start3A_70 = arith.constant 0 : i32
        %dma_start3A_71 = tpu.memref_slice %arg14[%add3A_66, %dma_start3A_70] : memref<10016x128xf32, #tpu.memory_space<vmem_shared>> -> memref<72x128xf32, #tpu.memory_space<vmem_shared>>
        %dma_start3A_72 = arith.constant 0 : i32
        %dma_start3A_73 = tpu.memref_slice %arg14[%add3A_66, %dma_start3A_72] : memref<10016x128xf32, #tpu.memory_space<vmem_shared>> -> memref<72x128xf32, #tpu.memory_space<vmem_shared>>
        %dma_start3A_74 = arith.constant 0 : i32
        %dma_start3A_75 = arith.constant 0 : i32
        %dma_start3A_76 = tpu.memref_slice %arg13[%dma_start3A_74, %dma_start3A_75] : memref<80x128xf32, #tpu.memory_space<vmem>> -> memref<72x128xf32, #tpu.memory_space<vmem>>
        tpu.enqueue_dma source(%dma_start3A_76 : memref<72x128xf32, #tpu.memory_space<vmem>>) target(%dma_start3A_73 : memref<72x128xf32, #tpu.memory_space<vmem_shared>>) target_semaphore(%run_scoped3A : memref<!tpu.dma_semaphore, #tpu.memory_space<semaphore_mem>>)
        %dma_wait3A_77 = arith.constant 0 : i32
        %dma_wait3A_78 = arith.constant 0 : i32
        %dma_wait3A_79 = tpu.memref_slice %arg13[%dma_wait3A_77, %dma_wait3A_78] : memref<80x128xf32, #tpu.memory_space<vmem>> -> memref<72x128xf32, #tpu.memory_space<vmem>>
        %dma_wait3A_80 = arith.constant 0 : i32
        %dma_wait3A_81 = tpu.memref_slice %arg14[%add3A_66, %dma_wait3A_80] : memref<10016x128xf32, #tpu.memory_space<vmem_shared>> -> memref<72x128xf32, #tpu.memory_space<vmem_shared>>
        %dma_wait3A_82 = arith.constant 0 : i32
        %dma_wait3A_83 = tpu.memref_slice %arg14[%add3A_66, %dma_wait3A_82] : memref<10016x128xf32, #tpu.memory_space<vmem_shared>> -> memref<72x128xf32, #tpu.memory_space<vmem_shared>>
        %dma_wait3A_84 = arith.constant 0 : i32
        %dma_wait3A_85 = arith.constant 0 : i32
        %dma_wait3A_86 = tpu.memref_slice %arg13[%dma_wait3A_84, %dma_wait3A_85] : memref<80x128xf32, #tpu.memory_space<vmem>> -> memref<72x128xf32, #tpu.memory_space<vmem>>
        tpu.wait_dma2 semaphore(%run_scoped3A : memref<!tpu.dma_semaphore, #tpu.memory_space<semaphore_mem>>) src(%dma_wait3A_86 : memref<72x128xf32, #tpu.memory_space<vmem>>) dst(%dma_wait3A_83 : memref<72x128xf32, #tpu.memory_space<vmem_shared>>)
        tpu.yield
      }) : () -> ()
    } else {
    }
    %eq3A = arith.constant 15 : i32
    %eq3A_29 = arith.cmpi eq, %arg1, %eq3A : i32
    %convert_element_type3A_30 = arith.extui %eq3A_29 : i1 to i32
    %cond3A_31 = arith.constant 0 : i32
    %cond3A_32 = arith.cmpi ne, %convert_element_type3A_30, %cond3A_31 : i32
    scf.if %cond3A_32 {
      %scan3A_56 = arith.constant 0 : i32
      %scan3A_57 = arith.constant 0 : i32
      %scan3A_58 = arith.constant 6 : i32
      %scan3A_59 = arith.addi %scan3A_57, %scan3A_58 : i32
      %scan3A_60 = arith.constant 1 : i32
      %scan3A_61 = scf.for %scan3A_63 = %scan3A_57 to %scan3A_59 step %scan3A_60 iter_args(%scan3A_64 = %scan3A_56) -> (i32)  : i32 {
        %mul3A_65 = arith.constant 80 : i32
        %mul3A_66 = arith.muli %scan3A_63, %mul3A_65 : i32
        %add3A_67 = arith.constant 9480 : i32
        %add3A_68 = arith.addi %add3A_67, %mul3A_66 : i32
        "tpu.region"() ({
          %run_scoped3A = tpu.sem_alloc : memref<!tpu.dma_semaphore, #tpu.memory_space<semaphore_mem>>
          %dma_start3A_70 = arith.constant 0 : i32
          %dma_start3A_71 = arith.constant 0 : i32
          %dma_start3A_72 = tpu.memref_slice %arg13[%dma_start3A_70, %dma_start3A_71] : memref<80x128xf32, #tpu.memory_space<vmem>> -> memref<80x128xf32, #tpu.memory_space<vmem>>
          %dma_start3A_73 = arith.constant 0 : i32
          %dma_start3A_74 = tpu.memref_slice %arg14[%add3A_68, %dma_start3A_73] : memref<10016x128xf32, #tpu.memory_space<vmem_shared>> -> memref<80x128xf32, #tpu.memory_space<vmem_shared>>
          %dma_start3A_75 = arith.constant 0 : i32
          %dma_start3A_76 = tpu.memref_slice %arg14[%add3A_68, %dma_start3A_75] : memref<10016x128xf32, #tpu.memory_space<vmem_shared>> -> memref<80x128xf32, #tpu.memory_space<vmem_shared>>
          %dma_start3A_77 = arith.constant 0 : i32
          %dma_start3A_78 = arith.constant 0 : i32
          %dma_start3A_79 = tpu.memref_slice %arg13[%dma_start3A_77, %dma_start3A_78] : memref<80x128xf32, #tpu.memory_space<vmem>> -> memref<80x128xf32, #tpu.memory_space<vmem>>
          tpu.enqueue_dma source(%dma_start3A_79 : memref<80x128xf32, #tpu.memory_space<vmem>>) target(%dma_start3A_76 : memref<80x128xf32, #tpu.memory_space<vmem_shared>>) target_semaphore(%run_scoped3A : memref<!tpu.dma_semaphore, #tpu.memory_space<semaphore_mem>>)
          %dma_wait3A_80 = arith.constant 0 : i32
          %dma_wait3A_81 = arith.constant 0 : i32
          %dma_wait3A_82 = tpu.memref_slice %arg13[%dma_wait3A_80, %dma_wait3A_81] : memref<80x128xf32, #tpu.memory_space<vmem>> -> memref<80x128xf32, #tpu.memory_space<vmem>>
          %dma_wait3A_83 = arith.constant 0 : i32
          %dma_wait3A_84 = tpu.memref_slice %arg14[%add3A_68, %dma_wait3A_83] : memref<10016x128xf32, #tpu.memory_space<vmem_shared>> -> memref<80x128xf32, #tpu.memory_space<vmem_shared>>
          %dma_wait3A_85 = arith.constant 0 : i32
          %dma_wait3A_86 = tpu.memref_slice %arg14[%add3A_68, %dma_wait3A_85] : memref<10016x128xf32, #tpu.memory_space<vmem_shared>> -> memref<80x128xf32, #tpu.memory_space<vmem_shared>>
          %dma_wait3A_87 = arith.constant 0 : i32
          %dma_wait3A_88 = arith.constant 0 : i32
          %dma_wait3A_89 = tpu.memref_slice %arg13[%dma_wait3A_87, %dma_wait3A_88] : memref<80x128xf32, #tpu.memory_space<vmem>> -> memref<80x128xf32, #tpu.memory_space<vmem>>
          tpu.wait_dma2 semaphore(%run_scoped3A : memref<!tpu.dma_semaphore, #tpu.memory_space<semaphore_mem>>) src(%dma_wait3A_89 : memref<80x128xf32, #tpu.memory_space<vmem>>) dst(%dma_wait3A_86 : memref<80x128xf32, #tpu.memory_space<vmem_shared>>)
          tpu.yield
        }) : () -> ()
        %scan3A_69 = arith.constant 0 : i32
        scf.yield %scan3A_69 : i32
      }
      %scan3A_62 = arith.constant 6 : i32
      "tpu.region"() ({
        %run_scoped3A = tpu.sem_alloc : memref<!tpu.dma_semaphore, #tpu.memory_space<semaphore_mem>>
        %dma_start3A_63 = arith.constant 0 : i32
        %dma_start3A_64 = arith.constant 0 : i32
        %dma_start3A_65 = tpu.memref_slice %arg13[%dma_start3A_63, %dma_start3A_64] : memref<80x128xf32, #tpu.memory_space<vmem>> -> memref<56x128xf32, #tpu.memory_space<vmem>>
        %dma_start3A_66 = arith.constant 9960 : i32
        %dma_start3A_67 = arith.constant 0 : i32
        %dma_start3A_68 = tpu.memref_slice %arg14[%dma_start3A_66, %dma_start3A_67] : memref<10016x128xf32, #tpu.memory_space<vmem_shared>> -> memref<56x128xf32, #tpu.memory_space<vmem_shared>>
        %dma_start3A_69 = arith.constant 9960 : i32
        %dma_start3A_70 = arith.constant 0 : i32
        %dma_start3A_71 = tpu.memref_slice %arg14[%dma_start3A_69, %dma_start3A_70] : memref<10016x128xf32, #tpu.memory_space<vmem_shared>> -> memref<56x128xf32, #tpu.memory_space<vmem_shared>>
        %dma_start3A_72 = arith.constant 0 : i32
        %dma_start3A_73 = arith.constant 0 : i32
        %dma_start3A_74 = tpu.memref_slice %arg13[%dma_start3A_72, %dma_start3A_73] : memref<80x128xf32, #tpu.memory_space<vmem>> -> memref<56x128xf32, #tpu.memory_space<vmem>>
        tpu.enqueue_dma source(%dma_start3A_74 : memref<56x128xf32, #tpu.memory_space<vmem>>) target(%dma_start3A_71 : memref<56x128xf32, #tpu.memory_space<vmem_shared>>) target_semaphore(%run_scoped3A : memref<!tpu.dma_semaphore, #tpu.memory_space<semaphore_mem>>)
        %dma_wait3A_75 = arith.constant 0 : i32
        %dma_wait3A_76 = arith.constant 0 : i32
        %dma_wait3A_77 = tpu.memref_slice %arg13[%dma_wait3A_75, %dma_wait3A_76] : memref<80x128xf32, #tpu.memory_space<vmem>> -> memref<56x128xf32, #tpu.memory_space<vmem>>
        %dma_wait3A_78 = arith.constant 9960 : i32
        %dma_wait3A_79 = arith.constant 0 : i32
        %dma_wait3A_80 = tpu.memref_slice %arg14[%dma_wait3A_78, %dma_wait3A_79] : memref<10016x128xf32, #tpu.memory_space<vmem_shared>> -> memref<56x128xf32, #tpu.memory_space<vmem_shared>>
        %dma_wait3A_81 = arith.constant 9960 : i32
        %dma_wait3A_82 = arith.constant 0 : i32
        %dma_wait3A_83 = tpu.memref_slice %arg14[%dma_wait3A_81, %dma_wait3A_82] : memref<10016x128xf32, #tpu.memory_space<vmem_shared>> -> memref<56x128xf32, #tpu.memory_space<vmem_shared>>
        %dma_wait3A_84 = arith.constant 0 : i32
        %dma_wait3A_85 = arith.constant 0 : i32
        %dma_wait3A_86 = tpu.memref_slice %arg13[%dma_wait3A_84, %dma_wait3A_85] : memref<80x128xf32, #tpu.memory_space<vmem>> -> memref<56x128xf32, #tpu.memory_space<vmem>>
        tpu.wait_dma2 semaphore(%run_scoped3A : memref<!tpu.dma_semaphore, #tpu.memory_space<semaphore_mem>>) src(%dma_wait3A_86 : memref<56x128xf32, #tpu.memory_space<vmem>>) dst(%dma_wait3A_83 : memref<56x128xf32, #tpu.memory_space<vmem_shared>>)
        tpu.yield
      }) : () -> ()
    } else {
    }
    %barrier3A = arith.constant 0 : index
    tpu.barrier barrier_id(%barrier3A)
    %scan3A_33 = arith.constant 0 : i32
    %scan3A_34 = arith.constant 0 : i32
    %scan3A_35 = arith.constant 125 : i32
    %scan3A_36 = arith.addi %scan3A_34, %scan3A_35 : i32
    %scan3A_37 = arith.constant 1 : i32
    %scan3A_38 = scf.for %scan3A_56 = %scan3A_34 to %scan3A_36 step %scan3A_37 iter_args(%scan3A_57 = %scan3A_33) -> (i32)  : i32 {
      %jit3A = arith.constant 2 : i32
      %eq3A_58 = arith.constant 0 : i32
      %eq3A_59 = arith.cmpi eq, %jit3A, %eq3A_58 : i32
      %jit3A_60 = arith.constant 1 : i32
      %select_n3A = arith.select %eq3A_59, %jit3A_60, %jit3A : i32
      %rem3A = arith.remsi %scan3A_56, %select_n3A : i32
      %ne3A = arith.constant 0 : i32
      %ne3A_61 = arith.cmpi ne, %rem3A, %ne3A : i32
      %lt3A_62 = arith.constant 0 : i32
      %lt3A_63 = arith.cmpi slt, %rem3A, %lt3A_62 : i32
      %lt3A_64 = arith.constant 0 : i32
      %lt3A_65 = arith.cmpi slt, %select_n3A, %lt3A_64 : i32
      %ne3A_66 = arith.xori %lt3A_63, %lt3A_65 : i1
      %and3A = arith.andi %ne3A_66, %ne3A_61 : i1
      %add3A_67 = arith.addi %rem3A, %select_n3A : i32
      %select_n3A_68 = arith.select %and3A, %add3A_67, %rem3A : i32
      %eq3A_69 = arith.constant 0 : i32
      %eq3A_70 = arith.cmpi eq, %select_n3A_68, %eq3A_69 : i32
      %convert_element_type3A_71 = arith.extui %eq3A_70 : i1 to i32
      %cond3A_72 = arith.constant 0 : i32
      %cond3A_73 = arith.cmpi ne, %convert_element_type3A_71, %cond3A_72 : i32
      scf.if %cond3A_73 {
        %add3A_96 = arith.constant 1 : i32
        %add3A_97 = arith.addi %scan3A_56, %add3A_96 : i32
        %lt3A_98 = arith.constant 125 : i32
        %lt3A_99 = arith.cmpi slt, %add3A_97, %lt3A_98 : i32
        %convert_element_type3A_100 = arith.extui %lt3A_99 : i1 to i32
        %cond3A_101 = arith.constant 0 : i32
        %cond3A_102 = arith.cmpi ne, %convert_element_type3A_100, %cond3A_101 : i32
        scf.if %cond3A_102 {
          %ge3A = arith.constant 1 : i32
          %ge3A_109 = arith.cmpi sge, %scan3A_56, %ge3A : i32
          %convert_element_type3A_110 = arith.extui %ge3A_109 : i1 to i32
          %cond3A_111 = arith.constant 0 : i32
          %cond3A_112 = arith.cmpi ne, %convert_element_type3A_110, %cond3A_111 : i32
          scf.if %cond3A_112 {
            %dma_wait3A_134 = arith.constant 0 : i32
            %dma_wait3A_135 = arith.constant 0 : i32
            %dma_wait3A_136 = tpu.memref_slice %arg14[%dma_wait3A_134, %dma_wait3A_135] : memref<10016x128xf32, #tpu.memory_space<vmem_shared>> -> memref<10016x128xf32, #tpu.memory_space<vmem_shared>>
            tpu.wait_indirect_dma semaphore(%arg18 : memref<!tpu.dma_semaphore, #tpu.memory_space<semaphore_mem>>) src(%arg13 : memref<80x128xf32, #tpu.memory_space<vmem>>) dst(%dma_wait3A_136 : memref<10016x128xf32, #tpu.memory_space<vmem_shared>>)
          } else {
          }
          %add3A_113 = arith.constant 1 : i32
          %add3A_114 = arith.addi %scan3A_56, %add3A_113 : i32
          %scan3A_115 = arith.constant 0 : i32
          %scan3A_116 = arith.constant 0 : i32
          %scan3A_117 = arith.constant 5 : i32
          %scan3A_118 = arith.addi %scan3A_116, %scan3A_117 : i32
          %scan3A_119 = arith.constant 1 : i32
          %scan3A_120 = scf.for %scan3A_134 = %scan3A_116 to %scan3A_118 step %scan3A_119 iter_args(%scan3A_135 = %scan3A_115) -> (i32)  : i32 {
            %mul3A_136 = arith.constant 80 : i32
            %mul3A_137 = arith.muli %add3A_114, %mul3A_136 : i32
            %mul3A_138 = arith.constant 16 : i32
            %mul3A_139 = arith.muli %scan3A_134, %mul3A_138 : i32
            %add3A_140 = arith.addi %mul3A_137, %mul3A_139 : i32
            %get3A = arith.index_cast %add3A_140 : i32 to index
            %get3A_141 = tpu.vector_load %arg6[%get3A] {strides = array<i32>} : memref<10000xi32, #tpu.memory_space<vmem>>, vector<16xi32>,
            %get3A_142 = vector.shape_cast %get3A_141 : vector<16xi32> to vector<16xi32>
            %mul3A_143 = arith.constant 16 : i32
            %mul3A_144 = arith.muli %scan3A_134, %mul3A_143 : i32
            %swap3A = arith.index_cast %mul3A_144 : i32 to index
            %swap3A_145 = tpu.vector_load %arg9[%swap3A] {strides = array<i32>} : memref<80xi32, #tpu.memory_space<vmem>>, vector<16xi32>,
            %swap3A_146 = vector.shape_cast %swap3A_145 : vector<16xi32> to vector<16xi32>
            %swap3A_147 = vector.shape_cast %get3A_142 : vector<16xi32> to vector<16xi32>
            tpu.vector_store %arg9[%swap3A], %swap3A_147 {strides = array<i32>} : memref<80xi32, #tpu.memory_space<vmem>>, vector<16xi32>,
            %scan3A_148 = arith.constant 0 : i32
            scf.yield %scan3A_148 : i32
          }
          %scan3A_121 = arith.constant 5 : i32
          %add3A_122 = arith.constant 1 : i32
          %add3A_123 = arith.addi %scan3A_56, %add3A_122 : i32
          %scan3A_124 = arith.constant 0 : i32
          %scan3A_125 = arith.constant 0 : i32
          %scan3A_126 = arith.constant 5 : i32
          %scan3A_127 = arith.addi %scan3A_125, %scan3A_126 : i32
          %scan3A_128 = arith.constant 1 : i32
          %scan3A_129 = scf.for %scan3A_134 = %scan3A_125 to %scan3A_127 step %scan3A_128 iter_args(%scan3A_135 = %scan3A_124) -> (i32)  : i32 {
            %mul3A_136 = arith.constant 80 : i32
            %mul3A_137 = arith.muli %add3A_123, %mul3A_136 : i32
            %mul3A_138 = arith.constant 16 : i32
            %mul3A_139 = arith.muli %scan3A_134, %mul3A_138 : i32
            %add3A_140 = arith.addi %mul3A_137, %mul3A_139 : i32
            %get3A = arith.index_cast %add3A_140 : i32 to index
            %get3A_141 = tpu.vector_load %arg7[%get3A] {strides = array<i32>} : memref<10000xi32, #tpu.memory_space<vmem>>, vector<16xi32>,
            %get3A_142 = vector.shape_cast %get3A_141 : vector<16xi32> to vector<16xi32>
            %mul3A_143 = arith.constant 16 : i32
            %mul3A_144 = arith.muli %scan3A_134, %mul3A_143 : i32
            %swap3A = arith.index_cast %mul3A_144 : i32 to index
            %swap3A_145 = tpu.vector_load %arg11[%swap3A] {strides = array<i32>} : memref<80xi32, #tpu.memory_space<vmem>>, vector<16xi32>,
            %swap3A_146 = vector.shape_cast %swap3A_145 : vector<16xi32> to vector<16xi32>
            %swap3A_147 = vector.shape_cast %get3A_142 : vector<16xi32> to vector<16xi32>
            tpu.vector_store %arg11[%swap3A], %swap3A_147 {strides = array<i32>} : memref<80xi32, #tpu.memory_space<vmem>>, vector<16xi32>,
            %scan3A_148 = arith.constant 0 : i32
            scf.yield %scan3A_148 : i32
          }
          %scan3A_130 = arith.constant 5 : i32
          %dma_start3A_131 = arith.constant 0 : i32
          %dma_start3A_132 = arith.constant 0 : i32
          %dma_start3A_133 = tpu.memref_slice %arg2[%dma_start3A_131, %dma_start3A_132] : memref<5000x128xf32, #tpu.memory_space<hbm>> -> memref<5000x128xf32, #tpu.memory_space<hbm>>
          tpu.enqueue_indirect_dma source(%dma_start3A_133 : memref<5000x128xf32, #tpu.memory_space<hbm>>) target(%arg13 : memref<80x128xf32, #tpu.memory_space<vmem>>) offsets(%arg9 : memref<80xi32, #tpu.memory_space<vmem>>) semaphore(%arg16 : memref<!tpu.dma_semaphore, #tpu.memory_space<semaphore_mem>>)
        } else {
        }
        %dma_wait3A_103 = arith.constant 0 : i32
        %dma_wait3A_104 = arith.constant 0 : i32
        %dma_wait3A_105 = tpu.memref_slice %arg2[%dma_wait3A_103, %dma_wait3A_104] : memref<5000x128xf32, #tpu.memory_space<hbm>> -> memref<5000x128xf32, #tpu.memory_space<hbm>>
        tpu.wait_indirect_dma semaphore(%arg15 : memref<!tpu.dma_semaphore, #tpu.memory_space<semaphore_mem>>) src(%dma_wait3A_105 : memref<5000x128xf32, #tpu.memory_space<hbm>>) dst(%arg12 : memref<80x128xf32, #tpu.memory_space<vmem>>)
        %dma_start3A_106 = arith.constant 0 : i32
        %dma_start3A_107 = arith.constant 0 : i32
        %dma_start3A_108 = tpu.memref_slice %arg14[%dma_start3A_106, %dma_start3A_107] : memref<10016x128xf32, #tpu.memory_space<vmem_shared>> -> memref<10016x128xf32, #tpu.memory_space<vmem_shared>>
        tpu.enqueue_indirect_dma source(%arg12 : memref<80x128xf32, #tpu.memory_space<vmem>>) target(%dma_start3A_108 : memref<10016x128xf32, #tpu.memory_space<vmem_shared>>) offsets(%arg10 : memref<80xi32, #tpu.memory_space<vmem>>) semaphore(%arg17 : memref<!tpu.dma_semaphore, #tpu.memory_space<semaphore_mem>>) {add = true}
      } else {
      }
      %jit3A_74 = arith.constant 2 : i32
      %eq3A_75 = arith.constant 0 : i32
      %eq3A_76 = arith.cmpi eq, %jit3A_74, %eq3A_75 : i32
      %jit3A_77 = arith.constant 1 : i32
      %select_n3A_78 = arith.select %eq3A_76, %jit3A_77, %jit3A_74 : i32
      %rem3A_79 = arith.remsi %scan3A_56, %select_n3A_78 : i32
      %ne3A_80 = arith.constant 0 : i32
      %ne3A_81 = arith.cmpi ne, %rem3A_79, %ne3A_80 : i32
      %lt3A_82 = arith.constant 0 : i32
      %lt3A_83 = arith.cmpi slt, %rem3A_79, %lt3A_82 : i32
      %lt3A_84 = arith.constant 0 : i32
      %lt3A_85 = arith.cmpi slt, %select_n3A_78, %lt3A_84 : i32
      %ne3A_86 = arith.xori %lt3A_83, %lt3A_85 : i1
      %and3A_87 = arith.andi %ne3A_86, %ne3A_81 : i1
      %add3A_88 = arith.addi %rem3A_79, %select_n3A_78 : i32
      %select_n3A_89 = arith.select %and3A_87, %add3A_88, %rem3A_79 : i32
      %eq3A_90 = arith.constant 1 : i32
      %eq3A_91 = arith.cmpi eq, %select_n3A_89, %eq3A_90 : i32
      %convert_element_type3A_92 = arith.extui %eq3A_91 : i1 to i32
      %cond3A_93 = arith.constant 0 : i32
      %cond3A_94 = arith.cmpi ne, %convert_element_type3A_92, %cond3A_93 : i32
      scf.if %cond3A_94 {
        %add3A_96 = arith.constant 1 : i32
        %add3A_97 = arith.addi %scan3A_56, %add3A_96 : i32
        %lt3A_98 = arith.constant 125 : i32
        %lt3A_99 = arith.cmpi slt, %add3A_97, %lt3A_98 : i32
        %convert_element_type3A_100 = arith.extui %lt3A_99 : i1 to i32
        %cond3A_101 = arith.constant 0 : i32
        %cond3A_102 = arith.cmpi ne, %convert_element_type3A_100, %cond3A_101 : i32
        scf.if %cond3A_102 {
          %ge3A = arith.constant 1 : i32
          %ge3A_109 = arith.cmpi sge, %scan3A_56, %ge3A : i32
          %convert_element_type3A_110 = arith.extui %ge3A_109 : i1 to i32
          %cond3A_111 = arith.constant 0 : i32
          %cond3A_112 = arith.cmpi ne, %convert_element_type3A_110, %cond3A_111 : i32
          scf.if %cond3A_112 {
            %dma_wait3A_134 = arith.constant 0 : i32
            %dma_wait3A_135 = arith.constant 0 : i32
            %dma_wait3A_136 = tpu.memref_slice %arg14[%dma_wait3A_134, %dma_wait3A_135] : memref<10016x128xf32, #tpu.memory_space<vmem_shared>> -> memref<10016x128xf32, #tpu.memory_space<vmem_shared>>
            tpu.wait_indirect_dma semaphore(%arg17 : memref<!tpu.dma_semaphore, #tpu.memory_space<semaphore_mem>>) src(%arg12 : memref<80x128xf32, #tpu.memory_space<vmem>>) dst(%dma_wait3A_136 : memref<10016x128xf32, #tpu.memory_space<vmem_shared>>)
          } else {
          }
          %add3A_113 = arith.constant 1 : i32
          %add3A_114 = arith.addi %scan3A_56, %add3A_113 : i32
          %scan3A_115 = arith.constant 0 : i32
          %scan3A_116 = arith.constant 0 : i32
          %scan3A_117 = arith.constant 5 : i32
          %scan3A_118 = arith.addi %scan3A_116, %scan3A_117 : i32
          %scan3A_119 = arith.constant 1 : i32
          %scan3A_120 = scf.for %scan3A_134 = %scan3A_116 to %scan3A_118 step %scan3A_119 iter_args(%scan3A_135 = %scan3A_115) -> (i32)  : i32 {
            %mul3A_136 = arith.constant 80 : i32
            %mul3A_137 = arith.muli %add3A_114, %mul3A_136 : i32
            %mul3A_138 = arith.constant 16 : i32
            %mul3A_139 = arith.muli %scan3A_134, %mul3A_138 : i32
            %add3A_140 = arith.addi %mul3A_137, %mul3A_139 : i32
            %get3A = arith.index_cast %add3A_140 : i32 to index
            %get3A_141 = tpu.vector_load %arg6[%get3A] {strides = array<i32>} : memref<10000xi32, #tpu.memory_space<vmem>>, vector<16xi32>,
            %get3A_142 = vector.shape_cast %get3A_141 : vector<16xi32> to vector<16xi32>
            %mul3A_143 = arith.constant 16 : i32
            %mul3A_144 = arith.muli %scan3A_134, %mul3A_143 : i32
            %swap3A = arith.index_cast %mul3A_144 : i32 to index
            %swap3A_145 = tpu.vector_load %arg8[%swap3A] {strides = array<i32>} : memref<80xi32, #tpu.memory_space<vmem>>, vector<16xi32>,
            %swap3A_146 = vector.shape_cast %swap3A_145 : vector<16xi32> to vector<16xi32>
            %swap3A_147 = vector.shape_cast %get3A_142 : vector<16xi32> to vector<16xi32>
            tpu.vector_store %arg8[%swap3A], %swap3A_147 {strides = array<i32>} : memref<80xi32, #tpu.memory_space<vmem>>, vector<16xi32>,
            %scan3A_148 = arith.constant 0 : i32
            scf.yield %scan3A_148 : i32
          }
          %scan3A_121 = arith.constant 5 : i32
          %add3A_122 = arith.constant 1 : i32
          %add3A_123 = arith.addi %scan3A_56, %add3A_122 : i32
          %scan3A_124 = arith.constant 0 : i32
          %scan3A_125 = arith.constant 0 : i32
          %scan3A_126 = arith.constant 5 : i32
          %scan3A_127 = arith.addi %scan3A_125, %scan3A_126 : i32
          %scan3A_128 = arith.constant 1 : i32
          %scan3A_129 = scf.for %scan3A_134 = %scan3A_125 to %scan3A_127 step %scan3A_128 iter_args(%scan3A_135 = %scan3A_124) -> (i32)  : i32 {
            %mul3A_136 = arith.constant 80 : i32
            %mul3A_137 = arith.muli %add3A_123, %mul3A_136 : i32
            %mul3A_138 = arith.constant 16 : i32
            %mul3A_139 = arith.muli %scan3A_134, %mul3A_138 : i32
            %add3A_140 = arith.addi %mul3A_137, %mul3A_139 : i32
            %get3A = arith.index_cast %add3A_140 : i32 to index
            %get3A_141 = tpu.vector_load %arg7[%get3A] {strides = array<i32>} : memref<10000xi32, #tpu.memory_space<vmem>>, vector<16xi32>,
            %get3A_142 = vector.shape_cast %get3A_141 : vector<16xi32> to vector<16xi32>
            %mul3A_143 = arith.constant 16 : i32
            %mul3A_144 = arith.muli %scan3A_134, %mul3A_143 : i32
            %swap3A = arith.index_cast %mul3A_144 : i32 to index
            %swap3A_145 = tpu.vector_load %arg10[%swap3A] {strides = array<i32>} : memref<80xi32, #tpu.memory_space<vmem>>, vector<16xi32>,
            %swap3A_146 = vector.shape_cast %swap3A_145 : vector<16xi32> to vector<16xi32>
            %swap3A_147 = vector.shape_cast %get3A_142 : vector<16xi32> to vector<16xi32>
            tpu.vector_store %arg10[%swap3A], %swap3A_147 {strides = array<i32>} : memref<80xi32, #tpu.memory_space<vmem>>, vector<16xi32>,
            %scan3A_148 = arith.constant 0 : i32
            scf.yield %scan3A_148 : i32
          }
          %scan3A_130 = arith.constant 5 : i32
          %dma_start3A_131 = arith.constant 0 : i32
          %dma_start3A_132 = arith.constant 0 : i32
          %dma_start3A_133 = tpu.memref_slice %arg2[%dma_start3A_131, %dma_start3A_132] : memref<5000x128xf32, #tpu.memory_space<hbm>> -> memref<5000x128xf32, #tpu.memory_space<hbm>>
          tpu.enqueue_indirect_dma source(%dma_start3A_133 : memref<5000x128xf32, #tpu.memory_space<hbm>>) target(%arg12 : memref<80x128xf32, #tpu.memory_space<vmem>>) offsets(%arg8 : memref<80xi32, #tpu.memory_space<vmem>>) semaphore(%arg15 : memref<!tpu.dma_semaphore, #tpu.memory_space<semaphore_mem>>)
        } else {
        }
        %dma_wait3A_103 = arith.constant 0 : i32
        %dma_wait3A_104 = arith.constant 0 : i32
        %dma_wait3A_105 = tpu.memref_slice %arg2[%dma_wait3A_103, %dma_wait3A_104] : memref<5000x128xf32, #tpu.memory_space<hbm>> -> memref<5000x128xf32, #tpu.memory_space<hbm>>
        tpu.wait_indirect_dma semaphore(%arg16 : memref<!tpu.dma_semaphore, #tpu.memory_space<semaphore_mem>>) src(%dma_wait3A_105 : memref<5000x128xf32, #tpu.memory_space<hbm>>) dst(%arg13 : memref<80x128xf32, #tpu.memory_space<vmem>>)
        %dma_start3A_106 = arith.constant 0 : i32
        %dma_start3A_107 = arith.constant 0 : i32
        %dma_start3A_108 = tpu.memref_slice %arg14[%dma_start3A_106, %dma_start3A_107] : memref<10016x128xf32, #tpu.memory_space<vmem_shared>> -> memref<10016x128xf32, #tpu.memory_space<vmem_shared>>
        tpu.enqueue_indirect_dma source(%arg13 : memref<80x128xf32, #tpu.memory_space<vmem>>) target(%dma_start3A_108 : memref<10016x128xf32, #tpu.memory_space<vmem_shared>>) offsets(%arg11 : memref<80xi32, #tpu.memory_space<vmem>>) semaphore(%arg18 : memref<!tpu.dma_semaphore, #tpu.memory_space<semaphore_mem>>) {add = true}
      } else {
      }
      %scan3A_95 = arith.constant 0 : i32
      scf.yield %scan3A_95 : i32
    }
    %scan3A_39 = arith.constant 125 : i32
    %dma_wait3A = arith.constant 0 : i32
    %dma_wait3A_40 = arith.constant 0 : i32
    %dma_wait3A_41 = tpu.memref_slice %arg14[%dma_wait3A, %dma_wait3A_40] : memref<10016x128xf32, #tpu.memory_space<vmem_shared>> -> memref<10016x128xf32, #tpu.memory_space<vmem_shared>>
    tpu.wait_indirect_dma semaphore(%arg17 : memref<!tpu.dma_semaphore, #tpu.memory_space<semaphore_mem>>) src(%arg12 : memref<80x128xf32, #tpu.memory_space<vmem>>) dst(%dma_wait3A_41 : memref<10016x128xf32, #tpu.memory_space<vmem_shared>>)
    %dma_wait3A_42 = arith.constant 0 : i32
    %dma_wait3A_43 = arith.constant 0 : i32
    %dma_wait3A_44 = tpu.memref_slice %arg14[%dma_wait3A_42, %dma_wait3A_43] : memref<10016x128xf32, #tpu.memory_space<vmem_shared>> -> memref<10016x128xf32, #tpu.memory_space<vmem_shared>>
    tpu.wait_indirect_dma semaphore(%arg18 : memref<!tpu.dma_semaphore, #tpu.memory_space<semaphore_mem>>) src(%arg13 : memref<80x128xf32, #tpu.memory_space<vmem>>) dst(%dma_wait3A_44 : memref<10016x128xf32, #tpu.memory_space<vmem_shared>>)
    %barrier3A_45 = arith.constant 0 : index
    tpu.barrier barrier_id(%barrier3A_45)
    %lt3A_46 = arith.constant 15 : i32
    %lt3A_47 = arith.cmpi slt, %arg1, %lt3A_46 : i32
    %convert_element_type3A_48 = arith.extui %lt3A_47 : i1 to i32
    %cond3A_49 = arith.constant 0 : i32
    %cond3A_50 = arith.cmpi ne, %convert_element_type3A_48, %cond3A_49 : i32
    scf.if %cond3A_50 {
      %mul3A_56 = arith.constant 632 : i32
      %mul3A_57 = arith.muli %arg1, %mul3A_56 : i32
      %scan3A_58 = arith.constant 0 : i32
      %scan3A_59 = arith.constant 0 : i32
      %scan3A_60 = arith.constant 7 : i32
      %scan3A_61 = arith.addi %scan3A_59, %scan3A_60 : i32
      %scan3A_62 = arith.constant 1 : i32
      %scan3A_63 = scf.for %scan3A_67 = %scan3A_59 to %scan3A_61 step %scan3A_62 iter_args(%scan3A_68 = %scan3A_58) -> (i32)  : i32 {
        %mul3A_69 = arith.constant 80 : i32
        %mul3A_70 = arith.muli %scan3A_67, %mul3A_69 : i32
        %add3A_71 = arith.addi %mul3A_57, %mul3A_70 : i32
        "tpu.region"() ({
          %run_scoped3A = tpu.sem_alloc : memref<!tpu.dma_semaphore, #tpu.memory_space<semaphore_mem>>
          %dma_start3A_73 = arith.constant 0 : i32
          %dma_start3A_74 = arith.constant 0 : i32
          %dma_start3A_75 = tpu.memref_slice %arg12[%dma_start3A_73, %dma_start3A_74] : memref<80x128xf32, #tpu.memory_space<vmem>> -> memref<80x128xf32, #tpu.memory_space<vmem>>
          %dma_start3A_76 = arith.constant 0 : i32
          %dma_start3A_77 = tpu.memref_slice %arg14[%add3A_71, %dma_start3A_76] : memref<10016x128xf32, #tpu.memory_space<vmem_shared>> -> memref<80x128xf32, #tpu.memory_space<vmem_shared>>
          %dma_start3A_78 = arith.constant 0 : i32
          %dma_start3A_79 = arith.constant 0 : i32
          %dma_start3A_80 = tpu.memref_slice %arg12[%dma_start3A_78, %dma_start3A_79] : memref<80x128xf32, #tpu.memory_space<vmem>> -> memref<80x128xf32, #tpu.memory_space<vmem>>
          %dma_start3A_81 = arith.constant 0 : i32
          %dma_start3A_82 = tpu.memref_slice %arg14[%add3A_71, %dma_start3A_81] : memref<10016x128xf32, #tpu.memory_space<vmem_shared>> -> memref<80x128xf32, #tpu.memory_space<vmem_shared>>
          tpu.enqueue_dma source(%dma_start3A_82 : memref<80x128xf32, #tpu.memory_space<vmem_shared>>) target(%dma_start3A_80 : memref<80x128xf32, #tpu.memory_space<vmem>>) target_semaphore(%run_scoped3A : memref<!tpu.dma_semaphore, #tpu.memory_space<semaphore_mem>>)
          %dma_wait3A_83 = arith.constant 0 : i32
          %dma_wait3A_84 = arith.constant 0 : i32
          %dma_wait3A_85 = tpu.memref_slice %arg12[%dma_wait3A_83, %dma_wait3A_84] : memref<80x128xf32, #tpu.memory_space<vmem>> -> memref<80x128xf32, #tpu.memory_space<vmem>>
          %dma_wait3A_86 = arith.constant 0 : i32
          %dma_wait3A_87 = tpu.memref_slice %arg14[%add3A_71, %dma_wait3A_86] : memref<10016x128xf32, #tpu.memory_space<vmem_shared>> -> memref<80x128xf32, #tpu.memory_space<vmem_shared>>
          %dma_wait3A_88 = arith.constant 0 : i32
          %dma_wait3A_89 = arith.constant 0 : i32
          %dma_wait3A_90 = tpu.memref_slice %arg12[%dma_wait3A_88, %dma_wait3A_89] : memref<80x128xf32, #tpu.memory_space<vmem>> -> memref<80x128xf32, #tpu.memory_space<vmem>>
          %dma_wait3A_91 = arith.constant 0 : i32
          %dma_wait3A_92 = tpu.memref_slice %arg14[%add3A_71, %dma_wait3A_91] : memref<10016x128xf32, #tpu.memory_space<vmem_shared>> -> memref<80x128xf32, #tpu.memory_space<vmem_shared>>
          tpu.wait_dma2 semaphore(%run_scoped3A : memref<!tpu.dma_semaphore, #tpu.memory_space<semaphore_mem>>) src(%dma_wait3A_92 : memref<80x128xf32, #tpu.memory_space<vmem_shared>>) dst(%dma_wait3A_90 : memref<80x128xf32, #tpu.memory_space<vmem>>)
          tpu.yield
        }) : () -> ()
        "tpu.region"() ({
          %run_scoped3A = tpu.sem_alloc : memref<!tpu.dma_semaphore, #tpu.memory_space<semaphore_mem>>
          %dma_start3A_73 = arith.constant 0 : i32
          %dma_start3A_74 = arith.constant 0 : i32
          %dma_start3A_75 = tpu.memref_slice %arg12[%dma_start3A_73, %dma_start3A_74] : memref<80x128xf32, #tpu.memory_space<vmem>> -> memref<80x128xf32, #tpu.memory_space<vmem>>
          %dma_start3A_76 = arith.constant 0 : i32
          %dma_start3A_77 = tpu.memref_slice %arg5[%arg0, %add3A_71, %dma_start3A_76] : memref<2x10016x128xf32, #tpu.memory_space<hbm>> -> memref<1x80x128xf32, #tpu.memory_space<hbm>>
          %dma_start3A_78 = tpu.memref_squeeze %dma_start3A_77 : memref<1x80x128xf32, #tpu.memory_space<hbm>> -> memref<80x128xf32, #tpu.memory_space<hbm>>
          %dma_start3A_79 = arith.constant 0 : i32
          %dma_start3A_80 = tpu.memref_slice %arg5[%arg0, %add3A_71, %dma_start3A_79] : memref<2x10016x128xf32, #tpu.memory_space<hbm>> -> memref<1x80x128xf32, #tpu.memory_space<hbm>>
          %dma_start3A_81 = tpu.memref_squeeze %dma_start3A_80 : memref<1x80x128xf32, #tpu.memory_space<hbm>> -> memref<80x128xf32, #tpu.memory_space<hbm>>
          %dma_start3A_82 = arith.constant 0 : i32
          %dma_start3A_83 = arith.constant 0 : i32
          %dma_start3A_84 = tpu.memref_slice %arg12[%dma_start3A_82, %dma_start3A_83] : memref<80x128xf32, #tpu.memory_space<vmem>> -> memref<80x128xf32, #tpu.memory_space<vmem>>
          tpu.enqueue_dma source(%dma_start3A_84 : memref<80x128xf32, #tpu.memory_space<vmem>>) target(%dma_start3A_81 : memref<80x128xf32, #tpu.memory_space<hbm>>) target_semaphore(%run_scoped3A : memref<!tpu.dma_semaphore, #tpu.memory_space<semaphore_mem>>)
          %dma_wait3A_85 = arith.constant 0 : i32
          %dma_wait3A_86 = arith.constant 0 : i32
          %dma_wait3A_87 = tpu.memref_slice %arg12[%dma_wait3A_85, %dma_wait3A_86] : memref<80x128xf32, #tpu.memory_space<vmem>> -> memref<80x128xf32, #tpu.memory_space<vmem>>
          %dma_wait3A_88 = arith.constant 0 : i32
          %dma_wait3A_89 = tpu.memref_slice %arg5[%arg0, %add3A_71, %dma_wait3A_88] : memref<2x10016x128xf32, #tpu.memory_space<hbm>> -> memref<1x80x128xf32, #tpu.memory_space<hbm>>
          %dma_wait3A_90 = tpu.memref_squeeze %dma_wait3A_89 : memref<1x80x128xf32, #tpu.memory_space<hbm>> -> memref<80x128xf32, #tpu.memory_space<hbm>>
          %dma_wait3A_91 = arith.constant 0 : i32
          %dma_wait3A_92 = tpu.memref_slice %arg5[%arg0, %add3A_71, %dma_wait3A_91] : memref<2x10016x128xf32, #tpu.memory_space<hbm>> -> memref<1x80x128xf32, #tpu.memory_space<hbm>>
          %dma_wait3A_93 = tpu.memref_squeeze %dma_wait3A_92 : memref<1x80x128xf32, #tpu.memory_space<hbm>> -> memref<80x128xf32, #tpu.memory_space<hbm>>
          %dma_wait3A_94 = arith.constant 0 : i32
          %dma_wait3A_95 = arith.constant 0 : i32
          %dma_wait3A_96 = tpu.memref_slice %arg12[%dma_wait3A_94, %dma_wait3A_95] : memref<80x128xf32, #tpu.memory_space<vmem>> -> memref<80x128xf32, #tpu.memory_space<vmem>>
          tpu.wait_dma2 semaphore(%run_scoped3A : memref<!tpu.dma_semaphore, #tpu.memory_space<semaphore_mem>>) src(%dma_wait3A_96 : memref<80x128xf32, #tpu.memory_space<vmem>>) dst(%dma_wait3A_93 : memref<80x128xf32, #tpu.memory_space<hbm>>)
          tpu.yield
        }) : () -> ()
        %scan3A_72 = arith.constant 0 : i32
        scf.yield %scan3A_72 : i32
      }
      %scan3A_64 = arith.constant 7 : i32
      %add3A_65 = arith.constant 560 : i32
      %add3A_66 = arith.addi %mul3A_57, %add3A_65 : i32
      "tpu.region"() ({
        %run_scoped3A = tpu.sem_alloc : memref<!tpu.dma_semaphore, #tpu.memory_space<semaphore_mem>>
        %dma_start3A_67 = arith.constant 0 : i32
        %dma_start3A_68 = arith.constant 0 : i32
        %dma_start3A_69 = tpu.memref_slice %arg12[%dma_start3A_67, %dma_start3A_68] : memref<80x128xf32, #tpu.memory_space<vmem>> -> memref<72x128xf32, #tpu.memory_space<vmem>>
        %dma_start3A_70 = arith.constant 0 : i32
        %dma_start3A_71 = tpu.memref_slice %arg14[%add3A_66, %dma_start3A_70] : memref<10016x128xf32, #tpu.memory_space<vmem_shared>> -> memref<72x128xf32, #tpu.memory_space<vmem_shared>>
        %dma_start3A_72 = arith.constant 0 : i32
        %dma_start3A_73 = arith.constant 0 : i32
        %dma_start3A_74 = tpu.memref_slice %arg12[%dma_start3A_72, %dma_start3A_73] : memref<80x128xf32, #tpu.memory_space<vmem>> -> memref<72x128xf32, #tpu.memory_space<vmem>>
        %dma_start3A_75 = arith.constant 0 : i32
        %dma_start3A_76 = tpu.memref_slice %arg14[%add3A_66, %dma_start3A_75] : memref<10016x128xf32, #tpu.memory_space<vmem_shared>> -> memref<72x128xf32, #tpu.memory_space<vmem_shared>>
        tpu.enqueue_dma source(%dma_start3A_76 : memref<72x128xf32, #tpu.memory_space<vmem_shared>>) target(%dma_start3A_74 : memref<72x128xf32, #tpu.memory_space<vmem>>) target_semaphore(%run_scoped3A : memref<!tpu.dma_semaphore, #tpu.memory_space<semaphore_mem>>)
        %dma_wait3A_77 = arith.constant 0 : i32
        %dma_wait3A_78 = arith.constant 0 : i32
        %dma_wait3A_79 = tpu.memref_slice %arg12[%dma_wait3A_77, %dma_wait3A_78] : memref<80x128xf32, #tpu.memory_space<vmem>> -> memref<72x128xf32, #tpu.memory_space<vmem>>
        %dma_wait3A_80 = arith.constant 0 : i32
        %dma_wait3A_81 = tpu.memref_slice %arg14[%add3A_66, %dma_wait3A_80] : memref<10016x128xf32, #tpu.memory_space<vmem_shared>> -> memref<72x128xf32, #tpu.memory_space<vmem_shared>>
        %dma_wait3A_82 = arith.constant 0 : i32
        %dma_wait3A_83 = arith.constant 0 : i32
        %dma_wait3A_84 = tpu.memref_slice %arg12[%dma_wait3A_82, %dma_wait3A_83] : memref<80x128xf32, #tpu.memory_space<vmem>> -> memref<72x128xf32, #tpu.memory_space<vmem>>
        %dma_wait3A_85 = arith.constant 0 : i32
        %dma_wait3A_86 = tpu.memref_slice %arg14[%add3A_66, %dma_wait3A_85] : memref<10016x128xf32, #tpu.memory_space<vmem_shared>> -> memref<72x128xf32, #tpu.memory_space<vmem_shared>>
        tpu.wait_dma2 semaphore(%run_scoped3A : memref<!tpu.dma_semaphore, #tpu.memory_space<semaphore_mem>>) src(%dma_wait3A_86 : memref<72x128xf32, #tpu.memory_space<vmem_shared>>) dst(%dma_wait3A_84 : memref<72x128xf32, #tpu.memory_space<vmem>>)
        tpu.yield
      }) : () -> ()
      "tpu.region"() ({
        %run_scoped3A = tpu.sem_alloc : memref<!tpu.dma_semaphore, #tpu.memory_space<semaphore_mem>>
        %dma_start3A_67 = arith.constant 0 : i32
        %dma_start3A_68 = arith.constant 0 : i32
        %dma_start3A_69 = tpu.memref_slice %arg12[%dma_start3A_67, %dma_start3A_68] : memref<80x128xf32, #tpu.memory_space<vmem>> -> memref<72x128xf32, #tpu.memory_space<vmem>>
        %dma_start3A_70 = arith.constant 0 : i32
        %dma_start3A_71 = tpu.memref_slice %arg5[%arg0, %add3A_66, %dma_start3A_70] : memref<2x10016x128xf32, #tpu.memory_space<hbm>> -> memref<1x72x128xf32, #tpu.memory_space<hbm>>
        %dma_start3A_72 = tpu.memref_squeeze %dma_start3A_71 : memref<1x72x128xf32, #tpu.memory_space<hbm>> -> memref<72x128xf32, #tpu.memory_space<hbm>>
        %dma_start3A_73 = arith.constant 0 : i32
        %dma_start3A_74 = tpu.memref_slice %arg5[%arg0, %add3A_66, %dma_start3A_73] : memref<2x10016x128xf32, #tpu.memory_space<hbm>> -> memref<1x72x128xf32, #tpu.memory_space<hbm>>
        %dma_start3A_75 = tpu.memref_squeeze %dma_start3A_74 : memref<1x72x128xf32, #tpu.memory_space<hbm>> -> memref<72x128xf32, #tpu.memory_space<hbm>>
        %dma_start3A_76 = arith.constant 0 : i32
        %dma_start3A_77 = arith.constant 0 : i32
        %dma_start3A_78 = tpu.memref_slice %arg12[%dma_start3A_76, %dma_start3A_77] : memref<80x128xf32, #tpu.memory_space<vmem>> -> memref<72x128xf32, #tpu.memory_space<vmem>>
        tpu.enqueue_dma source(%dma_start3A_78 : memref<72x128xf32, #tpu.memory_space<vmem>>) target(%dma_start3A_75 : memref<72x128xf32, #tpu.memory_space<hbm>>) target_semaphore(%run_scoped3A : memref<!tpu.dma_semaphore, #tpu.memory_space<semaphore_mem>>)
        %dma_wait3A_79 = arith.constant 0 : i32
        %dma_wait3A_80 = arith.constant 0 : i32
        %dma_wait3A_81 = tpu.memref_slice %arg12[%dma_wait3A_79, %dma_wait3A_80] : memref<80x128xf32, #tpu.memory_space<vmem>> -> memref<72x128xf32, #tpu.memory_space<vmem>>
        %dma_wait3A_82 = arith.constant 0 : i32
        %dma_wait3A_83 = tpu.memref_slice %arg5[%arg0, %add3A_66, %dma_wait3A_82] : memref<2x10016x128xf32, #tpu.memory_space<hbm>> -> memref<1x72x128xf32, #tpu.memory_space<hbm>>
        %dma_wait3A_84 = tpu.memref_squeeze %dma_wait3A_83 : memref<1x72x128xf32, #tpu.memory_space<hbm>> -> memref<72x128xf32, #tpu.memory_space<hbm>>
        %dma_wait3A_85 = arith.constant 0 : i32
        %dma_wait3A_86 = tpu.memref_slice %arg5[%arg0, %add3A_66, %dma_wait3A_85] : memref<2x10016x128xf32, #tpu.memory_space<hbm>> -> memref<1x72x128xf32, #tpu.memory_space<hbm>>
        %dma_wait3A_87 = tpu.memref_squeeze %dma_wait3A_86 : memref<1x72x128xf32, #tpu.memory_space<hbm>> -> memref<72x128xf32, #tpu.memory_space<hbm>>
        %dma_wait3A_88 = arith.constant 0 : i32
        %dma_wait3A_89 = arith.constant 0 : i32
        %dma_wait3A_90 = tpu.memref_slice %arg12[%dma_wait3A_88, %dma_wait3A_89] : memref<80x128xf32, #tpu.memory_space<vmem>> -> memref<72x128xf32, #tpu.memory_space<vmem>>
        tpu.wait_dma2 semaphore(%run_scoped3A : memref<!tpu.dma_semaphore, #tpu.memory_space<semaphore_mem>>) src(%dma_wait3A_90 : memref<72x128xf32, #tpu.memory_space<vmem>>) dst(%dma_wait3A_87 : memref<72x128xf32, #tpu.memory_space<hbm>>)
        tpu.yield
      }) : () -> ()
    } else {
    }
    %eq3A_51 = arith.constant 15 : i32
    %eq3A_52 = arith.cmpi eq, %arg1, %eq3A_51 : i32
    %convert_element_type3A_53 = arith.extui %eq3A_52 : i1 to i32
    %cond3A_54 = arith.constant 0 : i32
    %cond3A_55 = arith.cmpi ne, %convert_element_type3A_53, %cond3A_54 : i32
    scf.if %cond3A_55 {
      %scan3A_56 = arith.constant 0 : i32
      %scan3A_57 = arith.constant 0 : i32
      %scan3A_58 = arith.constant 6 : i32
      %scan3A_59 = arith.addi %scan3A_57, %scan3A_58 : i32
      %scan3A_60 = arith.constant 1 : i32
      %scan3A_61 = scf.for %scan3A_63 = %scan3A_57 to %scan3A_59 step %scan3A_60 iter_args(%scan3A_64 = %scan3A_56) -> (i32)  : i32 {
        %mul3A_65 = arith.constant 80 : i32
        %mul3A_66 = arith.muli %scan3A_63, %mul3A_65 : i32
        %add3A_67 = arith.constant 9480 : i32
        %add3A_68 = arith.addi %add3A_67, %mul3A_66 : i32
        "tpu.region"() ({
          %run_scoped3A = tpu.sem_alloc : memref<!tpu.dma_semaphore, #tpu.memory_space<semaphore_mem>>
          %dma_start3A_70 = arith.constant 0 : i32
          %dma_start3A_71 = arith.constant 0 : i32
          %dma_start3A_72 = tpu.memref_slice %arg12[%dma_start3A_70, %dma_start3A_71] : memref<80x128xf32, #tpu.memory_space<vmem>> -> memref<80x128xf32, #tpu.memory_space<vmem>>
          %dma_start3A_73 = arith.constant 0 : i32
          %dma_start3A_74 = tpu.memref_slice %arg14[%add3A_68, %dma_start3A_73] : memref<10016x128xf32, #tpu.memory_space<vmem_shared>> -> memref<80x128xf32, #tpu.memory_space<vmem_shared>>
          %dma_start3A_75 = arith.constant 0 : i32
          %dma_start3A_76 = arith.constant 0 : i32
          %dma_start3A_77 = tpu.memref_slice %arg12[%dma_start3A_75, %dma_start3A_76] : memref<80x128xf32, #tpu.memory_space<vmem>> -> memref<80x128xf32, #tpu.memory_space<vmem>>
          %dma_start3A_78 = arith.constant 0 : i32
          %dma_start3A_79 = tpu.memref_slice %arg14[%add3A_68, %dma_start3A_78] : memref<10016x128xf32, #tpu.memory_space<vmem_shared>> -> memref<80x128xf32, #tpu.memory_space<vmem_shared>>
          tpu.enqueue_dma source(%dma_start3A_79 : memref<80x128xf32, #tpu.memory_space<vmem_shared>>) target(%dma_start3A_77 : memref<80x128xf32, #tpu.memory_space<vmem>>) target_semaphore(%run_scoped3A : memref<!tpu.dma_semaphore, #tpu.memory_space<semaphore_mem>>)
          %dma_wait3A_80 = arith.constant 0 : i32
          %dma_wait3A_81 = arith.constant 0 : i32
          %dma_wait3A_82 = tpu.memref_slice %arg12[%dma_wait3A_80, %dma_wait3A_81] : memref<80x128xf32, #tpu.memory_space<vmem>> -> memref<80x128xf32, #tpu.memory_space<vmem>>
          %dma_wait3A_83 = arith.constant 0 : i32
          %dma_wait3A_84 = tpu.memref_slice %arg14[%add3A_68, %dma_wait3A_83] : memref<10016x128xf32, #tpu.memory_space<vmem_shared>> -> memref<80x128xf32, #tpu.memory_space<vmem_shared>>
          %dma_wait3A_85 = arith.constant 0 : i32
          %dma_wait3A_86 = arith.constant 0 : i32
          %dma_wait3A_87 = tpu.memref_slice %arg12[%dma_wait3A_85, %dma_wait3A_86] : memref<80x128xf32, #tpu.memory_space<vmem>> -> memref<80x128xf32, #tpu.memory_space<vmem>>
          %dma_wait3A_88 = arith.constant 0 : i32
          %dma_wait3A_89 = tpu.memref_slice %arg14[%add3A_68, %dma_wait3A_88] : memref<10016x128xf32, #tpu.memory_space<vmem_shared>> -> memref<80x128xf32, #tpu.memory_space<vmem_shared>>
          tpu.wait_dma2 semaphore(%run_scoped3A : memref<!tpu.dma_semaphore, #tpu.memory_space<semaphore_mem>>) src(%dma_wait3A_89 : memref<80x128xf32, #tpu.memory_space<vmem_shared>>) dst(%dma_wait3A_87 : memref<80x128xf32, #tpu.memory_space<vmem>>)
          tpu.yield
        }) : () -> ()
        "tpu.region"() ({
          %run_scoped3A = tpu.sem_alloc : memref<!tpu.dma_semaphore, #tpu.memory_space<semaphore_mem>>
          %dma_start3A_70 = arith.constant 0 : i32
          %dma_start3A_71 = arith.constant 0 : i32
          %dma_start3A_72 = tpu.memref_slice %arg12[%dma_start3A_70, %dma_start3A_71] : memref<80x128xf32, #tpu.memory_space<vmem>> -> memref<80x128xf32, #tpu.memory_space<vmem>>
          %dma_start3A_73 = arith.constant 0 : i32
          %dma_start3A_74 = tpu.memref_slice %arg5[%arg0, %add3A_68, %dma_start3A_73] : memref<2x10016x128xf32, #tpu.memory_space<hbm>> -> memref<1x80x128xf32, #tpu.memory_space<hbm>>
          %dma_start3A_75 = tpu.memref_squeeze %dma_start3A_74 : memref<1x80x128xf32, #tpu.memory_space<hbm>> -> memref<80x128xf32, #tpu.memory_space<hbm>>
          %dma_start3A_76 = arith.constant 0 : i32
          %dma_start3A_77 = tpu.memref_slice %arg5[%arg0, %add3A_68, %dma_start3A_76] : memref<2x10016x128xf32, #tpu.memory_space<hbm>> -> memref<1x80x128xf32, #tpu.memory_space<hbm>>
          %dma_start3A_78 = tpu.memref_squeeze %dma_start3A_77 : memref<1x80x128xf32, #tpu.memory_space<hbm>> -> memref<80x128xf32, #tpu.memory_space<hbm>>
          %dma_start3A_79 = arith.constant 0 : i32
          %dma_start3A_80 = arith.constant 0 : i32
          %dma_start3A_81 = tpu.memref_slice %arg12[%dma_start3A_79, %dma_start3A_80] : memref<80x128xf32, #tpu.memory_space<vmem>> -> memref<80x128xf32, #tpu.memory_space<vmem>>
          tpu.enqueue_dma source(%dma_start3A_81 : memref<80x128xf32, #tpu.memory_space<vmem>>) target(%dma_start3A_78 : memref<80x128xf32, #tpu.memory_space<hbm>>) target_semaphore(%run_scoped3A : memref<!tpu.dma_semaphore, #tpu.memory_space<semaphore_mem>>)
          %dma_wait3A_82 = arith.constant 0 : i32
          %dma_wait3A_83 = arith.constant 0 : i32
          %dma_wait3A_84 = tpu.memref_slice %arg12[%dma_wait3A_82, %dma_wait3A_83] : memref<80x128xf32, #tpu.memory_space<vmem>> -> memref<80x128xf32, #tpu.memory_space<vmem>>
          %dma_wait3A_85 = arith.constant 0 : i32
          %dma_wait3A_86 = tpu.memref_slice %arg5[%arg0, %add3A_68, %dma_wait3A_85] : memref<2x10016x128xf32, #tpu.memory_space<hbm>> -> memref<1x80x128xf32, #tpu.memory_space<hbm>>
          %dma_wait3A_87 = tpu.memref_squeeze %dma_wait3A_86 : memref<1x80x128xf32, #tpu.memory_space<hbm>> -> memref<80x128xf32, #tpu.memory_space<hbm>>
          %dma_wait3A_88 = arith.constant 0 : i32
          %dma_wait3A_89 = tpu.memref_slice %arg5[%arg0, %add3A_68, %dma_wait3A_88] : memref<2x10016x128xf32, #tpu.memory_space<hbm>> -> memref<1x80x128xf32, #tpu.memory_space<hbm>>
          %dma_wait3A_90 = tpu.memref_squeeze %dma_wait3A_89 : memref<1x80x128xf32, #tpu.memory_space<hbm>> -> memref<80x128xf32, #tpu.memory_space<hbm>>
          %dma_wait3A_91 = arith.constant 0 : i32
          %dma_wait3A_92 = arith.constant 0 : i32
          %dma_wait3A_93 = tpu.memref_slice %arg12[%dma_wait3A_91, %dma_wait3A_92] : memref<80x128xf32, #tpu.memory_space<vmem>> -> memref<80x128xf32, #tpu.memory_space<vmem>>
          tpu.wait_dma2 semaphore(%run_scoped3A : memref<!tpu.dma_semaphore, #tpu.memory_space<semaphore_mem>>) src(%dma_wait3A_93 : memref<80x128xf32, #tpu.memory_space<vmem>>) dst(%dma_wait3A_90 : memref<80x128xf32, #tpu.memory_space<hbm>>)
          tpu.yield
        }) : () -> ()
        %scan3A_69 = arith.constant 0 : i32
        scf.yield %scan3A_69 : i32
      }
      %scan3A_62 = arith.constant 6 : i32
      "tpu.region"() ({
        %run_scoped3A = tpu.sem_alloc : memref<!tpu.dma_semaphore, #tpu.memory_space<semaphore_mem>>
        %dma_start3A_63 = arith.constant 0 : i32
        %dma_start3A_64 = arith.constant 0 : i32
        %dma_start3A_65 = tpu.memref_slice %arg12[%dma_start3A_63, %dma_start3A_64] : memref<80x128xf32, #tpu.memory_space<vmem>> -> memref<56x128xf32, #tpu.memory_space<vmem>>
        %dma_start3A_66 = arith.constant 9960 : i32
        %dma_start3A_67 = arith.constant 0 : i32
        %dma_start3A_68 = tpu.memref_slice %arg14[%dma_start3A_66, %dma_start3A_67] : memref<10016x128xf32, #tpu.memory_space<vmem_shared>> -> memref<56x128xf32, #tpu.memory_space<vmem_shared>>
        %dma_start3A_69 = arith.constant 0 : i32
        %dma_start3A_70 = arith.constant 0 : i32
        %dma_start3A_71 = tpu.memref_slice %arg12[%dma_start3A_69, %dma_start3A_70] : memref<80x128xf32, #tpu.memory_space<vmem>> -> memref<56x128xf32, #tpu.memory_space<vmem>>
        %dma_start3A_72 = arith.constant 9960 : i32
        %dma_start3A_73 = arith.constant 0 : i32
        %dma_start3A_74 = tpu.memref_slice %arg14[%dma_start3A_72, %dma_start3A_73] : memref<10016x128xf32, #tpu.memory_space<vmem_shared>> -> memref<56x128xf32, #tpu.memory_space<vmem_shared>>
        tpu.enqueue_dma source(%dma_start3A_74 : memref<56x128xf32, #tpu.memory_space<vmem_shared>>) target(%dma_start3A_71 : memref<56x128xf32, #tpu.memory_space<vmem>>) target_semaphore(%run_scoped3A : memref<!tpu.dma_semaphore, #tpu.memory_space<semaphore_mem>>)
        %dma_wait3A_75 = arith.constant 0 : i32
        %dma_wait3A_76 = arith.constant 0 : i32
        %dma_wait3A_77 = tpu.memref_slice %arg12[%dma_wait3A_75, %dma_wait3A_76] : memref<80x128xf32, #tpu.memory_space<vmem>> -> memref<56x128xf32, #tpu.memory_space<vmem>>
        %dma_wait3A_78 = arith.constant 9960 : i32
        %dma_wait3A_79 = arith.constant 0 : i32
        %dma_wait3A_80 = tpu.memref_slice %arg14[%dma_wait3A_78, %dma_wait3A_79] : memref<10016x128xf32, #tpu.memory_space<vmem_shared>> -> memref<56x128xf32, #tpu.memory_space<vmem_shared>>
        %dma_wait3A_81 = arith.constant 0 : i32
        %dma_wait3A_82 = arith.constant 0 : i32
        %dma_wait3A_83 = tpu.memref_slice %arg12[%dma_wait3A_81, %dma_wait3A_82] : memref<80x128xf32, #tpu.memory_space<vmem>> -> memref<56x128xf32, #tpu.memory_space<vmem>>
        %dma_wait3A_84 = arith.constant 9960 : i32
        %dma_wait3A_85 = arith.constant 0 : i32
        %dma_wait3A_86 = tpu.memref_slice %arg14[%dma_wait3A_84, %dma_wait3A_85] : memref<10016x128xf32, #tpu.memory_space<vmem_shared>> -> memref<56x128xf32, #tpu.memory_space<vmem_shared>>
        tpu.wait_dma2 semaphore(%run_scoped3A : memref<!tpu.dma_semaphore, #tpu.memory_space<semaphore_mem>>) src(%dma_wait3A_86 : memref<56x128xf32, #tpu.memory_space<vmem_shared>>) dst(%dma_wait3A_83 : memref<56x128xf32, #tpu.memory_space<vmem>>)
        tpu.yield
      }) : () -> ()
      "tpu.region"() ({
        %run_scoped3A = tpu.sem_alloc : memref<!tpu.dma_semaphore, #tpu.memory_space<semaphore_mem>>
        %dma_start3A_63 = arith.constant 0 : i32
        %dma_start3A_64 = arith.constant 0 : i32
        %dma_start3A_65 = tpu.memref_slice %arg12[%dma_start3A_63, %dma_start3A_64] : memref<80x128xf32, #tpu.memory_space<vmem>> -> memref<56x128xf32, #tpu.memory_space<vmem>>
        %dma_start3A_66 = arith.constant 9960 : i32
        %dma_start3A_67 = arith.constant 0 : i32
        %dma_start3A_68 = tpu.memref_slice %arg5[%arg0, %dma_start3A_66, %dma_start3A_67] : memref<2x10016x128xf32, #tpu.memory_space<hbm>> -> memref<1x56x128xf32, #tpu.memory_space<hbm>>
        %dma_start3A_69 = tpu.memref_squeeze %dma_start3A_68 : memref<1x56x128xf32, #tpu.memory_space<hbm>> -> memref<56x128xf32, #tpu.memory_space<hbm>>
        %dma_start3A_70 = arith.constant 9960 : i32
        %dma_start3A_71 = arith.constant 0 : i32
        %dma_start3A_72 = tpu.memref_slice %arg5[%arg0, %dma_start3A_70, %dma_start3A_71] : memref<2x10016x128xf32, #tpu.memory_space<hbm>> -> memref<1x56x128xf32, #tpu.memory_space<hbm>>
        %dma_start3A_73 = tpu.memref_squeeze %dma_start3A_72 : memref<1x56x128xf32, #tpu.memory_space<hbm>> -> memref<56x128xf32, #tpu.memory_space<hbm>>
        %dma_start3A_74 = arith.constant 0 : i32
        %dma_start3A_75 = arith.constant 0 : i32
        %dma_start3A_76 = tpu.memref_slice %arg12[%dma_start3A_74, %dma_start3A_75] : memref<80x128xf32, #tpu.memory_space<vmem>> -> memref<56x128xf32, #tpu.memory_space<vmem>>
        tpu.enqueue_dma source(%dma_start3A_76 : memref<56x128xf32, #tpu.memory_space<vmem>>) target(%dma_start3A_73 : memref<56x128xf32, #tpu.memory_space<hbm>>) target_semaphore(%run_scoped3A : memref<!tpu.dma_semaphore, #tpu.memory_space<semaphore_mem>>)
        %dma_wait3A_77 = arith.constant 0 : i32
        %dma_wait3A_78 = arith.constant 0 : i32
        %dma_wait3A_79 = tpu.memref_slice %arg12[%dma_wait3A_77, %dma_wait3A_78] : memref<80x128xf32, #tpu.memory_space<vmem>> -> memref<56x128xf32, #tpu.memory_space<vmem>>
        %dma_wait3A_80 = arith.constant 9960 : i32
        %dma_wait3A_81 = arith.constant 0 : i32
        %dma_wait3A_82 = tpu.memref_slice %arg5[%arg0, %dma_wait3A_80, %dma_wait3A_81] : memref<2x10016x128xf32, #tpu.memory_space<hbm>> -> memref<1x56x128xf32, #tpu.memory_space<hbm>>
        %dma_wait3A_83 = tpu.memref_squeeze %dma_wait3A_82 : memref<1x56x128xf32, #tpu.memory_space<hbm>> -> memref<56x128xf32, #tpu.memory_space<hbm>>
        %dma_wait3A_84 = arith.constant 9960 : i32
        %dma_wait3A_85 = arith.constant 0 : i32
        %dma_wait3A_86 = tpu.memref_slice %arg5[%arg0, %dma_wait3A_84, %dma_wait3A_85] : memref<2x10016x128xf32, #tpu.memory_space<hbm>> -> memref<1x56x128xf32, #tpu.memory_space<hbm>>
        %dma_wait3A_87 = tpu.memref_squeeze %dma_wait3A_86 : memref<1x56x128xf32, #tpu.memory_space<hbm>> -> memref<56x128xf32, #tpu.memory_space<hbm>>
        %dma_wait3A_88 = arith.constant 0 : i32
        %dma_wait3A_89 = arith.constant 0 : i32
        %dma_wait3A_90 = tpu.memref_slice %arg12[%dma_wait3A_88, %dma_wait3A_89] : memref<80x128xf32, #tpu.memory_space<vmem>> -> memref<56x128xf32, #tpu.memory_space<vmem>>
        tpu.wait_dma2 semaphore(%run_scoped3A : memref<!tpu.dma_semaphore, #tpu.memory_space<semaphore_mem>>) src(%dma_wait3A_90 : memref<56x128xf32, #tpu.memory_space<vmem>>) dst(%dma_wait3A_87 : memref<56x128xf32, #tpu.memory_space<hbm>>)
        tpu.yield
      }) : () -> ()
    } else {
    }
    return
  }
}

module attributes {stable_mosaic.version = 14 : i64} {
  func.func @_matmul_body(%arg0: memref<10000x128xf32, #tpu.memory_space<vmem>>, %arg1: memref<128x128xf32, #tpu.memory_space<vmem>>, %arg2: memref<1x128xf32, #tpu.memory_space<vmem>>, %arg3: memref<10000x128xf32, #tpu.memory_space<vmem>>) attributes {dimension_semantics = [], scalar_prefetch = 0 : i64, scratch_operands = 0 : i64, tpu.core_type = #tpu.core_type<tc>} {
    %get3A = arith.constant 0 : index
    %get3A_0 = arith.constant 0 : index
    %get3A_1 = vector.load %arg0[%get3A, %get3A_0] : memref<10000x128xf32, #tpu.memory_space<vmem>>, vector<10000x128xf32>
    %get3A_2 = arith.constant 0 : index
    %get3A_3 = arith.constant 0 : index
    %get3A_4 = vector.load %arg1[%get3A_2, %get3A_3] : memref<128x128xf32, #tpu.memory_space<vmem>>, vector<128x128xf32>
    %dot_general3A = arith.constant dense<0.000000e+00> : vector<10000x128xf32>
    %dot_general3A_5 = tpu.matmul %get3A_1, %get3A_4, %dot_general3A {dimension_numbers = #tpu.dot_dimension_numbers<[1], [1], [0], [0], [0, 0, 1, 0], [], []>, precision = #tpu.contract_precision<fp32>, transpose_lhs_hint = false} : vector<10000x128xf32>, vector<128x128xf32>, vector<10000x128xf32> -> vector<10000x128xf32>
    %get3A_6 = arith.constant 0 : index
    %get3A_7 = arith.constant 0 : index
    %get3A_8 = vector.load %arg2[%get3A_6, %get3A_7] : memref<1x128xf32, #tpu.memory_space<vmem>>, vector<1x128xf32>
    %add3A = vector.broadcast %get3A_8 : vector<1x128xf32> to vector<10000x128xf32>
    %add3A_9 = arith.addf %dot_general3A_5, %add3A : vector<10000x128xf32>
    %swap3A = arith.constant 0 : index
    %swap3A_10 = arith.constant 0 : index
    %swap3A_11 = vector.load %arg3[%swap3A, %swap3A_10] : memref<10000x128xf32, #tpu.memory_space<vmem>>, vector<10000x128xf32>
    tpu.vector_store %arg3[%swap3A, %swap3A_10], %add3A_9 {strides = array<i32>} : memref<10000x128xf32, #tpu.memory_space<vmem>>, vector<10000x128xf32>,
    return
  }
}

module attributes {stable_mosaic.version = 14 : i64} {
  func.func @_scale_body(%arg0: memref<10000x128xf32, #tpu.memory_space<vmem>>, %arg1: memref<2x10000x1xf32, #tpu.memory_space<vmem>>, %arg2: memref<2x5000x1xf32, #tpu.memory_space<vmem>>, %arg3: memref<10000x128xf32, #tpu.memory_space<vmem>>, %arg4: memref<10000x1xf32, #tpu.memory_space<vmem>>, %arg5: memref<5000x1xf32, #tpu.memory_space<vmem>>) attributes {dimension_semantics = [], scalar_prefetch = 0 : i64, scratch_operands = 0 : i64, tpu.core_type = #tpu.core_type<tc>} {
    %get3A = arith.constant 0 : index
    %get3A_0 = arith.constant 0 : index
    %get3A_1 = arith.constant 0 : index
    %get3A_2 = vector.load %arg1[%get3A, %get3A_0, %get3A_1] : memref<2x10000x1xf32, #tpu.memory_space<vmem>>, vector<1x10000x1xf32>
    %get3A_3 = vector.shape_cast %get3A_2 : vector<1x10000x1xf32> to vector<10000x1xf32>
    %get3A_4 = arith.constant 1 : index
    %get3A_5 = arith.constant 0 : index
    %get3A_6 = arith.constant 0 : index
    %get3A_7 = vector.load %arg1[%get3A_4, %get3A_5, %get3A_6] : memref<2x10000x1xf32, #tpu.memory_space<vmem>>, vector<1x10000x1xf32>
    %get3A_8 = vector.shape_cast %get3A_7 : vector<1x10000x1xf32> to vector<10000x1xf32>
    %add3A = arith.addf %get3A_3, %get3A_8 : vector<10000x1xf32>
    %gt3A = arith.constant 0.000000e+00 : f32
    %gt3A_9 = vector.broadcast %gt3A : f32 to vector<10000x1xf32>
    %gt3A_10 = arith.cmpf ogt, %add3A, %gt3A_9 : vector<10000x1xf32>
    %rsqrt3A = math.rsqrt %add3A : vector<10000x1xf32>
    %jit3A = arith.constant 0.000000e+00 : f32
    %broadcast_in_dim3A = vector.broadcast %jit3A : f32 to vector<10000x1xf32>
    %select_n3A = arith.select %gt3A_10, %rsqrt3A, %broadcast_in_dim3A : vector<10000x1xi1>, vector<10000x1xf32>
    %get3A_11 = arith.constant 0 : index
    %get3A_12 = arith.constant 0 : index
    %get3A_13 = arith.constant 0 : index
    %get3A_14 = vector.load %arg2[%get3A_11, %get3A_12, %get3A_13] : memref<2x5000x1xf32, #tpu.memory_space<vmem>>, vector<1x5000x1xf32>
    %get3A_15 = vector.shape_cast %get3A_14 : vector<1x5000x1xf32> to vector<5000x1xf32>
    %get3A_16 = arith.constant 1 : index
    %get3A_17 = arith.constant 0 : index
    %get3A_18 = arith.constant 0 : index
    %get3A_19 = vector.load %arg2[%get3A_16, %get3A_17, %get3A_18] : memref<2x5000x1xf32, #tpu.memory_space<vmem>>, vector<1x5000x1xf32>
    %get3A_20 = vector.shape_cast %get3A_19 : vector<1x5000x1xf32> to vector<5000x1xf32>
    %add3A_21 = arith.addf %get3A_15, %get3A_20 : vector<5000x1xf32>
    %gt3A_22 = arith.constant 0.000000e+00 : f32
    %gt3A_23 = vector.broadcast %gt3A_22 : f32 to vector<5000x1xf32>
    %gt3A_24 = arith.cmpf ogt, %add3A_21, %gt3A_23 : vector<5000x1xf32>
    %div3A = arith.constant 1.000000e+00 : f32
    %div3A_25 = vector.broadcast %div3A : f32 to vector<5000x1xf32>
    %div3A_26 = arith.divf %div3A_25, %add3A_21 : vector<5000x1xf32>
    %jit3A_27 = arith.constant 0.000000e+00 : f32
    %broadcast_in_dim3A_28 = vector.broadcast %jit3A_27 : f32 to vector<5000x1xf32>
    %select_n3A_29 = arith.select %gt3A_24, %div3A_26, %broadcast_in_dim3A_28 : vector<5000x1xi1>, vector<5000x1xf32>
    %get3A_30 = arith.constant 0 : index
    %get3A_31 = arith.constant 0 : index
    %get3A_32 = vector.load %arg0[%get3A_30, %get3A_31] : memref<10000x128xf32, #tpu.memory_space<vmem>>, vector<10000x128xf32>
    %mul3A = vector.broadcast %select_n3A : vector<10000x1xf32> to vector<10000x128xf32>
    %mul3A_33 = arith.mulf %get3A_32, %mul3A : vector<10000x128xf32>
    %swap3A = arith.constant 0 : index
    %swap3A_34 = arith.constant 0 : index
    %swap3A_35 = vector.load %arg3[%swap3A, %swap3A_34] : memref<10000x128xf32, #tpu.memory_space<vmem>>, vector<10000x128xf32>
    tpu.vector_store %arg3[%swap3A, %swap3A_34], %mul3A_33 {strides = array<i32>} : memref<10000x128xf32, #tpu.memory_space<vmem>>, vector<10000x128xf32>,
    %swap3A_36 = arith.constant 0 : index
    %swap3A_37 = arith.constant 0 : index
    %swap3A_38 = vector.load %arg4[%swap3A_36, %swap3A_37] : memref<10000x1xf32, #tpu.memory_space<vmem>>, vector<10000x1xf32>
    tpu.vector_store %arg4[%swap3A_36, %swap3A_37], %select_n3A {strides = array<i32>} : memref<10000x1xf32, #tpu.memory_space<vmem>>, vector<10000x1xf32>,
    %swap3A_39 = arith.constant 0 : index
    %swap3A_40 = arith.constant 0 : index
    %swap3A_41 = vector.load %arg5[%swap3A_39, %swap3A_40] : memref<5000x1xf32, #tpu.memory_space<vmem>>, vector<5000x1xf32>
    tpu.vector_store %arg5[%swap3A_39, %swap3A_40], %select_n3A_29 {strides = array<i32>} : memref<5000x1xf32, #tpu.memory_space<vmem>>, vector<5000x1xf32>,
    return
  }
}

module attributes {stable_mosaic.version = 14 : i64} {
  func.func @_ye_combine_body(%arg0: memref<2x5008x128xf32, #tpu.memory_space<vmem>>, %arg1: memref<5000x1xf32, #tpu.memory_space<vmem>>, %arg2: memref<5000x128xf32, #tpu.memory_space<vmem>>) attributes {dimension_semantics = [], scalar_prefetch = 0 : i64, scratch_operands = 0 : i64, tpu.core_type = #tpu.core_type<tc>} {
    %get3A = arith.constant 0 : index
    %get3A_0 = arith.constant 0 : index
    %get3A_1 = arith.constant 0 : index
    %get3A_2 = vector.load %arg0[%get3A, %get3A_0, %get3A_1] : memref<2x5008x128xf32, #tpu.memory_space<vmem>>, vector<1x5000x128xf32>
    %get3A_3 = vector.shape_cast %get3A_2 : vector<1x5000x128xf32> to vector<5000x128xf32>
    %get3A_4 = arith.constant 1 : index
    %get3A_5 = arith.constant 0 : index
    %get3A_6 = arith.constant 0 : index
    %get3A_7 = vector.load %arg0[%get3A_4, %get3A_5, %get3A_6] : memref<2x5008x128xf32, #tpu.memory_space<vmem>>, vector<1x5000x128xf32>
    %get3A_8 = vector.shape_cast %get3A_7 : vector<1x5000x128xf32> to vector<5000x128xf32>
    %add3A = arith.addf %get3A_3, %get3A_8 : vector<5000x128xf32>
    %get3A_9 = arith.constant 0 : index
    %get3A_10 = arith.constant 0 : index
    %get3A_11 = vector.load %arg1[%get3A_9, %get3A_10] : memref<5000x1xf32, #tpu.memory_space<vmem>>, vector<5000x1xf32>
    %mul3A = vector.broadcast %get3A_11 : vector<5000x1xf32> to vector<5000x128xf32>
    %mul3A_12 = arith.mulf %add3A, %mul3A : vector<5000x128xf32>
    %swap3A = arith.constant 0 : index
    %swap3A_13 = arith.constant 0 : index
    %swap3A_14 = vector.load %arg2[%swap3A, %swap3A_13] : memref<5000x128xf32, #tpu.memory_space<vmem>>, vector<5000x128xf32>
    tpu.vector_store %arg2[%swap3A, %swap3A_13], %mul3A_12 {strides = array<i32>} : memref<5000x128xf32, #tpu.memory_space<vmem>>, vector<5000x128xf32>,
    return
  }
}

module attributes {stable_mosaic.version = 14 : i64} {
  func.func @_z_combine_body(%arg0: memref<2x10016x128xf32, #tpu.memory_space<vmem>>, %arg1: memref<10000x1xf32, #tpu.memory_space<vmem>>, %arg2: memref<10000x128xf32, #tpu.memory_space<vmem>>) attributes {dimension_semantics = [], scalar_prefetch = 0 : i64, scratch_operands = 0 : i64, tpu.core_type = #tpu.core_type<tc>} {
    %get3A = arith.constant 0 : index
    %get3A_0 = arith.constant 0 : index
    %get3A_1 = arith.constant 0 : index
    %get3A_2 = vector.load %arg0[%get3A, %get3A_0, %get3A_1] : memref<2x10016x128xf32, #tpu.memory_space<vmem>>, vector<1x10000x128xf32>
    %get3A_3 = vector.shape_cast %get3A_2 : vector<1x10000x128xf32> to vector<10000x128xf32>
    %get3A_4 = arith.constant 1 : index
    %get3A_5 = arith.constant 0 : index
    %get3A_6 = arith.constant 0 : index
    %get3A_7 = vector.load %arg0[%get3A_4, %get3A_5, %get3A_6] : memref<2x10016x128xf32, #tpu.memory_space<vmem>>, vector<1x10000x128xf32>
    %get3A_8 = vector.shape_cast %get3A_7 : vector<1x10000x128xf32> to vector<10000x128xf32>
    %add3A = arith.addf %get3A_3, %get3A_8 : vector<10000x128xf32>
    %get3A_9 = arith.constant 0 : index
    %get3A_10 = arith.constant 0 : index
    %get3A_11 = vector.load %arg1[%get3A_9, %get3A_10] : memref<10000x1xf32, #tpu.memory_space<vmem>>, vector<10000x1xf32>
    %mul3A = vector.broadcast %get3A_11 : vector<10000x1xf32> to vector<10000x128xf32>
    %mul3A_12 = arith.mulf %add3A, %mul3A : vector<10000x128xf32>
    %max3A = arith.constant 0.000000e+00 : f32
    %max3A_13 = vector.broadcast %max3A : f32 to vector<10000x128xf32>
    %max3A_14 = arith.maximumf %mul3A_12, %max3A_13 : vector<10000x128xf32>
    %swap3A = arith.constant 0 : index
    %swap3A_15 = arith.constant 0 : index
    %swap3A_16 = vector.load %arg2[%swap3A, %swap3A_15] : memref<10000x128xf32, #tpu.memory_space<vmem>>, vector<10000x128xf32>
    tpu.vector_store %arg2[%swap3A, %swap3A_15], %max3A_14 {strides = array<i32>} : memref<10000x128xf32, #tpu.memory_space<vmem>>, vector<10000x128xf32>,
    return
  }
}

</mosaic_0001>

<sc_bundles>
// kernel: kernel.12.cloned.1.call-start
scs
__scs_entry_jumppad:
0x0: {  	(pc) =	sbr.rel $0x88, $3  }
0x1: {  	(tag) =	ssettag $0x0;
	lr =	simm.s32 $0x1  }
0x2: {  	[smem:$0x3F9C] =	sst lr;
	_ =	strace $0xD0000000  }
0x3: {  	_ = 	snop  }
0x4: {  	_ = 	snop  }
0x5: {  	_ = 	snop  }
0x6: {  	_ = 	snop  }
0x7: {  	_ = 	snop  }
__scs_overlays_trampoline_lowered:
0x8: {  	[smem:$0x3FAB] =	sst s0  }
0x9: {  	[smem:$0x3FAC] =	sst s1  }
0xa: {  	[smem:$0x3FAD] =	sst s2  }
0xb: {  	[smem:$0x3FAE] =	sst s3  }
0xc: {  	[smem:$0x3FAF] =	sst s4  }
0xd: {  	[smem:$0x3FB0] =	sst s5  }
0xe: {  	[smem:$0x3FB1] =	sst s6  }
0xf: {  	[smem:$0x3FB2] =	sst s7  }
0x10: {  	[smem:$0x3FB3] =	sst s8  }
0x11: {  	[smem:$0x3FB4] =	sst s9;
	s0 =	simm.s32 @!p0 $0x0  }
0x12: {  	s1 =	sld [smem:$0x3F9A];
	s0 =	simm.s32 @p0 $0x1  }
0x13: {  	[smem:$0x3FB5] =	sst s0;
	s0 =	simm.s32 @!p1 $0x0  }
0x14: {  	s2 =	sld [smem:$0x3F99];
	s0 =	simm.s32 @p1 $0x1  }
0x15: {  	[smem:$0x3FB6] =	sst s0;
	s0 =	simm.s32 @!p2 $0x0  }
0x16: {  	s3 =	sld [smem:$0x3FDB];
	s0 =	simm.s32 @p2 $0x1  }
0x17: {  	s4 =	simm.s32 $0x1BF5;
	[smem:$0x3FB8] =	sst s0  }
0x18: {  	s0 =	sld [smem:$0x3F9B];
	_ =	swait.ge [sflag:s4], $0x0  }
0x19: {  	s7 =	sld [smem:$0x3F9C]  }
0x1a: {  	s8 =	sadd.s32 $0xFFFFE003, lr  }
0x1b: {  	s9 =	sadd.s32 $0xFFFFFEF7, lr;
	s5 =	simm.s32 $0xFFFFFFFF;
	p2 =	slt.u32 s8, $0xFFFFF086  }
0x1c: {  	p1 =	slt.u32 s9, $0xF7A;
	s5 =	simm.s32 @!p2 $0x0  }
0x1d: {  	s5 =	simm.s32 @p1 $0x1;
	p0 =	seq.s32 s7, s2  }
0x1e: {  	s7 =	smul.u32 @!p0 $0xF7A, s2;
	p2 =	seq.s32 @!p0 s5, $0x0  }
0x1f: {  	s9 =	smul.u32 $0xF7A, s1;
	s8 =	simm.s32 @!p0 $0x1BF5;
	p2 =	por !p2, p0  }
0x20: {  	[sflag:s8] =	ssyncset.s32 @!p0 $0xFFFFF086;
	s6 =	sadd.s32 @!p0 s3, s7;
	s7 =	simm.s32 @!p0 $0x108  }
0x21: {  	s3 =	sadd.s32 s3, s9;
	s6 =	sadd.s32 @!p0 $0x88, s6;
	s7 =	simm.s32 @p2 $0x1082  }
0x22: {  	[simem:s7], [sflag:s8] =	dma.local @!p0 [hbm:s6], $0xF7A  }
0x23: {  	s9 =	sor.u32 $0xD0000000, s2;
	s6 =	simm.s32 $0x108;
	_ =	swait.ge @!p0 [sflag:s8], $0x0  }
0x24: {  	s3 =	sadd.s32 $0x88, s3;
	s6 =	simm.s32 @!p1 $0x1082;
	[sflag:s4] =	ssyncset.s32 $0xFFFFF086  }
0x25: {  	[simem:s6], [sflag:s4] =	dma.local [hbm:s3], $0xF7A  }
0x26: {  	[smem:$0x3F9C] =	sst s1;
	(tag) =	ssettag s2;
	_ =	strace s9  }
0x27: {  	s1 =	sld [smem:$0x3FAC]  }
0x28: {  	s2 =	sld [smem:$0x3FAD]  }
0x29: {  	s4 =	sld [smem:$0x3FAF]  }
0x2a: {  	p0 =	seq.s32 s5, $0x0;
	s5 =	sld [smem:$0x3FB0]  }
0x2b: {  	s6 =	sld [smem:$0x3FB1]  }
0x2c: {  	s7 =	sld [smem:$0x3FB2]  }
0x2d: {  	s3 =	simm.s32 $0x108;
	s8 =	sld [smem:$0x3FB3]  }
0x2e: {  	s3 =	simm.s32 @!p0 $0x1082;
	s9 =	sld [smem:$0x3FB4]  }
0x2f: {  	lr =	sadd.s32 s0, s3;
	s0 =	sld [smem:$0x3FAB]  }
0x30: {  	s3 =	sld [smem:$0x3FAE]  }
0x31: {  	[smem:$0x3FB7] =	sst s10  }
0x32: {  	s10 =	sld [smem:$0x3FB5];
	_ =	sdelay $0x3  }
0x33: {  	p0 =	seq.s32 s10, $0x1;
	s10 =	sld [smem:$0x3FB7];
	_ =	sdelay $0x3  }
0x34: {  	[smem:$0x3FB7] =	sst s10  }
0x35: {  	s10 =	sld [smem:$0x3FB6];
	_ =	sdelay $0x3  }
0x36: {  	p1 =	seq.s32 s10, $0x1;
	s10 =	sld [smem:$0x3FB7];
	_ =	sdelay $0x3  }
0x37: {  	[smem:$0x3FB7] =	sst s10  }
0x38: {  	s10 =	sld [smem:$0x3FB8]  }
0x39: {  	_ = 	snop;
	(pc) =	sbr.ind lr, $3  }
0x3a: {  	_ = 	snop  }
0x3b: {  	_ = 	snop  }
0x3c: {  	p2 =	seq.s32 s10, $0x1;
	s10 =	sld [smem:$0x3FB7]  }
0x3d: {  	_ =	shalt  }
0x3e: {  	_ =	shalt  }
0x3f: {  	_ =	shalt  }
0x40: {  	_ =	shalt  }
0x41: {  	_ =	shalt  }
0x42: {  	_ =	shalt  }
0x43: {  	_ =	shalt  }
0x44: {  	_ =	shalt  }
0x45: {  	_ =	shalt  }
0x46: {  	_ =	shalt  }
0x47: {  	_ =	shalt  }
0x48: {  	_ =	shalt  }
0x49: {  	_ =	shalt  }
0x4a: {  	_ =	shalt  }
0x4b: {  	_ =	shalt  }
0x4c: {  	_ =	shalt  }
0x4d: {  	_ =	shalt  }
0x4e: {  	_ =	shalt  }
0x4f: {  	_ =	shalt  }
0x50: {  	_ =	shalt  }
0x51: {  	_ =	shalt  }
0x52: {  	_ =	shalt  }
0x53: {  	_ =	shalt  }
0x54: {  	_ =	shalt  }
0x55: {  	_ =	shalt  }
0x56: {  	_ =	shalt  }
0x57: {  	_ =	shalt  }
0x58: {  	_ =	shalt  }
0x59: {  	_ =	shalt  }
0x5a: {  	_ =	shalt  }
0x5b: {  	_ =	shalt  }
0x5c: {  	_ =	shalt  }
0x5d: {  	_ =	shalt  }
0x5e: {  	_ =	shalt  }
0x5f: {  	_ =	shalt  }
0x60: {  	_ =	shalt  }
0x61: {  	_ =	shalt  }
0x62: {  	_ =	shalt  }
0x63: {  	_ =	shalt  }
0x64: {  	_ =	shalt  }
0x65: {  	_ =	shalt  }
0x66: {  	_ =	shalt  }
0x67: {  	_ =	shalt  }
0x68: {  	_ =	shalt  }
0x69: {  	_ =	shalt  }
0x6a: {  	_ =	shalt  }
0x6b: {  	_ =	shalt  }
0x6c: {  	_ =	shalt  }
0x6d: {  	_ =	shalt  }
0x6e: {  	_ =	shalt  }
0x6f: {  	_ =	shalt  }
0x70: {  	_ =	shalt  }
0x71: {  	_ =	shalt  }
0x72: {  	_ =	shalt  }
0x73: {  	_ =	shalt  }
0x74: {  	_ =	shalt  }
0x75: {  	_ =	shalt  }
0x76: {  	_ =	shalt  }
0x77: {  	_ =	shalt  }
0x78: {  	_ =	shalt  }
0x79: {  	_ =	shalt  }
0x7a: {  	_ =	shalt  }
0x7b: {  	_ =	shalt  }
0x7c: {  	_ =	shalt  }
0x7d: {  	_ =	shalt  }
0x7e: {  	_ =	shalt  }
0x7f: {  	_ =	shalt  }
0x80: {  	_ =	shalt  }
0x81: {  	_ =	shalt  }
0x82: {  	_ =	shalt  }
0x83: {  	_ =	shalt  }
0x84: {  	_ =	shalt  }
0x85: {  	_ =	shalt  }
0x86: {  	_ =	shalt  }
0x87: {  	_ =	shalt  }
.Lfunc_end0:
.L_simem_size_0:
called_computation.1_lowered:
.L_overlay_start_0:
0x88: {  	s2 =	sld [smem:$0x3FD9]  }
0x89: {  	s3 =	sld [smem:$0x3FFE];
	_ =	sdelay $0x1  }
0x8a: {  	s1 =	srdreg.scid  }
0x8b: {  	s0 =	sand.u32 $0x1, s1  }
0x8c: {  	s17 =	sshll.u32 s0, $0xA;
	s2 =	sadd.s32 s3, s2  }
0x8d: {  	s2 =	sadd.s32 s2, s17  }
0x8e: {  	[smem:$0x3FC3] =	sst s2  }
0x8f: {  	_ = 	snop  }
0x90: {  	s2 =	sld [smem:$0x3FC8]  }
0x91: {  	s18 =	sld [smem:$0x3FC7]  }
0x92: {  	s4 =	sld [smem:$0x3FD0];
	(tm) =	ssettm $0x1  }
0x93: {  	s5 =	sld [smem:$0x3FFB];
	_ =	sdelay $0x3  }
0x94: {  	_ =	strace s5  }
0x95: {  	s5 =	sld [smem:$0x3FFC];
	_ =	sdelay $0x3  }
0x96: {  	_ =	strace s5  }
0x97: {  	s5 =	sld [smem:$0x3FFD];
	_ =	sdelay $0x3  }
0x98: {  	_ =	strace s5  }
0x99: {  	_ =	strace $0x8FFFFFFF  }
0x9a: {  	s19 =	sld [smem:$0x3FDB];
	_ =	sdelay $0x1  }
0x9b: {  	s6 =	simm.s32 $_scs_section_size  }
0x9c: {  	s7 =	simm.s32 $_size__tile_overlayer_lowered;
	s8 =	simm.s32 $_tile_overlayer_lowered  }
0x9d: {  	s22 =	simm.s32 $0x1BFF;
	s21 =	sshll.u32 s8, $0x1;
	s5 =	sadd.s32 s6, s19  }
0x9e: {  	s9 =	simm.s32 $0x0;
	s20 =	sshll.u32 s7, $0x1;
	s7 =	sadd.s32 s21, s5  }
0x9f: {  	[timem:s9], [sflag:s22] =	dma.local [hbm:s7], s20  }
0xa0: {  	_ =	swait.ge [sflag:s22], s20  }
0xa1: {  	s6 =	ssub.s32 $0x0, s20;
	[sflag:s22] =	ssyncset.done $0x0  }
0xa2: {  	[sflag:s22] =	ssyncadd.s32 s6;
	_ =	sdelay $0x1  }
0xa3: {  	s23 =	simm.s32 $0x1B8B  }
0xa4: {  	_ =	swait.ge [sflag:s23], $0x1  }
0xa5: {  	[sflag:s23] =	ssyncset.done $0x0  }
0xa6: {  	s25 =	simm.s32 $0x1B8E;
	s24 =	sld [smem:$0x3FFE];
	[sflag:s23] =	ssyncadd.s32 $0xFFFFFFFF  }
0xa7: {  	s26 =	simm.s32 $execute0_lowered;
	[smem:$0x3FD2] =	sst s25  }
0xa8: {  	s7 =	sshll.u32 s26, $0x1;
	_ =	strace $0x80000049;
	[dreg:$0x1] =	wrdreg $0xFFFFFFFF  }
0xa9: {  	s28 =	simm.s32 $_size_execute0_lowered;
	s5 =	sadd.s32 s5, s7;
	[dreg:$0x0] =	wrdreg $0x0  }
0xaa: {  	s7 =	sshll.u32 s28, $0x1;
	[dreg:$0x2] =	wrdreg s5  }
0xab: {  	[dreg:$0x3] =	wrdreg s7  }
0xac: {  	[dreg:$0x4] =	wrdreg $0xC0  }
0xad: {  	_ =	task [dreg:s9], $0x5FFFF  }
0xae: {  	[dreg:$0x1] =	wrdreg $0xFFFFFFFF  }
0xaf: {  	[dreg:$0x0] =	wrdreg $0x60  }
0xb0: {  	[dreg:$0x2] =	wrdreg s4  }
0xb1: {  	[dreg:$0x3] =	wrdreg s2  }
0xb2: {  	[dreg:$0x4] =	wrdreg s18  }
0xb3: {  	[dreg:$0x5] =	wrdreg s24  }
0xb4: {  	[dreg:$0x6] =	wrdreg $0xA1000  }
0xb5: {  	[dreg:$0x7] =	wrdreg $0x9  }
0xb6: {  	_ =	task.clear_ibuf [dreg:s9], $0x8FFFF;
	_ =	strace $0x90000049  }
0xb7: {  	s29 =	simm.s32 $0x9;
	_ =	strace $0x8000004B  }
0xb8: {  	_ =	swait.ge [sflag:s29], $0x1  }
0xb9: {  	[sflag:s29] =	ssyncadd.s32 $0xFFFFFFFF  }
0xba: {  	_ =	strace $0x9000004B  }
0xbb: {  	_ =	sfence  }
0xbc: {  	s30 =	sld [smem:$0x0];
	_ =	sdelay $0x2  }
0xbd: {  	s31 =	sshll.u32 s1, $0xD;
	s1 =	sshrl.u32 s1, $0x2  }
0xbe: {  	s3 =	sand.u32 $0x4000, s31;
	s1 =	sadd.s32 s1, s30  }
0xbf: {  	s0 =	sor.u32 s3, s0;
	s1 =	sshll.u32 s1, $0x11  }
0xc0: {  	s0 =	sor.u32 s1, s0  }
0xc1: {  	s0 =	sadd.s32 $0x8F2B, s0  }
0xc2: {  	[sflag:s0] =	ssyncadd.remote.s32 $0x1  }
0xc3: {  	_ =	sfence.sel $0xFFFF  }
0xc4: {  	[dreg:$0x0] =	wrdreg $0xFFFFFFFF;
	(pc) =	sbr.abs _section_cstart, $3  }
0xc5: {  	[dreg:$0x1] =	wrdreg $0xFFFFFFFF  }
0xc6: {  	_ =	task.clear_ibuf [dreg:s9], $0x2FFFF;
	_ =	strace $0x9FFFFFFF  }
0xc7: {  	(tm) =	ssettm $0x7FFFFFFF  }
tec
execute0_lowered:
.L_overlay_start_1:
0x0: {  	(tag) =	ssettag $0x1  }
0x1: {  	s0 =	rddreg [dreg:$0x0]  }
0x2: {  	s1 =	rddreg [dreg:$0x1]  }
0x3: {  	s2 =	rddreg [dreg:$0x2]  }
0x4: {  	s5 =	rddreg [dreg:$0x3];
	s4 =	srdreg.scid  }
0x5: {  	s11 =	stileid.u32;
	s3 =	rddreg [dreg:$0x4];
	s28 =	simm.s32 $0x50  }
0x6: {  	s30 =	simm.s32 $0x5100;
	s31 =	simm.s32 $0x2;
	s29 =	simm.s32 $0x4  }
0x7: {  	s6 =	sand.u32 $0x1, s4;
	s7 =	sshll.u32 s11, $0x1;
	s10 =	smul.u32 $0x28000, s11  }
0x8: {  	s4 =	simm.s32 $0x0;
	s5 =	sadd.s32 $0x2000, s5;
	s16 =	smul.u32 $0xA000, s11  }
0x9: {  	s7 =	sor.u32 s6, s7;
	s8 =	ssub.s32 $0x2, s6;
	s6 =	smul.u32 $0x9C800, s6  }
0xa: {  	p0 =	seq.s32 s11, $0xF;
	[smem:$0x7FF] =	sst s4;
	s7 =	smul.u32 $0x4E2, s7  }
0xb: {  	_ =	strace $0x8000004A;
	s9 =	sshrl.u32 s8, $0x1;
	s15 =	sshrl.u32 s10, $0x2  }
0xc: {  	s22 =	sadd.s32 $0x2800, s16;
	s24 =	sadd.s32 $0x5000, s16;
	s10 =	simm.s32 $0x0  }
0xd: {  	s9 =	ssub.s32 s8, s9;
	s14 =	sshrl.u32 s6, $0x3;
	s8 =	sadd.s32 s15, s3  }
0xe: {  	s21 =	sadd.s32 s6, s16;
	s15 =	sadd.s32 $0x98800, s3;
	s1 =	sadd.s32 s1, s7  }
0xf: {  	s23 =	sadd.s32 s6, s22;
	s13 =	sadd.s32 s2, s7;
	[dreg:$0x6] =	wrdreg s1  }
0x10: {  	s25 =	sadd.s32 s6, s24;
	s9 =	smax.u32 s9, $0x1;
	[dreg:$0x7] =	wrdreg s13  }
0x11: {  	s7 =	sadd.s32 $0x9B000, s3;
	s18 =	sadd.s32 $0x2800, s8;
	[dreg:$0x9] =	wrdreg s9  }
0x12: {  	s19 =	sadd.s32 $0x5000, s8;
	s20 =	sadd.s32 $0x7800, s8;
	[dreg:$0xa] =	wrdreg s18  }
0x13: {  	s2 =	sadd.s32 $0x7800, s16;
	s1 =	sadd.s32 s5, s14;
	[dreg:$0xb] =	wrdreg s19  }
0x14: {  	[dreg:$0xc] =	wrdreg s20;
	s14 =	sadd.s32 $0x96000, s3;
	s9 =	sshrl.u32 s21, $0x3  }
0x15: {  	s19 =	sadd.s32 s24, s3;
	s6 =	sadd.s32 s6, s2;
	s21 =	sadd.s32 s2, s3  }
0x16: {  	s2 =	simm.s32 $0x5080;
	s17 =	sadd.s32 $0x13600, s1;
	s9 =	sadd.s32 s5, s9  }
0x17: {  	s26 =	sshrl.u32 s6, $0x3;
	s24 =	sadd.s32 $0x13100, s1;
	[dreg:$0x8] =	wrdreg s17  }
.Ltmp0:
0x18: {  	s6 =	simm.s32 $0x1;
	[dreg:$0xd] =	wrdreg s9;
	(pc) =	sbr.rel .LBB2_1-.Ltmp0, $4  }
0x19: {  	s17 =	sadd.s32 s22, s3;
	s9 =	sshrl.u32 s23, $0x3;
	s22 =	sadd.s32 s5, s26  }
0x1a: {  	s23 =	sadd.s32 $0x12C00, s1;
	s1 =	simm.s32 $0x7900;
	s26 =	simm.s32 $0x3  }
0x1b: {  	s18 =	sadd.s32 s5, s9;
	s9 =	sshrl.u32 s25, $0x3;
	s25 =	simm.s32 $0x5  }
0x1c: {  	v0 =	vimm.f32 $0.0e+00;
	s20 =	sadd.s32 s5, s9;
	s5 =	simm.s32 $0x4F80;
	s9 =	simm.s32 $0x5000  }
.LBB2_13:
0x1d: {  	_ =	swait.ge [sflag:s26], $0x2800  }
0x1e: {  	[sflag:s26] =	ssyncset.done $0x0  }
0x1f: {  	[sflag:s26] =	ssyncadd.s32 $0xFFFFD800  }
0x20: {  	_ =	swait.ge [sflag:s29], $0x2800  }
0x21: {  	[sflag:s29] =	ssyncset.done $0x0  }
0x22: {  	[sflag:s29] =	ssyncadd.s32 $0xFFFFD800  }
0x23: {  	s11 =	simm.s32 @p0 $0x5100;
	s12 =	simm.s32 @p0 $0x5;
	[bflag:$0x0] =	sbarrier.arrive $0xFFFF  }
0x24: {  	[tilespmem:s11], [sflag:$0x5] =	stream.linear.gather @p0 [spmem:s14], $0x2800, $0x38;
	[tilespmem:$0x13D80] =	vst v63  }
0x25: {  	_ =	swait.ge @p0 [sflag:s12], $0x2800  }
0x26: {  	[sflag:s12] =	ssyncset.done @p0 $0x0  }
0x27: {  	s13 =	simm.s32 @p0 $0x0;
	[sflag:s12] =	ssyncadd.s32 @p0 $0xFFFFD800  }
0x28: {  	[hbm4b:s23+s13] =	stream.linear.scatter @p0 [tilespmem:s11], [sflag:$0x5], $0x2800, $0x38;
	[tilespmem:$0x13D80] =	vst v63  }
0x29: {  	_ =	swait.ge @p0 [sflag:s12], $0x2800  }
0x2a: {  	[sflag:s12] =	ssyncset.done @p0 $0x0  }
0x2b: {  	[sflag:s12] =	ssyncadd.s32 @p0 $0xFFFFD800  }
0x2c: {  	[tilespmem:s11], [sflag:$0x5] =	stream.linear.gather @p0 [spmem:s15], $0x2800, $0x38;
	[tilespmem:$0x13D80] =	vst v63  }
0x2d: {  	_ =	swait.ge @p0 [sflag:s12], $0x2800  }
0x2e: {  	[sflag:s12] =	ssyncset.done @p0 $0x0  }
0x2f: {  	[sflag:s12] =	ssyncadd.s32 @p0 $0xFFFFD800  }
0x30: {  	[hbm4b:s24+s13] =	stream.linear.scatter @p0 [tilespmem:s11], [sflag:$0x5], $0x2800, $0x38;
	[tilespmem:$0x13D80] =	vst v63  }
0x31: {  	_ =	swait.ge @p0 [sflag:s12], $0x2800  }
0x32: {  	[sflag:s12] =	ssyncset.done @p0 $0x0  }
0x33: {  	[sflag:s12] =	ssyncadd.s32 @p0 $0xFFFFD800  }
0x34: {  	[tilespmem:s11], [sflag:$0x5] =	stream.linear.gather @p0 [spmem:s7], $0x1800, $0x38;
	[tilespmem:$0x13D80] =	vst v63  }
0x35: {  	_ =	swait.ge @p0 [sflag:s12], $0x1800  }
0x36: {  	[sflag:s12] =	ssyncset.done @p0 $0x0  }
0x37: {  	s16 =	rddreg [dreg:$0x8];
	[sflag:s12] =	ssyncadd.s32 @p0 $0xFFFFE800  }
0x38: {  	[hbm4b:s16+s13] =	stream.linear.scatter @p0 [tilespmem:s11], [sflag:$0x5], $0x1800, $0x38;
	[tilespmem:$0x13D80] =	vst v63  }
0x39: {  	_ =	swait.ge @p0 [sflag:s12], $0x1800  }
0x3a: {  	[sflag:s12] =	ssyncset.done @p0 $0x0  }
0x3b: {  	s11 =	simm.s32 @!p0 $0x5100;
	[sflag:s12] =	ssyncadd.s32 @p0 $0xFFFFE800;
	s12 =	simm.s32 @!p0 $0x5  }
0x3c: {  	[tilespmem:s11], [sflag:$0x5] =	stream.linear.gather @!p0 [spmem:s8], $0x2800, $0x38;
	[tilespmem:$0x13D80] =	vst v63  }
0x3d: {  	_ =	swait.ge @!p0 [sflag:s12], $0x2800  }
0x3e: {  	[sflag:s12] =	ssyncset.done @!p0 $0x0  }
0x3f: {  	s13 =	simm.s32 @!p0 $0x0;
	s16 =	rddreg [dreg:$0xd];
	[sflag:s12] =	ssyncadd.s32 @!p0 $0xFFFFD800  }
0x40: {  	[hbm4b:s16+s13] =	stream.linear.scatter @!p0 [tilespmem:s11], [sflag:$0x5], $0x2800, $0x38;
	[tilespmem:$0x13D80] =	vst v63  }
0x41: {  	_ =	swait.ge @!p0 [sflag:s12], $0x2800  }
0x42: {  	[sflag:s12] =	ssyncset.done @!p0 $0x0  }
0x43: {  	[sflag:s12] =	ssyncadd.s32 @!p0 $0xFFFFD800  }
0x44: {  	[tilespmem:s11], [sflag:$0x5] =	stream.linear.gather @!p0 [spmem:s17], $0x2800, $0x38;
	[tilespmem:$0x13D80] =	vst v63  }
0x45: {  	_ =	swait.ge @!p0 [sflag:s12], $0x2800  }
0x46: {  	[sflag:s12] =	ssyncset.done @!p0 $0x0  }
0x47: {  	[sflag:s12] =	ssyncadd.s32 @!p0 $0xFFFFD800  }
0x48: {  	[hbm4b:s18+s13] =	stream.linear.scatter @!p0 [tilespmem:s11], [sflag:$0x5], $0x2800, $0x38;
	[tilespmem:$0x13D80] =	vst v63  }
0x49: {  	_ =	swait.ge @!p0 [sflag:s12], $0x2800  }
0x4a: {  	[sflag:s12] =	ssyncset.done @!p0 $0x0  }
0x4b: {  	[sflag:s12] =	ssyncadd.s32 @!p0 $0xFFFFD800  }
0x4c: {  	[tilespmem:s11], [sflag:$0x5] =	stream.linear.gather @!p0 [spmem:s19], $0x2800, $0x38;
	[tilespmem:$0x13D80] =	vst v63  }
0x4d: {  	_ =	swait.ge @!p0 [sflag:s12], $0x2800  }
0x4e: {  	[sflag:s12] =	ssyncset.done @!p0 $0x0  }
0x4f: {  	[sflag:s12] =	ssyncadd.s32 @!p0 $0xFFFFD800  }
0x50: {  	[hbm4b:s20+s13] =	stream.linear.scatter @!p0 [tilespmem:s11], [sflag:$0x5], $0x2800, $0x38;
	[tilespmem:$0x13D80] =	vst v63  }
0x51: {  	_ =	swait.ge @!p0 [sflag:s12], $0x2800  }
0x52: {  	[sflag:s12] =	ssyncset.done @!p0 $0x0  }
0x53: {  	[sflag:s12] =	ssyncadd.s32 @!p0 $0xFFFFD800  }
0x54: {  	[tilespmem:s11], [sflag:$0x5] =	stream.linear.gather @!p0 [spmem:s21], $0x2800, $0x38;
	[tilespmem:$0x13D80] =	vst v63  }
0x55: {  	_ =	swait.ge @!p0 [sflag:s12], $0x2800  }
0x56: {  	[sflag:s12] =	ssyncset.done @!p0 $0x0  }
0x57: {  	[sflag:s12] =	ssyncadd.s32 @!p0 $0xFFFFD800  }
0x58: {  	[hbm4b:s22+s13] =	stream.linear.scatter @!p0 [tilespmem:s11], [sflag:$0x5], $0x2800, $0x38;
	[tilespmem:$0x13D80] =	vst v63  }
0x59: {  	_ =	swait.ge @!p0 [sflag:s12], $0x2800  }
0x5a: {  	s10 =	sadd.s32 $0x1, s10;
	s16 =	rddreg [dreg:$0x9]  }
0x5b: {  	p1 =	sne.s32 s10, s16  }
.Ltmp1:
0x5c: {  	_ = 	snop;
	(pc) =	sbr.rel @!p1 .LBB2_14-.Ltmp1, $3  }
0x5d: {  	_ =	sdelay $0x1  }
0x5e: {  	[sflag:s12] =	ssyncset.done @!p0 $0x0  }
0x5f: {  	[sflag:s12] =	ssyncadd.s32 @!p0 $0xFFFFD800  }
.LBB2_1:
0x60: {  	s11 =	rddreg [dreg:$0x6]  }
0x61: {  	[tilespmem:s4], [sflag:$0x5] =	stream.linear.gather [hbm4b:s11+s4], $0x2710, $0x38;
	[tilespmem:$0x13D80] =	vst v63  }
0x62: {  	_ =	swait.ge [sflag:s25], $0x2710  }
0x63: {  	[sflag:s25] =	ssyncset.done $0x0  }
0x64: {  	s12 =	simm.s32 $0x2780;
	s16 =	rddreg [dreg:$0x7];
	[sflag:s25] =	ssyncadd.s32 $0xFFFFD8F0  }
0x65: {  	[tilespmem:s12], [sflag:$0x5] =	stream.linear.gather [hbm4b:s16+s4], $0x2710, $0x38;
	[tilespmem:$0x13D80] =	vst v63  }
0x66: {  	_ =	swait.ge [sflag:s25], $0x2710  }
0x67: {  	[sflag:s25] =	ssyncset.done $0x0  }
0x68: {  	[sflag:s25] =	ssyncadd.s32 $0xFFFFD8F0  }
0x69: {  	v1 =	vld [tilespmem:$0x0]  }
0x6a: {  	v2 =	vld [tilespmem:$0x10]  }
0x6b: {  	v3 =	vld [tilespmem:$0x20]  }
0x6c: {  	v4 =	vld [tilespmem:$0x30]  }
0x6d: {  	v5 =	vld [tilespmem:$0x40]  }
0x6e: {  	v62 =	vld [tilespmem:$0x27B0];
	[tilespmem:$0x4F00] =	vst v1  }
0x6f: {  	v63 =	vld [tilespmem:$0x27C0];
	[tilespmem:$0x4F10] =	vst v2  }
0x70: {  	v1 =	vld [tilespmem:$0x2780];
	[tilespmem:$0x4F20] =	vst v3  }
0x71: {  	v2 =	vld [tilespmem:$0x2790];
	[tilespmem:$0x4F30] =	vst v4  }
0x72: {  	v3 =	vld [tilespmem:$0x27A0];
	[tilespmem:$0x4F40] =	vst v5  }
0x73: {  	[tilespmem:$0x5030] =	vst v62  }
0x74: {  	[tilespmem:$0x5040] =	vst v63  }
0x75: {  	[tilespmem:$0x5000] =	vst v1  }
0x76: {  	s13 =	sand.u32 $0xFE00, s4;
	[tilespmem:$0x5010] =	vst v2  }
0x77: {  	s13 =	sshrl.u32 s13, $0x2;
	s12 =	simm.s32 $0x4F00;
	s16 =	sand.u32 $0x70, s4;
	[tilespmem:$0x5020] =	vst v3  }
0x78: {  	[tilespmem:s30], [sflag:$0x1] =	stream.indirect.gather [hbm4b:s0+s28], $0x80, s12, s28, $0xb8;
	[tilespmem:$0x13D80] =	vst v63  }
0x79: {  	s11 =	simm.s32 $0x40;
	s13 =	sor.u32 s16, s13;
	s12 =	simm.s32 $0x0  }
.LBB2_2:
0x7a: {  	p1 =	sne.s32 s11, $0x9FC0  }
0x7b: {  	[tilespmem:s13+$0x7900] =	vst v0;
	s12 =	sadd.s32 $0x10, s12;
	s13 =	smov.u32 s11;
	s11 =	sadd.s32 $0x40, s11  }
.Ltmp2:
0x7c: {  	(pc) =	sbr.rel @p1 .LBB2_2-.Ltmp2, $4  }
0x7d: {  	_ = 	snop  }
0x7e: {  	s13 =	sand.u32 $0xFE00, s13  }
0x7f: {  	s16 =	sand.u32 $0x70, s12;
	s13 =	sshrl.u32 s13, $0x2  }
0x80: {  	s13 =	sor.u32 s16, s13  }
0x81: {  	[tilespmem:s13+$0x7900] =	vst v0;
	s11 =	simm.s32 @p0 $0x7900;
	s12 =	simm.s32 @p0 $0x5  }
0x82: {  	[spmem:s14] =	stream.linear.scatter @p0 [tilespmem:s11], [sflag:$0x5], $0x2800, $0x38;
	[tilespmem:$0x13D80] =	vst v63  }
0x83: {  	_ =	swait.ge @p0 [sflag:s12], $0x2800  }
0x84: {  	[sflag:s12] =	ssyncset.done @p0 $0x0  }
0x85: {  	[sflag:s12] =	ssyncadd.s32 @p0 $0xFFFFD800  }
0x86: {  	[spmem:s15] =	stream.linear.scatter @p0 [tilespmem:s11], [sflag:$0x5], $0x2800, $0x38;
	[tilespmem:$0x13D80] =	vst v63  }
0x87: {  	_ =	swait.ge @p0 [sflag:s12], $0x2800  }
0x88: {  	[sflag:s12] =	ssyncset.done @p0 $0x0  }
0x89: {  	[sflag:s12] =	ssyncadd.s32 @p0 $0xFFFFD800  }
0x8a: {  	[spmem:s7] =	stream.linear.scatter @p0 [tilespmem:s11], [sflag:$0x5], $0x1800, $0x38;
	[tilespmem:$0x13D80] =	vst v63  }
0x8b: {  	_ =	swait.ge @p0 [sflag:s12], $0x1800  }
0x8c: {  	[sflag:s12] =	ssyncset.done @p0 $0x0  }
0x8d: {  	s11 =	simm.s32 @!p0 $0x7900;
	[sflag:s12] =	ssyncadd.s32 @p0 $0xFFFFE800;
	s12 =	simm.s32 @!p0 $0x5  }
0x8e: {  	[spmem:s8] =	stream.linear.scatter @!p0 [tilespmem:s11], [sflag:$0x5], $0x2800, $0x38;
	[tilespmem:$0x13D80] =	vst v63  }
0x8f: {  	_ =	swait.ge @!p0 [sflag:s12], $0x2800  }
0x90: {  	[sflag:s12] =	ssyncset.done @!p0 $0x0  }
0x91: {  	s13 =	rddreg [dreg:$0xa];
	[sflag:s12] =	ssyncadd.s32 @!p0 $0xFFFFD800  }
0x92: {  	[spmem:s13] =	stream.linear.scatter @!p0 [tilespmem:s11], [sflag:$0x5], $0x2800, $0x38;
	[tilespmem:$0x13D80] =	vst v63  }
0x93: {  	_ =	swait.ge @!p0 [sflag:s12], $0x2800  }
0x94: {  	[sflag:s12] =	ssyncset.done @!p0 $0x0  }
0x95: {  	s13 =	rddreg [dreg:$0xb];
	[sflag:s12] =	ssyncadd.s32 @!p0 $0xFFFFD800  }
0x96: {  	[spmem:s13] =	stream.linear.scatter @!p0 [tilespmem:s11], [sflag:$0x5], $0x2800, $0x38;
	[tilespmem:$0x13D80] =	vst v63  }
0x97: {  	_ =	swait.ge @!p0 [sflag:s12], $0x2800  }
0x98: {  	[sflag:s12] =	ssyncset.done @!p0 $0x0  }
0x99: {  	s13 =	rddreg [dreg:$0xc];
	[sflag:s12] =	ssyncadd.s32 @!p0 $0xFFFFD800  }
0x9a: {  	[spmem:s13] =	stream.linear.scatter @!p0 [tilespmem:s11], [sflag:$0x5], $0x2800, $0x38;
	[tilespmem:$0x13D80] =	vst v63  }
.Ltmp3:
0x9b: {  	_ =	swait.ge @!p0 [sflag:s12], $0x2800;
	(pc) =	sbr.rel .LBB2_4-.Ltmp3, $4  }
0x9c: {  	[sflag:s12] =	ssyncset.done @!p0 $0x0  }
0x9d: {  	[sflag:s12] =	ssyncadd.s32 @!p0 $0xFFFFD800  }
0x9e: {  	[bflag:$0x0] =	sbarrier.arrive $0xFFFF  }
0x9f: {  	s11 =	simm.s32 $0x0  }
.LBB2_11:
0xa0: {  	p1 =	seq.s32 s11, $0x7C  }
0xa1: {  	s11 =	sadd.s32 $0x1, s11;
	s12 =	simm.s32 @!p1 $0x3  }
0xa2: {  	s13 =	smul.u32 @!p1 $0x140, s11;
	_ =	swait.ge @!p1 [sflag:s12], $0x2800  }
0xa3: {  	[sflag:s12] =	ssyncset.done @!p1 $0x0  }
0xa4: {  	[sflag:s12] =	ssyncadd.s32 @!p1 $0xFFFFD800;
	s12 =	sshra.s32 @!p1 s13, $0x2  }
0xa5: {  	v1 =	vld @!p1 [tilespmem:s12+$0x0];
	_ =	sdelay $0x4  }
0xa6: {  	[tilespmem:$0x4F00] =	vst @!p1 v1  }
0xa7: {  	v1 =	vld @!p1 [tilespmem:s12+$0x10];
	_ =	sdelay $0x4  }
0xa8: {  	[tilespmem:$0x4F10] =	vst @!p1 v1  }
0xa9: {  	v1 =	vld @!p1 [tilespmem:s12+$0x20];
	_ =	sdelay $0x4  }
0xaa: {  	[tilespmem:$0x4F20] =	vst @!p1 v1  }
0xab: {  	v1 =	vld @!p1 [tilespmem:s12+$0x30];
	_ =	sdelay $0x4  }
0xac: {  	[tilespmem:$0x4F30] =	vst @!p1 v1  }
0xad: {  	v1 =	vld @!p1 [tilespmem:s12+$0x40];
	_ =	sdelay $0x4  }
0xae: {  	[tilespmem:$0x4F40] =	vst @!p1 v1  }
0xaf: {  	v1 =	vld @!p1 [tilespmem:s12+$0x2780];
	_ =	sdelay $0x4  }
0xb0: {  	[tilespmem:$0x5000] =	vst @!p1 v1  }
0xb1: {  	v1 =	vld @!p1 [tilespmem:s12+$0x2790];
	_ =	sdelay $0x4  }
0xb2: {  	[tilespmem:$0x5010] =	vst @!p1 v1  }
0xb3: {  	v1 =	vld @!p1 [tilespmem:s12+$0x27A0];
	_ =	sdelay $0x4  }
0xb4: {  	[tilespmem:$0x5020] =	vst @!p1 v1  }
0xb5: {  	v1 =	vld @!p1 [tilespmem:s12+$0x27B0];
	_ =	sdelay $0x4  }
0xb6: {  	[tilespmem:$0x5030] =	vst @!p1 v1  }
0xb7: {  	v1 =	vld @!p1 [tilespmem:s12+$0x27C0];
	_ =	sdelay $0x4  }
0xb8: {  	s16 =	simm.s32 @!p1 $0x5100;
	s13 =	simm.s32 @!p1 $0x4F00;
	s12 =	simm.s32 @!p1 $0x50;
	[tilespmem:$0x5040] =	vst @!p1 v1  }
0xb9: {  	[tilespmem:s16], [sflag:$0x1] =	stream.indirect.gather @!p1 [hbm4b:s0+s12], $0x80, s13, s12, $0xb8;
	[tilespmem:$0x13D80] =	vst v63  }
0xba: {  	_ =	swait.ge [sflag:s31], $0x2800  }
0xbb: {  	[sflag:s31] =	ssyncset.done $0x0  }
0xbc: {  	[sflag:s31] =	ssyncadd.s32 $0xFFFFD800  }
0xbd: {  	[spmem:s3] =	stream.indirect.scatter.add.f32 [tilespmem:s1], [sflag:$0x4], $0x80, s2, s28, $0xb8;
	[tilespmem:$0x13D80] =	vst v63  }
.LBB2_12:
0xbe: {  	p1 =	sne.s32 s11, $0x7D  }
.Ltmp4:
0xbf: {  	_ = 	snop;
	(pc) =	sbr.rel @!p1 .LBB2_13-.Ltmp4, $1  }
0xc0: {  	_ =	sdelay $0x3  }
.LBB2_4:
0xc1: {  	s12 =	sand.u32 $0x1, s11  }
0xc2: {  	p1 =	seq.s32 s12, $0x1  }
.Ltmp5:
0xc3: {  	_ = 	snop;
	(pc) =	sbr.rel @p1 .LBB2_11-.Ltmp5, $1  }
0xc4: {  	_ =	sdelay $0x3  }
0xc5: {  	p1 =	seq.s32 s11, $0x0  }
.Ltmp6:
0xc6: {  	_ = 	snop;
	(pc) =	sbr.rel @p1 .LBB2_8-.Ltmp6, $1  }
0xc7: {  	_ =	sdelay $0x3  }
0xc8: {  	p1 =	seq.s32 s11, $0x7C  }
.Ltmp7:
0xc9: {  	_ = 	snop;
	(pc) =	sbr.rel @p1 .LBB2_9-.Ltmp7, $1  }
0xca: {  	_ =	sdelay $0x3  }
0xcb: {  	_ =	swait.ge [sflag:s29], $0x2800  }
0xcc: {  	[sflag:s29] =	ssyncset.done $0x0  }
0xcd: {  	[sflag:s29] =	ssyncadd.s32 $0xFFFFD800  }
.LBB2_8:
0xce: {  	s13 =	smul.u32 $0x140, s11;
	_ =	sdelay $0x1  }
0xcf: {  	s13 =	sadd.s32 $0x140, s13  }
0xd0: {  	s13 =	sshra.s32 s13, $0x2  }
0xd1: {  	v1 =	vld [tilespmem:s13+$0x0];
	_ =	sdelay $0x4  }
0xd2: {  	[tilespmem:$0x4F80] =	vst v1  }
0xd3: {  	v1 =	vld [tilespmem:s13+$0x10];
	_ =	sdelay $0x4  }
0xd4: {  	[tilespmem:$0x4F90] =	vst v1  }
0xd5: {  	v1 =	vld [tilespmem:s13+$0x20];
	_ =	sdelay $0x4  }
0xd6: {  	[tilespmem:$0x4FA0] =	vst v1  }
0xd7: {  	v1 =	vld [tilespmem:s13+$0x30];
	_ =	sdelay $0x4  }
0xd8: {  	[tilespmem:$0x4FB0] =	vst v1  }
0xd9: {  	v1 =	vld [tilespmem:s13+$0x40];
	_ =	sdelay $0x4  }
0xda: {  	[tilespmem:$0x4FC0] =	vst v1  }
0xdb: {  	v1 =	vld [tilespmem:s13+$0x2780];
	_ =	sdelay $0x4  }
0xdc: {  	[tilespmem:$0x5080] =	vst v1  }
0xdd: {  	v1 =	vld [tilespmem:s13+$0x2790];
	_ =	sdelay $0x4  }
0xde: {  	[tilespmem:$0x5090] =	vst v1  }
0xdf: {  	v1 =	vld [tilespmem:s13+$0x27A0];
	_ =	sdelay $0x4  }
0xe0: {  	[tilespmem:$0x50A0] =	vst v1  }
0xe1: {  	v1 =	vld [tilespmem:s13+$0x27B0];
	_ =	sdelay $0x4  }
0xe2: {  	[tilespmem:$0x50B0] =	vst v1  }
0xe3: {  	v1 =	vld [tilespmem:s13+$0x27C0];
	_ =	sdelay $0x4  }
0xe4: {  	[tilespmem:$0x50C0] =	vst v1  }
0xe5: {  	[tilespmem:s1], [sflag:$0x2] =	stream.indirect.gather [hbm4b:s0+s28], $0x80, s5, s28, $0xb8;
	[tilespmem:$0x13D80] =	vst v63  }
.LBB2_9:
0xe6: {  	p1 =	sne.s32 s12, $0x0  }
.Ltmp8:
0xe7: {  	_ = 	snop;
	(pc) =	sbr.rel @p1 .LBB2_11-.Ltmp8, $4  }
0xe8: {  	_ =	swait.ge [sflag:s6], $0x2800  }
0xe9: {  	[sflag:s6] =	ssyncset.done $0x0  }
0xea: {  	[sflag:s6] =	ssyncadd.s32 $0xFFFFD800  }
0xeb: {  	[spmem:s3] =	stream.indirect.scatter.add.f32 [tilespmem:s30], [sflag:$0x3], $0x80, s9, s28, $0xb8;
	[tilespmem:$0x13D80] =	vst v63  }
.Ltmp9:
0xec: {  	(pc) =	sbr.rel .LBB2_12-.Ltmp9, $2  }
0xed: {  	_ =	sdelay $0x2  }
0xee: {  	s11 =	sor.u32 $0x1, s11  }
.LBB2_14:
0xef: {  	_ =	sfence.sel $0x180000  }
0xf0: {  	[bflag:$0x0] =	sbarrier.arrive $0xFFFF  }
0xf1: {  	_ =	strace $0x9000004A  }
0xf2: {  	s0 =	stileid.u32;
	[bflag:$0x2] =	sbarrier.arrive $0xFFFF  }
0xf3: {  	p0 =	sne.s32 s0, $0x0;
	s0 =	rddreg [dreg:$0x5]  }
0xf4: {  	s0 =	sadd.s32 @!p0 $0x100000, s0  }
0xf5: {  	[sflag:s0] =	ssyncadd.tile.s32 @!p0 $0x1;
	_ =	shalt  }
.Lfunc_end2:
_tile_overlayer_lowered:
.L_overlay_start_2:
0xf6: {  	(tag) =	ssettag $0x2  }
0xf7: {  	s0 =	rddreg [dreg:$0x0];
	s2 =	stileid.u32  }
0xf8: {  	s1 =	rddreg [dreg:$0x1];
	p0 =	sne.s32 s2, $0x0  }
0xf9: {  	s3 =	rddreg [dreg:$0x2];
	[bflag:$0x3] =	sbarrier.arrive $0xFFFF;
	s2 =	simm.s32 @!p0 $0x1C05  }
0xfa: {  	[timem:s3], [sflag:s2] =	dma.local @!p0 [hbm:s0], s1  }
0xfb: {  	s0 =	simm.s32 @!p0 $0x5  }
0xfc: {  	_ =	swait.ge @!p0 [sflag:s0], s1  }
0xfd: {  	s1 =	ssub.s32 @!p0 $0x0, s1;
	[sflag:s0] =	ssyncset.done @!p0 $0x0  }
0xfe: {  	[sflag:s0] =	ssyncadd.s32 @!p0 s1  }
0xff: {  	[bflag:$0x3] =	sbarrier.arrive $0xFFFF  }
0x100: {  	_ =	shalt  }

// kernel: kernel.15.cloned.1.call-start
scs
__scs_entry_jumppad:
0x0: {  	(pc) =	sbr.rel $0x88, $3  }
0x1: {  	(tag) =	ssettag $0x0;
	lr =	simm.s32 $0x1  }
0x2: {  	[smem:$0x3F9C] =	sst lr;
	_ =	strace $0xD0000000  }
0x3: {  	_ = 	snop  }
0x4: {  	_ = 	snop  }
0x5: {  	_ = 	snop  }
0x6: {  	_ = 	snop  }
0x7: {  	_ = 	snop  }
__scs_overlays_trampoline_lowered:
0x8: {  	[smem:$0x3FAB] =	sst s0  }
0x9: {  	[smem:$0x3FAC] =	sst s1  }
0xa: {  	[smem:$0x3FAD] =	sst s2  }
0xb: {  	[smem:$0x3FAE] =	sst s3  }
0xc: {  	[smem:$0x3FAF] =	sst s4  }
0xd: {  	[smem:$0x3FB0] =	sst s5  }
0xe: {  	[smem:$0x3FB1] =	sst s6  }
0xf: {  	[smem:$0x3FB2] =	sst s7  }
0x10: {  	[smem:$0x3FB3] =	sst s8  }
0x11: {  	[smem:$0x3FB4] =	sst s9;
	s0 =	simm.s32 @!p0 $0x0  }
0x12: {  	s1 =	sld [smem:$0x3F9A];
	s0 =	simm.s32 @p0 $0x1  }
0x13: {  	[smem:$0x3FB5] =	sst s0;
	s0 =	simm.s32 @!p1 $0x0  }
0x14: {  	s2 =	sld [smem:$0x3F99];
	s0 =	simm.s32 @p1 $0x1  }
0x15: {  	[smem:$0x3FB6] =	sst s0;
	s0 =	simm.s32 @!p2 $0x0  }
0x16: {  	s3 =	sld [smem:$0x3FDB];
	s0 =	simm.s32 @p2 $0x1  }
0x17: {  	s4 =	simm.s32 $0x1BF5;
	[smem:$0x3FB8] =	sst s0  }
0x18: {  	s0 =	sld [smem:$0x3F9B];
	_ =	swait.ge [sflag:s4], $0x0  }
0x19: {  	s7 =	sld [smem:$0x3F9C]  }
0x1a: {  	s8 =	sadd.s32 $0xFFFFE003, lr  }
0x1b: {  	s9 =	sadd.s32 $0xFFFFFEF7, lr;
	s5 =	simm.s32 $0xFFFFFFFF;
	p2 =	slt.u32 s8, $0xFFFFF086  }
0x1c: {  	p1 =	slt.u32 s9, $0xF7A;
	s5 =	simm.s32 @!p2 $0x0  }
0x1d: {  	s5 =	simm.s32 @p1 $0x1;
	p0 =	seq.s32 s7, s2  }
0x1e: {  	s7 =	smul.u32 @!p0 $0xF7A, s2;
	p2 =	seq.s32 @!p0 s5, $0x0  }
0x1f: {  	s9 =	smul.u32 $0xF7A, s1;
	s8 =	simm.s32 @!p0 $0x1BF5;
	p2 =	por !p2, p0  }
0x20: {  	[sflag:s8] =	ssyncset.s32 @!p0 $0xFFFFF086;
	s6 =	sadd.s32 @!p0 s3, s7;
	s7 =	simm.s32 @!p0 $0x108  }
0x21: {  	s3 =	sadd.s32 s3, s9;
	s6 =	sadd.s32 @!p0 $0x88, s6;
	s7 =	simm.s32 @p2 $0x1082  }
0x22: {  	[simem:s7], [sflag:s8] =	dma.local @!p0 [hbm:s6], $0xF7A  }
0x23: {  	s9 =	sor.u32 $0xD0000000, s2;
	s6 =	simm.s32 $0x108;
	_ =	swait.ge @!p0 [sflag:s8], $0x0  }
0x24: {  	s3 =	sadd.s32 $0x88, s3;
	s6 =	simm.s32 @!p1 $0x1082;
	[sflag:s4] =	ssyncset.s32 $0xFFFFF086  }
0x25: {  	[simem:s6], [sflag:s4] =	dma.local [hbm:s3], $0xF7A  }
0x26: {  	[smem:$0x3F9C] =	sst s1;
	(tag) =	ssettag s2;
	_ =	strace s9  }
0x27: {  	s1 =	sld [smem:$0x3FAC]  }
0x28: {  	s2 =	sld [smem:$0x3FAD]  }
0x29: {  	s4 =	sld [smem:$0x3FAF]  }
0x2a: {  	p0 =	seq.s32 s5, $0x0;
	s5 =	sld [smem:$0x3FB0]  }
0x2b: {  	s6 =	sld [smem:$0x3FB1]  }
0x2c: {  	s7 =	sld [smem:$0x3FB2]  }
0x2d: {  	s3 =	simm.s32 $0x108;
	s8 =	sld [smem:$0x3FB3]  }
0x2e: {  	s3 =	simm.s32 @!p0 $0x1082;
	s9 =	sld [smem:$0x3FB4]  }
0x2f: {  	lr =	sadd.s32 s0, s3;
	s0 =	sld [smem:$0x3FAB]  }
0x30: {  	s3 =	sld [smem:$0x3FAE]  }
0x31: {  	[smem:$0x3FB7] =	sst s10  }
0x32: {  	s10 =	sld [smem:$0x3FB5];
	_ =	sdelay $0x3  }
0x33: {  	p0 =	seq.s32 s10, $0x1;
	s10 =	sld [smem:$0x3FB7];
	_ =	sdelay $0x3  }
0x34: {  	[smem:$0x3FB7] =	sst s10  }
0x35: {  	s10 =	sld [smem:$0x3FB6];
	_ =	sdelay $0x3  }
0x36: {  	p1 =	seq.s32 s10, $0x1;
	s10 =	sld [smem:$0x3FB7];
	_ =	sdelay $0x3  }
0x37: {  	[smem:$0x3FB7] =	sst s10  }
0x38: {  	s10 =	sld [smem:$0x3FB8]  }
0x39: {  	_ = 	snop;
	(pc) =	sbr.ind lr, $3  }
0x3a: {  	_ = 	snop  }
0x3b: {  	_ = 	snop  }
0x3c: {  	p2 =	seq.s32 s10, $0x1;
	s10 =	sld [smem:$0x3FB7]  }
0x3d: {  	_ =	shalt  }
0x3e: {  	_ =	shalt  }
0x3f: {  	_ =	shalt  }
0x40: {  	_ =	shalt  }
0x41: {  	_ =	shalt  }
0x42: {  	_ =	shalt  }
0x43: {  	_ =	shalt  }
0x44: {  	_ =	shalt  }
0x45: {  	_ =	shalt  }
0x46: {  	_ =	shalt  }
0x47: {  	_ =	shalt  }
0x48: {  	_ =	shalt  }
0x49: {  	_ =	shalt  }
0x4a: {  	_ =	shalt  }
0x4b: {  	_ =	shalt  }
0x4c: {  	_ =	shalt  }
0x4d: {  	_ =	shalt  }
0x4e: {  	_ =	shalt  }
0x4f: {  	_ =	shalt  }
0x50: {  	_ =	shalt  }
0x51: {  	_ =	shalt  }
0x52: {  	_ =	shalt  }
0x53: {  	_ =	shalt  }
0x54: {  	_ =	shalt  }
0x55: {  	_ =	shalt  }
0x56: {  	_ =	shalt  }
0x57: {  	_ =	shalt  }
0x58: {  	_ =	shalt  }
0x59: {  	_ =	shalt  }
0x5a: {  	_ =	shalt  }
0x5b: {  	_ =	shalt  }
0x5c: {  	_ =	shalt  }
0x5d: {  	_ =	shalt  }
0x5e: {  	_ =	shalt  }
0x5f: {  	_ =	shalt  }
0x60: {  	_ =	shalt  }
0x61: {  	_ =	shalt  }
0x62: {  	_ =	shalt  }
0x63: {  	_ =	shalt  }
0x64: {  	_ =	shalt  }
0x65: {  	_ =	shalt  }
0x66: {  	_ =	shalt  }
0x67: {  	_ =	shalt  }
0x68: {  	_ =	shalt  }
0x69: {  	_ =	shalt  }
0x6a: {  	_ =	shalt  }
0x6b: {  	_ =	shalt  }
0x6c: {  	_ =	shalt  }
0x6d: {  	_ =	shalt  }
0x6e: {  	_ =	shalt  }
0x6f: {  	_ =	shalt  }
0x70: {  	_ =	shalt  }
0x71: {  	_ =	shalt  }
0x72: {  	_ =	shalt  }
0x73: {  	_ =	shalt  }
0x74: {  	_ =	shalt  }
0x75: {  	_ =	shalt  }
0x76: {  	_ =	shalt  }
0x77: {  	_ =	shalt  }
0x78: {  	_ =	shalt  }
0x79: {  	_ =	shalt  }
0x7a: {  	_ =	shalt  }
0x7b: {  	_ =	shalt  }
0x7c: {  	_ =	shalt  }
0x7d: {  	_ =	shalt  }
0x7e: {  	_ =	shalt  }
0x7f: {  	_ =	shalt  }
0x80: {  	_ =	shalt  }
0x81: {  	_ =	shalt  }
0x82: {  	_ =	shalt  }
0x83: {  	_ =	shalt  }
0x84: {  	_ =	shalt  }
0x85: {  	_ =	shalt  }
0x86: {  	_ =	shalt  }
0x87: {  	_ =	shalt  }
.Lfunc_end0:
.L_simem_size_0:
called_computation.2_lowered:
.L_overlay_start_0:
0x88: {  	s2 =	sld [smem:$0x3FD9]  }
0x89: {  	s3 =	sld [smem:$0x3FFE];
	_ =	sdelay $0x1  }
0x8a: {  	s1 =	srdreg.scid  }
0x8b: {  	s0 =	sand.u32 $0x1, s1  }
0x8c: {  	s17 =	sshll.u32 s0, $0xA;
	s2 =	sadd.s32 s3, s2  }
0x8d: {  	s2 =	sadd.s32 s2, s17  }
0x8e: {  	[smem:$0x3FC3] =	sst s2  }
0x8f: {  	_ = 	snop  }
0x90: {  	s2 =	sld [smem:$0x3FC8]  }
0x91: {  	s18 =	sld [smem:$0x3FC7]  }
0x92: {  	s4 =	sld [smem:$0x3FD0];
	(tm) =	ssettm $0x1  }
0x93: {  	s5 =	sld [smem:$0x3FFB];
	_ =	sdelay $0x3  }
0x94: {  	_ =	strace s5  }
0x95: {  	s5 =	sld [smem:$0x3FFC];
	_ =	sdelay $0x3  }
0x96: {  	_ =	strace s5  }
0x97: {  	s5 =	sld [smem:$0x3FFD];
	_ =	sdelay $0x3  }
0x98: {  	_ =	strace s5  }
0x99: {  	_ =	strace $0x8FFFFFFF  }
0x9a: {  	s19 =	sld [smem:$0x3FDB];
	_ =	sdelay $0x1  }
0x9b: {  	s6 =	simm.s32 $_scs_section_size  }
0x9c: {  	s7 =	simm.s32 $_size__tile_overlayer_lowered;
	s8 =	simm.s32 $_tile_overlayer_lowered  }
0x9d: {  	s22 =	simm.s32 $0x1BFF;
	s21 =	sshll.u32 s8, $0x1;
	s5 =	sadd.s32 s6, s19  }
0x9e: {  	s9 =	simm.s32 $0x0;
	s20 =	sshll.u32 s7, $0x1;
	s7 =	sadd.s32 s21, s5  }
0x9f: {  	[timem:s9], [sflag:s22] =	dma.local [hbm:s7], s20  }
0xa0: {  	_ =	swait.ge [sflag:s22], s20  }
0xa1: {  	s6 =	ssub.s32 $0x0, s20;
	[sflag:s22] =	ssyncset.done $0x0  }
0xa2: {  	[sflag:s22] =	ssyncadd.s32 s6;
	_ =	sdelay $0x1  }
0xa3: {  	s23 =	simm.s32 $0x1B8B  }
0xa4: {  	_ =	swait.ge [sflag:s23], $0x1  }
0xa5: {  	[sflag:s23] =	ssyncset.done $0x0  }
0xa6: {  	s25 =	simm.s32 $0x1B8E;
	s24 =	sld [smem:$0x3FFE];
	[sflag:s23] =	ssyncadd.s32 $0xFFFFFFFF  }
0xa7: {  	s26 =	simm.s32 $execute0_lowered;
	[smem:$0x3FD2] =	sst s25  }
0xa8: {  	s7 =	sshll.u32 s26, $0x1;
	_ =	strace $0x8000004C;
	[dreg:$0x1] =	wrdreg $0xFFFFFFFF  }
0xa9: {  	s28 =	simm.s32 $_size_execute0_lowered;
	s5 =	sadd.s32 s5, s7;
	[dreg:$0x0] =	wrdreg $0x0  }
0xaa: {  	s7 =	sshll.u32 s28, $0x1;
	[dreg:$0x2] =	wrdreg s5  }
0xab: {  	[dreg:$0x3] =	wrdreg s7  }
0xac: {  	[dreg:$0x4] =	wrdreg $0xC0  }
0xad: {  	_ =	task [dreg:s9], $0x5FFFF  }
0xae: {  	[dreg:$0x1] =	wrdreg $0xFFFFFFFF  }
0xaf: {  	[dreg:$0x0] =	wrdreg $0x60  }
0xb0: {  	[dreg:$0x2] =	wrdreg s4  }
0xb1: {  	[dreg:$0x3] =	wrdreg s18  }
0xb2: {  	[dreg:$0x4] =	wrdreg s2  }
0xb3: {  	[dreg:$0x5] =	wrdreg s24  }
0xb4: {  	[dreg:$0x6] =	wrdreg $0xA1000  }
0xb5: {  	[dreg:$0x7] =	wrdreg $0x9  }
0xb6: {  	_ =	task.clear_ibuf [dreg:s9], $0x8FFFF;
	_ =	strace $0x9000004C  }
0xb7: {  	s29 =	simm.s32 $0x9;
	_ =	strace $0x8000004E  }
0xb8: {  	_ =	swait.ge [sflag:s29], $0x1  }
0xb9: {  	[sflag:s29] =	ssyncadd.s32 $0xFFFFFFFF  }
0xba: {  	_ =	strace $0x9000004E  }
0xbb: {  	_ =	sfence  }
0xbc: {  	s30 =	sld [smem:$0x0];
	_ =	sdelay $0x2  }
0xbd: {  	s31 =	sshll.u32 s1, $0xD;
	s1 =	sshrl.u32 s1, $0x2  }
0xbe: {  	s3 =	sand.u32 $0x4000, s31;
	s1 =	sadd.s32 s1, s30  }
0xbf: {  	s0 =	sor.u32 s3, s0;
	s1 =	sshll.u32 s1, $0x11  }
0xc0: {  	s0 =	sor.u32 s1, s0  }
0xc1: {  	s0 =	sadd.s32 $0x8F2B, s0  }
0xc2: {  	[sflag:s0] =	ssyncadd.remote.s32 $0x1  }
0xc3: {  	_ =	sfence.sel $0xFFFF  }
0xc4: {  	[dreg:$0x0] =	wrdreg $0xFFFFFFFF;
	(pc) =	sbr.abs _section_cstart, $3  }
0xc5: {  	[dreg:$0x1] =	wrdreg $0xFFFFFFFF  }
0xc6: {  	_ =	task.clear_ibuf [dreg:s9], $0x2FFFF;
	_ =	strace $0x9FFFFFFF  }
0xc7: {  	(tm) =	ssettm $0x7FFFFFFF  }
tec
execute0_lowered:
.L_overlay_start_1:
0x0: {  	(tag) =	ssettag $0x1  }
0x1: {  	s1 =	rddreg [dreg:$0x0]  }
0x2: {  	s0 =	rddreg [dreg:$0x1]  }
0x3: {  	s2 =	rddreg [dreg:$0x2];
	s3 =	srdreg.scid  }
0x4: {  	s15 =	stileid.u32;
	s5 =	rddreg [dreg:$0x3]  }
0x5: {  	s28 =	simm.s32 $0x5080;
	s29 =	simm.s32 $0x7900;
	s6 =	sand.u32 $0x1, s3  }
0x6: {  	s4 =	sshll.u32 s15, $0x1;
	s3 =	rddreg [dreg:$0x4];
	s9 =	smul.u32 $0x4F000, s15  }
0x7: {  	s11 =	smul.u32 $0x13C00, s15;
	s5 =	sadd.s32 $0x2000, s5;
	p0 =	seq.s32 s15, $0xF  }
0x8: {  	s7 =	sor.u32 s6, s4;
	s8 =	ssub.s32 $0x2, s6;
	s6 =	smul.u32 $0x139000, s6  }
0x9: {  	s4 =	simm.s32 $0x0;
	s31 =	sadd.s32 $0x137400, s3;
	s15 =	sadd.s32 $0x12D400, s3  }
0xa: {  	s7 =	smul.u32 $0x4E2, s7;
	[smem:$0x7FF] =	sst s4;
	s10 =	sshrl.u32 s8, $0x1  }
0xb: {  	s9 =	sshrl.u32 s9, $0x2;
	s17 =	sadd.s32 $0x2800, s11;
	s19 =	sadd.s32 $0x5000, s11  }
0xc: {  	s23 =	sadd.s32 $0xA000, s11;
	_ =	strace $0x8000004D;
	s8 =	ssub.s32 s8, s10  }
0xd: {  	s10 =	sadd.s32 $0x11800, s11;
	s14 =	sadd.s32 s6, s11;
	s16 =	sshrl.u32 s6, $0x3  }
0xe: {  	s18 =	sadd.s32 s6, s17;
	s24 =	sadd.s32 s6, s23;
	s0 =	sadd.s32 s0, s7  }
0xf: {  	s2 =	sadd.s32 s2, s7;
	s7 =	sadd.s32 s9, s3;
	s12 =	sadd.s32 s6, s10  }
0x10: {  	s13 =	sadd.s32 s10, s3;
	s9 =	sshrl.u32 s18, $0x3;
	[dreg:$0x6] =	wrdreg s0  }
0x11: {  	s25 =	sshrl.u32 s24, $0x3;
	s8 =	smax.u32 s8, $0x1;
	[dreg:$0x7] =	wrdreg s2  }
0x12: {  	[dreg:$0x8] =	wrdreg s13;
	s0 =	sshrl.u32 s12, $0x3;
	s2 =	sshrl.u32 s14, $0x3  }
0x13: {  	s12 =	sadd.s32 $0x7800, s11;
	s13 =	sadd.s32 s6, s19;
	s9 =	sadd.s32 s5, s9  }
0x14: {  	[dreg:$0x12] =	wrdreg s8;
	s24 =	sadd.s32 $0x2800, s7;
	s8 =	sadd.s32 $0x7800, s7  }
0x15: {  	s10 =	sadd.s32 $0xC800, s7;
	s0 =	sadd.s32 s5, s0;
	s2 =	sadd.s32 s5, s2  }
0x16: {  	s14 =	sadd.s32 s6, s12;
	[dreg:$0xb] =	wrdreg s9;
	s20 =	sshrl.u32 s13, $0x3  }
0x17: {  	s13 =	sadd.s32 s12, s3;
	[dreg:$0x1e] =	wrdreg s24;
	s12 =	sadd.s32 $0x128400, s3  }
0x18: {  	s24 =	simm.s32 $0x4;
	[dreg:$0x9] =	wrdreg s0;
	s0 =	sadd.s32 s5, s16  }
0x19: {  	[dreg:$0xa] =	wrdreg s2;
	s21 =	sshrl.u32 s14, $0x3;
	s9 =	sadd.s32 s5, s20  }
0x1a: {  	s14 =	sadd.s32 $0xC800, s11;
	s16 =	sadd.s32 $0xF000, s11;
	[dreg:$0x15] =	wrdreg s13  }
0x1b: {  	s11 =	sadd.s32 s5, s25;
	s2 =	sadd.s32 s17, s3;
	[dreg:$0xc] =	wrdreg s9  }
0x1c: {  	s17 =	sadd.s32 s23, s3;
	s23 =	sadd.s32 $0x11800, s7;
	[dreg:$0xe] =	wrdreg s11  }
0x1d: {  	s25 =	sadd.s32 $0x5000, s7;
	s13 =	simm.s32 $0x4F80;
	[dreg:$0x13] =	wrdreg s2  }
0x1e: {  	s22 =	sadd.s32 s5, s21;
	s26 =	sadd.s32 s6, s14;
	[dreg:$0x16] =	wrdreg s17  }
0x1f: {  	s6 =	sadd.s32 s6, s16;
	s18 =	sadd.s32 $0x25080, s0;
	[dreg:$0x1d] =	wrdreg s23  }
0x20: {  	s20 =	sadd.s32 $0x25A80, s0;
	s21 =	sadd.s32 $0x25F80, s0;
	[dreg:$0x1f] =	wrdreg s25  }
0x21: {  	s9 =	sadd.s32 $0xA000, s7;
	s17 =	sadd.s32 $0x12FC00, s3;
	[dreg:$0xd] =	wrdreg s22  }
0x22: {  	s23 =	simm.s32 $0x50;
	s25 =	simm.s32 $0x5100;
	[dreg:$0x17] =	wrdreg s18  }
0x23: {  	s30 =	sshrl.u32 s26, $0x3;
	s6 =	sshrl.u32 s6, $0x3;
	[dreg:$0x19] =	wrdreg s20  }
0x24: {  	[dreg:$0x1a] =	wrdreg s21;
	s22 =	sadd.s32 $0x26480, s0;
	s26 =	sadd.s32 s14, s3  }
0x25: {  	s14 =	sadd.s32 $0x12AC00, s3;
	s20 =	sadd.s32 $0x134C00, s3;
	[dreg:$0x1b] =	wrdreg s22  }
0x26: {  	s21 =	simm.s32 $0x5;
	s11 =	sadd.s32 s5, s30;
	[smem:$0x7FC] =	sst s26  }
0x27: {  	s5 =	sadd.s32 s5, s6;
	s6 =	sadd.s32 $0x26E80, s0;
	[dreg:$0xf] =	wrdreg s11  }
0x28: {  	s30 =	sadd.s32 s16, s3;
	s26 =	simm.s32 $0x2;
	[dreg:$0x10] =	wrdreg s5  }
.Ltmp0:
0x29: {  	s22 =	simm.s32 $0x3;
	[dreg:$0x11] =	wrdreg s6;
	(pc) =	sbr.rel .LBB2_1-.Ltmp0, $4  }
0x2a: {  	s16 =	simm.s32 $0x1;
	s11 =	sadd.s32 s19, s3;
	[smem:$0x7FD] =	sst s30  }
0x2b: {  	s19 =	sadd.s32 $0x25580, s0;
	s0 =	sadd.s32 $0x26980, s0;
	[dreg:$0x14] =	wrdreg s11  }
0x2c: {  	s5 =	simm.s32 $0x5000;
	s6 =	simm.s32 $0x0;
	[dreg:$0x18] =	wrdreg s19  }
0x2d: {  	v0 =	vimm.f32 $0.0e+00;
	[dreg:$0x1c] =	wrdreg s0;
	s11 =	sadd.s32 $0xF000, s7;
	s19 =	sadd.s32 $0x132400, s3  }
.LBB2_15:
0x2e: {  	[tilespmem:s25], [sflag:$0x5] =	stream.linear.gather [spmem:s12], $0x2800, $0x38;
	[tilespmem:$0x1DA00] =	vst v63  }
0x2f: {  	_ =	swait.ge [sflag:s21], $0x2800  }
0x30: {  	[sflag:s21] =	ssyncset.done $0x0  }
0x31: {  	s0 =	rddreg [dreg:$0x17];
	[sflag:s21] =	ssyncadd.s32 $0xFFFFD800  }
0x32: {  	[hbm4b:s0+s4] =	stream.linear.scatter [tilespmem:s25], [sflag:$0x5], $0x2800, $0x38;
	[tilespmem:$0x1DA00] =	vst v63  }
0x33: {  	_ =	swait.ge [sflag:s21], $0x2800  }
0x34: {  	[sflag:s21] =	ssyncset.done $0x0  }
0x35: {  	[sflag:s21] =	ssyncadd.s32 $0xFFFFD800  }
0x36: {  	[tilespmem:s25], [sflag:$0x5] =	stream.linear.gather [spmem:s14], $0x2800, $0x38;
	[tilespmem:$0x1DA00] =	vst v63  }
0x37: {  	_ =	swait.ge [sflag:s21], $0x2800  }
0x38: {  	[sflag:s21] =	ssyncset.done $0x0  }
0x39: {  	s2 =	rddreg [dreg:$0x18];
	[sflag:s21] =	ssyncadd.s32 $0xFFFFD800  }
0x3a: {  	[hbm4b:s2+s4] =	stream.linear.scatter [tilespmem:s25], [sflag:$0x5], $0x2800, $0x38;
	[tilespmem:$0x1DA00] =	vst v63  }
0x3b: {  	_ =	swait.ge [sflag:s21], $0x2800  }
0x3c: {  	[sflag:s21] =	ssyncset.done $0x0  }
0x3d: {  	[sflag:s21] =	ssyncadd.s32 $0xFFFFD800  }
0x3e: {  	[tilespmem:s25], [sflag:$0x5] =	stream.linear.gather [spmem:s15], $0x2800, $0x38;
	[tilespmem:$0x1DA00] =	vst v63  }
0x3f: {  	_ =	swait.ge [sflag:s21], $0x2800  }
0x40: {  	[sflag:s21] =	ssyncset.done $0x0  }
0x41: {  	s18 =	rddreg [dreg:$0x19];
	[sflag:s21] =	ssyncadd.s32 $0xFFFFD800  }
0x42: {  	[hbm4b:s18+s4] =	stream.linear.scatter [tilespmem:s25], [sflag:$0x5], $0x2800, $0x38;
	[tilespmem:$0x1DA00] =	vst v63  }
0x43: {  	_ =	swait.ge [sflag:s21], $0x2800  }
0x44: {  	[sflag:s21] =	ssyncset.done $0x0  }
0x45: {  	[sflag:s21] =	ssyncadd.s32 $0xFFFFD800  }
0x46: {  	[tilespmem:s25], [sflag:$0x5] =	stream.linear.gather [spmem:s17], $0x2800, $0x38;
	[tilespmem:$0x1DA00] =	vst v63  }
0x47: {  	_ =	swait.ge [sflag:s21], $0x2800  }
0x48: {  	[sflag:s21] =	ssyncset.done $0x0  }
0x49: {  	s30 =	rddreg [dreg:$0x1a];
	[sflag:s21] =	ssyncadd.s32 $0xFFFFD800  }
0x4a: {  	[hbm4b:s30+s4] =	stream.linear.scatter [tilespmem:s25], [sflag:$0x5], $0x2800, $0x38;
	[tilespmem:$0x1DA00] =	vst v63  }
0x4b: {  	_ =	swait.ge [sflag:s21], $0x2800  }
0x4c: {  	[sflag:s21] =	ssyncset.done $0x0  }
0x4d: {  	[sflag:s21] =	ssyncadd.s32 $0xFFFFD800  }
0x4e: {  	[tilespmem:s25], [sflag:$0x5] =	stream.linear.gather [spmem:s19], $0x2800, $0x38;
	[tilespmem:$0x1DA00] =	vst v63  }
0x4f: {  	_ =	swait.ge [sflag:s21], $0x2800  }
0x50: {  	[sflag:s21] =	ssyncset.done $0x0  }
0x51: {  	s2 =	rddreg [dreg:$0x1b];
	[sflag:s21] =	ssyncadd.s32 $0xFFFFD800  }
0x52: {  	[hbm4b:s2+s4] =	stream.linear.scatter [tilespmem:s25], [sflag:$0x5], $0x2800, $0x38;
	[tilespmem:$0x1DA00] =	vst v63  }
0x53: {  	_ =	swait.ge [sflag:s21], $0x2800  }
0x54: {  	[sflag:s21] =	ssyncset.done $0x0  }
0x55: {  	[sflag:s21] =	ssyncadd.s32 $0xFFFFD800  }
0x56: {  	[tilespmem:s25], [sflag:$0x5] =	stream.linear.gather [spmem:s20], $0x2800, $0x38;
	[tilespmem:$0x1DA00] =	vst v63  }
0x57: {  	_ =	swait.ge [sflag:s21], $0x2800  }
0x58: {  	[sflag:s21] =	ssyncset.done $0x0  }
0x59: {  	s18 =	rddreg [dreg:$0x1c];
	[sflag:s21] =	ssyncadd.s32 $0xFFFFD800  }
0x5a: {  	[hbm4b:s18+s4] =	stream.linear.scatter [tilespmem:s25], [sflag:$0x5], $0x2800, $0x38;
	[tilespmem:$0x1DA00] =	vst v63  }
0x5b: {  	_ =	swait.ge [sflag:s21], $0x2800  }
0x5c: {  	[sflag:s21] =	ssyncset.done $0x0  }
0x5d: {  	[sflag:s21] =	ssyncadd.s32 $0xFFFFD800  }
0x5e: {  	[tilespmem:s25], [sflag:$0x5] =	stream.linear.gather [spmem:s31], $0x1C00, $0x38;
	[tilespmem:$0x1DA00] =	vst v63  }
0x5f: {  	_ =	swait.ge [sflag:s21], $0x1C00  }
0x60: {  	[sflag:s21] =	ssyncset.done $0x0  }
0x61: {  	s30 =	rddreg [dreg:$0x11];
	[sflag:s21] =	ssyncadd.s32 $0xFFFFE400  }
0x62: {  	[hbm4b:s30+s4] =	stream.linear.scatter [tilespmem:s25], [sflag:$0x5], $0x1C00, $0x38;
	[tilespmem:$0x1DA00] =	vst v63  }
0x63: {  	_ =	swait.ge [sflag:s21], $0x1C00  }
0x64: {  	[sflag:s21] =	ssyncset.done $0x0  }
0x65: {  	[sflag:s21] =	ssyncadd.s32 $0xFFFFE400  }
.LBB2_16:
0x66: {  	s6 =	sadd.s32 $0x1, s6;
	s0 =	rddreg [dreg:$0x12]  }
0x67: {  	p1 =	sne.s32 s6, s0  }
.Ltmp1:
0x68: {  	_ = 	snop;
	(pc) =	sbr.rel @!p1 .LBB2_17-.Ltmp1, $1  }
0x69: {  	_ =	sdelay $0x3  }
.LBB2_1:
0x6a: {  	s0 =	rddreg [dreg:$0x6]  }
0x6b: {  	[tilespmem:s4], [sflag:$0x5] =	stream.linear.gather [hbm4b:s0+s4], $0x2710, $0x38;
	[tilespmem:$0x1DA00] =	vst v63  }
0x6c: {  	_ =	swait.ge [sflag:s21], $0x2710  }
0x6d: {  	[sflag:s21] =	ssyncset.done $0x0  }
0x6e: {  	s2 =	simm.s32 $0x2780;
	s18 =	rddreg [dreg:$0x7];
	[sflag:s21] =	ssyncadd.s32 $0xFFFFD8F0  }
0x6f: {  	[tilespmem:s2], [sflag:$0x5] =	stream.linear.gather [hbm4b:s18+s4], $0x2710, $0x38;
	[tilespmem:$0x1DA00] =	vst v63  }
0x70: {  	_ =	swait.ge [sflag:s21], $0x2710  }
0x71: {  	[sflag:s21] =	ssyncset.done $0x0  }
0x72: {  	[sflag:s21] =	ssyncadd.s32 $0xFFFFD8F0  }
0x73: {  	v1 =	vld [tilespmem:$0x0]  }
0x74: {  	v2 =	vld [tilespmem:$0x10]  }
0x75: {  	v3 =	vld [tilespmem:$0x20]  }
0x76: {  	v4 =	vld [tilespmem:$0x30]  }
0x77: {  	v5 =	vld [tilespmem:$0x40]  }
0x78: {  	v62 =	vld [tilespmem:$0x27B0];
	[tilespmem:$0x4F00] =	vst v1  }
0x79: {  	v63 =	vld [tilespmem:$0x27C0];
	[tilespmem:$0x4F10] =	vst v2  }
0x7a: {  	v1 =	vld [tilespmem:$0x2780];
	[tilespmem:$0x4F20] =	vst v3  }
0x7b: {  	v2 =	vld [tilespmem:$0x2790];
	[tilespmem:$0x4F30] =	vst v4  }
0x7c: {  	v3 =	vld [tilespmem:$0x27A0];
	[tilespmem:$0x4F40] =	vst v5  }
0x7d: {  	[tilespmem:$0x5030] =	vst v62  }
0x7e: {  	[tilespmem:$0x5040] =	vst v63  }
0x7f: {  	[tilespmem:$0x5000] =	vst v1  }
0x80: {  	[tilespmem:$0x5010] =	vst v2  }
0x81: {  	s2 =	simm.s32 $0x4F00;
	s18 =	sand.u32 $0xFE00, s4;
	[tilespmem:$0x5020] =	vst v3  }
0x82: {  	[tilespmem:s25], [sflag:$0x1] =	stream.indirect.gather [hbm4b:s1+s23], $0x80, s2, s23, $0xb8;
	[tilespmem:$0x1DA00] =	vst v63  }
0x83: {  	s30 =	sand.u32 $0x70, s4;
	s2 =	sshrl.u32 s18, $0x2  }
0x84: {  	s18 =	simm.s32 $0x40;
	s2 =	sor.u32 s30, s2;
	s30 =	simm.s32 $0x0  }
.LBB2_2:
0x85: {  	p1 =	sne.s32 s18, $0x9FC0  }
0x86: {  	[tilespmem:s2+$0x7900] =	vst v0;
	s30 =	sadd.s32 $0x10, s30;
	s2 =	smov.u32 s18;
	s18 =	sadd.s32 $0x40, s18  }
.Ltmp2:
0x87: {  	(pc) =	sbr.rel @p1 .LBB2_2-.Ltmp2, $4  }
0x88: {  	_ = 	snop  }
0x89: {  	s2 =	sand.u32 $0xFE00, s2  }
0x8a: {  	s0 =	sand.u32 $0x70, s30;
	s2 =	sshrl.u32 s2, $0x2  }
0x8b: {  	s2 =	sor.u32 s0, s2  }
0x8c: {  	[tilespmem:s2+$0x7900] =	vst v0;
	s0 =	simm.s32 @p0 $0x7900;
	s2 =	simm.s32 @p0 $0x5  }
0x8d: {  	[spmem:s12] =	stream.linear.scatter @p0 [tilespmem:s0], [sflag:$0x5], $0x2800, $0x38;
	[tilespmem:$0x1DA00] =	vst v63  }
0x8e: {  	_ =	swait.ge @p0 [sflag:s2], $0x2800  }
0x8f: {  	[sflag:s2] =	ssyncset.done @p0 $0x0  }
0x90: {  	[sflag:s2] =	ssyncadd.s32 @p0 $0xFFFFD800  }
0x91: {  	[spmem:s14] =	stream.linear.scatter @p0 [tilespmem:s0], [sflag:$0x5], $0x2800, $0x38;
	[tilespmem:$0x1DA00] =	vst v63  }
0x92: {  	_ =	swait.ge @p0 [sflag:s2], $0x2800  }
0x93: {  	[sflag:s2] =	ssyncset.done @p0 $0x0  }
0x94: {  	[sflag:s2] =	ssyncadd.s32 @p0 $0xFFFFD800  }
0x95: {  	[spmem:s15] =	stream.linear.scatter @p0 [tilespmem:s0], [sflag:$0x5], $0x2800, $0x38;
	[tilespmem:$0x1DA00] =	vst v63  }
0x96: {  	_ =	swait.ge @p0 [sflag:s2], $0x2800  }
0x97: {  	[sflag:s2] =	ssyncset.done @p0 $0x0  }
0x98: {  	[sflag:s2] =	ssyncadd.s32 @p0 $0xFFFFD800  }
0x99: {  	[spmem:s17] =	stream.linear.scatter @p0 [tilespmem:s0], [sflag:$0x5], $0x2800, $0x38;
	[tilespmem:$0x1DA00] =	vst v63  }
0x9a: {  	_ =	swait.ge @p0 [sflag:s2], $0x2800  }
0x9b: {  	[sflag:s2] =	ssyncset.done @p0 $0x0  }
0x9c: {  	[sflag:s2] =	ssyncadd.s32 @p0 $0xFFFFD800  }
0x9d: {  	[spmem:s19] =	stream.linear.scatter @p0 [tilespmem:s0], [sflag:$0x5], $0x2800, $0x38;
	[tilespmem:$0x1DA00] =	vst v63  }
0x9e: {  	_ =	swait.ge @p0 [sflag:s2], $0x2800  }
0x9f: {  	[sflag:s2] =	ssyncset.done @p0 $0x0  }
0xa0: {  	[sflag:s2] =	ssyncadd.s32 @p0 $0xFFFFD800  }
0xa1: {  	[spmem:s20] =	stream.linear.scatter @p0 [tilespmem:s0], [sflag:$0x5], $0x2800, $0x38;
	[tilespmem:$0x1DA00] =	vst v63  }
0xa2: {  	_ =	swait.ge @p0 [sflag:s2], $0x2800  }
0xa3: {  	[sflag:s2] =	ssyncset.done @p0 $0x0  }
0xa4: {  	[sflag:s2] =	ssyncadd.s32 @p0 $0xFFFFD800  }
0xa5: {  	[spmem:s31] =	stream.linear.scatter @p0 [tilespmem:s0], [sflag:$0x5], $0x1C00, $0x38;
	[tilespmem:$0x1DA00] =	vst v63  }
0xa6: {  	_ =	swait.ge @p0 [sflag:s2], $0x1C00  }
0xa7: {  	[sflag:s2] =	ssyncset.done @p0 $0x0  }
0xa8: {  	s0 =	simm.s32 @!p0 $0x7900;
	[sflag:s2] =	ssyncadd.s32 @p0 $0xFFFFE400;
	s2 =	simm.s32 @!p0 $0x5  }
0xa9: {  	[spmem:s7] =	stream.linear.scatter @!p0 [tilespmem:s0], [sflag:$0x5], $0x2800, $0x38;
	[tilespmem:$0x1DA00] =	vst v63  }
0xaa: {  	_ =	swait.ge @!p0 [sflag:s2], $0x2800  }
0xab: {  	[sflag:s2] =	ssyncset.done @!p0 $0x0  }
0xac: {  	s18 =	rddreg [dreg:$0x1e];
	[sflag:s2] =	ssyncadd.s32 @!p0 $0xFFFFD800  }
0xad: {  	[spmem:s18] =	stream.linear.scatter @!p0 [tilespmem:s0], [sflag:$0x5], $0x2800, $0x38;
	[tilespmem:$0x1DA00] =	vst v63  }
0xae: {  	_ =	swait.ge @!p0 [sflag:s2], $0x2800  }
0xaf: {  	[sflag:s2] =	ssyncset.done @!p0 $0x0  }
0xb0: {  	s18 =	rddreg [dreg:$0x1f];
	[sflag:s2] =	ssyncadd.s32 @!p0 $0xFFFFD800  }
0xb1: {  	[spmem:s18] =	stream.linear.scatter @!p0 [tilespmem:s0], [sflag:$0x5], $0x2800, $0x38;
	[tilespmem:$0x1DA00] =	vst v63  }
0xb2: {  	_ =	swait.ge @!p0 [sflag:s2], $0x2800  }
0xb3: {  	[sflag:s2] =	ssyncset.done @!p0 $0x0  }
0xb4: {  	[sflag:s2] =	ssyncadd.s32 @!p0 $0xFFFFD800  }
0xb5: {  	[spmem:s8] =	stream.linear.scatter @!p0 [tilespmem:s0], [sflag:$0x5], $0x2800, $0x38;
	[tilespmem:$0x1DA00] =	vst v63  }
0xb6: {  	_ =	swait.ge @!p0 [sflag:s2], $0x2800  }
0xb7: {  	[sflag:s2] =	ssyncset.done @!p0 $0x0  }
0xb8: {  	[sflag:s2] =	ssyncadd.s32 @!p0 $0xFFFFD800  }
0xb9: {  	[spmem:s9] =	stream.linear.scatter @!p0 [tilespmem:s0], [sflag:$0x5], $0x2800, $0x38;
	[tilespmem:$0x1DA00] =	vst v63  }
0xba: {  	_ =	swait.ge @!p0 [sflag:s2], $0x2800  }
0xbb: {  	[sflag:s2] =	ssyncset.done @!p0 $0x0  }
0xbc: {  	[sflag:s2] =	ssyncadd.s32 @!p0 $0xFFFFD800  }
0xbd: {  	[spmem:s10] =	stream.linear.scatter @!p0 [tilespmem:s0], [sflag:$0x5], $0x2800, $0x38;
	[tilespmem:$0x1DA00] =	vst v63  }
0xbe: {  	_ =	swait.ge @!p0 [sflag:s2], $0x2800  }
0xbf: {  	[sflag:s2] =	ssyncset.done @!p0 $0x0  }
0xc0: {  	[sflag:s2] =	ssyncadd.s32 @!p0 $0xFFFFD800  }
0xc1: {  	[spmem:s11] =	stream.linear.scatter @!p0 [tilespmem:s0], [sflag:$0x5], $0x2800, $0x38;
	[tilespmem:$0x1DA00] =	vst v63  }
0xc2: {  	_ =	swait.ge @!p0 [sflag:s2], $0x2800  }
0xc3: {  	[sflag:s2] =	ssyncset.done @!p0 $0x0  }
0xc4: {  	s18 =	rddreg [dreg:$0x1d];
	[sflag:s2] =	ssyncadd.s32 @!p0 $0xFFFFD800  }
0xc5: {  	[spmem:s18] =	stream.linear.scatter @!p0 [tilespmem:s0], [sflag:$0x5], $0x2400, $0x38;
	[tilespmem:$0x1DA00] =	vst v63  }
.Ltmp3:
0xc6: {  	_ =	swait.ge @!p0 [sflag:s2], $0x2400;
	(pc) =	sbr.rel .LBB2_4-.Ltmp3, $4  }
0xc7: {  	[sflag:s2] =	ssyncset.done @!p0 $0x0  }
0xc8: {  	[sflag:s2] =	ssyncadd.s32 @!p0 $0xFFFFDC00  }
0xc9: {  	[bflag:$0x0] =	sbarrier.arrive $0xFFFF  }
0xca: {  	s18 =	simm.s32 $0x0  }
.LBB2_11:
0xcb: {  	p1 =	seq.s32 s18, $0x7C  }
0xcc: {  	s18 =	sadd.s32 $0x1, s18;
	s0 =	simm.s32 @!p1 $0x3  }
0xcd: {  	s2 =	smul.u32 @!p1 $0x140, s18;
	_ =	swait.ge @!p1 [sflag:s0], $0x2800  }
0xce: {  	[sflag:s0] =	ssyncset.done @!p1 $0x0  }
0xcf: {  	[sflag:s0] =	ssyncadd.s32 @!p1 $0xFFFFD800;
	s0 =	sshra.s32 @!p1 s2, $0x2  }
0xd0: {  	v1 =	vld @!p1 [tilespmem:s0+$0x0];
	_ =	sdelay $0x4  }
0xd1: {  	[tilespmem:$0x4F00] =	vst @!p1 v1  }
0xd2: {  	v1 =	vld @!p1 [tilespmem:s0+$0x10];
	_ =	sdelay $0x4  }
0xd3: {  	[tilespmem:$0x4F10] =	vst @!p1 v1  }
0xd4: {  	v1 =	vld @!p1 [tilespmem:s0+$0x20];
	_ =	sdelay $0x4  }
0xd5: {  	[tilespmem:$0x4F20] =	vst @!p1 v1  }
0xd6: {  	v1 =	vld @!p1 [tilespmem:s0+$0x30];
	_ =	sdelay $0x4  }
0xd7: {  	[tilespmem:$0x4F30] =	vst @!p1 v1  }
0xd8: {  	v1 =	vld @!p1 [tilespmem:s0+$0x40];
	_ =	sdelay $0x4  }
0xd9: {  	[tilespmem:$0x4F40] =	vst @!p1 v1  }
0xda: {  	v1 =	vld @!p1 [tilespmem:s0+$0x2780];
	_ =	sdelay $0x4  }
0xdb: {  	[tilespmem:$0x5000] =	vst @!p1 v1  }
0xdc: {  	v1 =	vld @!p1 [tilespmem:s0+$0x2790];
	_ =	sdelay $0x4  }
0xdd: {  	[tilespmem:$0x5010] =	vst @!p1 v1  }
0xde: {  	v1 =	vld @!p1 [tilespmem:s0+$0x27A0];
	_ =	sdelay $0x4  }
0xdf: {  	[tilespmem:$0x5020] =	vst @!p1 v1  }
0xe0: {  	v1 =	vld @!p1 [tilespmem:s0+$0x27B0];
	_ =	sdelay $0x4  }
0xe1: {  	[tilespmem:$0x5030] =	vst @!p1 v1  }
0xe2: {  	v1 =	vld @!p1 [tilespmem:s0+$0x27C0];
	_ =	sdelay $0x4  }
0xe3: {  	s30 =	simm.s32 @!p1 $0x5100;
	s2 =	simm.s32 @!p1 $0x4F00;
	s0 =	simm.s32 @!p1 $0x50;
	[tilespmem:$0x5040] =	vst @!p1 v1  }
0xe4: {  	[tilespmem:s30], [sflag:$0x1] =	stream.indirect.gather @!p1 [hbm4b:s1+s0], $0x80, s2, s0, $0xb8;
	[tilespmem:$0x1DA00] =	vst v63  }
0xe5: {  	_ =	swait.ge [sflag:s26], $0x2800  }
0xe6: {  	[sflag:s26] =	ssyncset.done $0x0  }
0xe7: {  	[sflag:s26] =	ssyncadd.s32 $0xFFFFD800  }
0xe8: {  	[spmem:s3] =	stream.indirect.scatter.add.f32 [tilespmem:s29], [sflag:$0x4], $0x80, s28, s23, $0xb8;
	[tilespmem:$0x1DA00] =	vst v63  }
.LBB2_12:
0xe9: {  	p1 =	sne.s32 s18, $0x7D  }
.Ltmp4:
0xea: {  	_ = 	snop;
	(pc) =	sbr.rel @!p1 .LBB2_13-.Ltmp4, $1  }
0xeb: {  	_ =	sdelay $0x3  }
.LBB2_4:
0xec: {  	s30 =	sand.u32 $0x1, s18  }
0xed: {  	p1 =	seq.s32 s30, $0x1  }
.Ltmp5:
0xee: {  	_ = 	snop;
	(pc) =	sbr.rel @p1 .LBB2_11-.Ltmp5, $1  }
0xef: {  	_ =	sdelay $0x3  }
0xf0: {  	p1 =	seq.s32 s18, $0x0  }
.Ltmp6:
0xf1: {  	_ = 	snop;
	(pc) =	sbr.rel @p1 .LBB2_8-.Ltmp6, $1  }
0xf2: {  	_ =	sdelay $0x3  }
0xf3: {  	p1 =	seq.s32 s18, $0x7C  }
.Ltmp7:
0xf4: {  	_ = 	snop;
	(pc) =	sbr.rel @p1 .LBB2_9-.Ltmp7, $1  }
0xf5: {  	_ =	sdelay $0x3  }
0xf6: {  	_ =	swait.ge [sflag:s24], $0x2800  }
0xf7: {  	[sflag:s24] =	ssyncset.done $0x0  }
0xf8: {  	[sflag:s24] =	ssyncadd.s32 $0xFFFFD800  }
.LBB2_8:
0xf9: {  	s0 =	smul.u32 $0x140, s18;
	_ =	sdelay $0x1  }
0xfa: {  	s0 =	sadd.s32 $0x140, s0  }
0xfb: {  	s0 =	sshra.s32 s0, $0x2  }
0xfc: {  	v1 =	vld [tilespmem:s0+$0x0];
	_ =	sdelay $0x4  }
0xfd: {  	[tilespmem:$0x4F80] =	vst v1  }
0xfe: {  	v1 =	vld [tilespmem:s0+$0x10];
	_ =	sdelay $0x4  }
0xff: {  	[tilespmem:$0x4F90] =	vst v1  }
0x100: {  	v1 =	vld [tilespmem:s0+$0x20];
	_ =	sdelay $0x4  }
0x101: {  	[tilespmem:$0x4FA0] =	vst v1  }
0x102: {  	v1 =	vld [tilespmem:s0+$0x30];
	_ =	sdelay $0x4  }
0x103: {  	[tilespmem:$0x4FB0] =	vst v1  }
0x104: {  	v1 =	vld [tilespmem:s0+$0x40];
	_ =	sdelay $0x4  }
0x105: {  	[tilespmem:$0x4FC0] =	vst v1  }
0x106: {  	v1 =	vld [tilespmem:s0+$0x2780];
	_ =	sdelay $0x4  }
0x107: {  	[tilespmem:$0x5080] =	vst v1  }
0x108: {  	v1 =	vld [tilespmem:s0+$0x2790];
	_ =	sdelay $0x4  }
0x109: {  	[tilespmem:$0x5090] =	vst v1  }
0x10a: {  	v1 =	vld [tilespmem:s0+$0x27A0];
	_ =	sdelay $0x4  }
0x10b: {  	[tilespmem:$0x50A0] =	vst v1  }
0x10c: {  	v1 =	vld [tilespmem:s0+$0x27B0];
	_ =	sdelay $0x4  }
0x10d: {  	[tilespmem:$0x50B0] =	vst v1  }
0x10e: {  	v1 =	vld [tilespmem:s0+$0x27C0];
	_ =	sdelay $0x4  }
0x10f: {  	[tilespmem:$0x50C0] =	vst v1  }
0x110: {  	[tilespmem:s29], [sflag:$0x2] =	stream.indirect.gather [hbm4b:s1+s23], $0x80, s13, s23, $0xb8;
	[tilespmem:$0x1DA00] =	vst v63  }
.LBB2_9:
0x111: {  	p1 =	sne.s32 s30, $0x0  }
.Ltmp8:
0x112: {  	_ = 	snop;
	(pc) =	sbr.rel @p1 .LBB2_11-.Ltmp8, $4  }
0x113: {  	_ =	swait.ge [sflag:s16], $0x2800  }
0x114: {  	[sflag:s16] =	ssyncset.done $0x0  }
0x115: {  	[sflag:s16] =	ssyncadd.s32 $0xFFFFD800  }
0x116: {  	[spmem:s3] =	stream.indirect.scatter.add.f32 [tilespmem:s25], [sflag:$0x3], $0x80, s5, s23, $0xb8;
	[tilespmem:$0x1DA00] =	vst v63  }
.Ltmp9:
0x117: {  	(pc) =	sbr.rel .LBB2_12-.Ltmp9, $2  }
0x118: {  	_ =	sdelay $0x2  }
0x119: {  	s18 =	sor.u32 $0x1, s18  }
.LBB2_13:
0x11a: {  	_ =	swait.ge [sflag:s22], $0x2800  }
0x11b: {  	[sflag:s22] =	ssyncset.done $0x0  }
0x11c: {  	[sflag:s22] =	ssyncadd.s32 $0xFFFFD800  }
.Ltmp10:
0x11d: {  	_ =	swait.ge [sflag:s24], $0x2800;
	(pc) =	sbr.rel @p0 .LBB2_15-.Ltmp10, $3  }
0x11e: {  	[sflag:s24] =	ssyncset.done $0x0  }
0x11f: {  	[sflag:s24] =	ssyncadd.s32 $0xFFFFD800  }
0x120: {  	[bflag:$0x0] =	sbarrier.arrive $0xFFFF;
	_ =	sdelay $0x1  }
0x121: {  	[tilespmem:s25], [sflag:$0x5] =	stream.linear.gather [spmem:s7], $0x2800, $0x38;
	[tilespmem:$0x1DA00] =	vst v63  }
0x122: {  	_ =	swait.ge [sflag:s21], $0x2800  }
0x123: {  	[sflag:s21] =	ssyncset.done $0x0  }
0x124: {  	s0 =	rddreg [dreg:$0xa];
	[sflag:s21] =	ssyncadd.s32 $0xFFFFD800  }
0x125: {  	[hbm4b:s0+s4] =	stream.linear.scatter [tilespmem:s25], [sflag:$0x5], $0x2800, $0x38;
	[tilespmem:$0x1DA00] =	vst v63  }
0x126: {  	_ =	swait.ge [sflag:s21], $0x2800  }
0x127: {  	[sflag:s21] =	ssyncset.done $0x0  }
0x128: {  	s18 =	rddreg [dreg:$0x13];
	[sflag:s21] =	ssyncadd.s32 $0xFFFFD800  }
0x129: {  	[tilespmem:s25], [sflag:$0x5] =	stream.linear.gather [spmem:s18], $0x2800, $0x38;
	[tilespmem:$0x1DA00] =	vst v63  }
0x12a: {  	_ =	swait.ge [sflag:s21], $0x2800  }
0x12b: {  	[sflag:s21] =	ssyncset.done $0x0  }
0x12c: {  	s30 =	rddreg [dreg:$0xb];
	[sflag:s21] =	ssyncadd.s32 $0xFFFFD800  }
0x12d: {  	[hbm4b:s30+s4] =	stream.linear.scatter [tilespmem:s25], [sflag:$0x5], $0x2800, $0x38;
	[tilespmem:$0x1DA00] =	vst v63  }
0x12e: {  	_ =	swait.ge [sflag:s21], $0x2800  }
0x12f: {  	[sflag:s21] =	ssyncset.done $0x0  }
0x130: {  	s2 =	rddreg [dreg:$0x14];
	[sflag:s21] =	ssyncadd.s32 $0xFFFFD800  }
0x131: {  	[tilespmem:s25], [sflag:$0x5] =	stream.linear.gather [spmem:s2], $0x2800, $0x38;
	[tilespmem:$0x1DA00] =	vst v63  }
0x132: {  	_ =	swait.ge [sflag:s21], $0x2800  }
0x133: {  	[sflag:s21] =	ssyncset.done $0x0  }
0x134: {  	s18 =	rddreg [dreg:$0xc];
	[sflag:s21] =	ssyncadd.s32 $0xFFFFD800  }
0x135: {  	[hbm4b:s18+s4] =	stream.linear.scatter [tilespmem:s25], [sflag:$0x5], $0x2800, $0x38;
	[tilespmem:$0x1DA00] =	vst v63  }
0x136: {  	_ =	swait.ge [sflag:s21], $0x2800  }
0x137: {  	[sflag:s21] =	ssyncset.done $0x0  }
0x138: {  	s30 =	rddreg [dreg:$0x15];
	[sflag:s21] =	ssyncadd.s32 $0xFFFFD800  }
0x139: {  	[tilespmem:s25], [sflag:$0x5] =	stream.linear.gather [spmem:s30], $0x2800, $0x38;
	[tilespmem:$0x1DA00] =	vst v63  }
0x13a: {  	_ =	swait.ge [sflag:s21], $0x2800  }
0x13b: {  	[sflag:s21] =	ssyncset.done $0x0  }
0x13c: {  	s2 =	rddreg [dreg:$0xd];
	[sflag:s21] =	ssyncadd.s32 $0xFFFFD800  }
0x13d: {  	[hbm4b:s2+s4] =	stream.linear.scatter [tilespmem:s25], [sflag:$0x5], $0x2800, $0x38;
	[tilespmem:$0x1DA00] =	vst v63  }
0x13e: {  	_ =	swait.ge [sflag:s21], $0x2800  }
0x13f: {  	[sflag:s21] =	ssyncset.done $0x0  }
0x140: {  	s18 =	rddreg [dreg:$0x16];
	[sflag:s21] =	ssyncadd.s32 $0xFFFFD800  }
0x141: {  	[tilespmem:s25], [sflag:$0x5] =	stream.linear.gather [spmem:s18], $0x2800, $0x38;
	[tilespmem:$0x1DA00] =	vst v63  }
0x142: {  	_ =	swait.ge [sflag:s21], $0x2800  }
0x143: {  	[sflag:s21] =	ssyncset.done $0x0  }
0x144: {  	s30 =	rddreg [dreg:$0xe];
	[sflag:s21] =	ssyncadd.s32 $0xFFFFD800  }
0x145: {  	[hbm4b:s30+s4] =	stream.linear.scatter [tilespmem:s25], [sflag:$0x5], $0x2800, $0x38;
	[tilespmem:$0x1DA00] =	vst v63  }
0x146: {  	_ =	swait.ge [sflag:s21], $0x2800  }
0x147: {  	s2 =	sld [smem:$0x7FC]  }
0x148: {  	[sflag:s21] =	ssyncset.done $0x0  }
0x149: {  	[sflag:s21] =	ssyncadd.s32 $0xFFFFD800  }
0x14a: {  	[tilespmem:s25], [sflag:$0x5] =	stream.linear.gather [spmem:s2], $0x2800, $0x38;
	[tilespmem:$0x1DA00] =	vst v63  }
0x14b: {  	_ =	swait.ge [sflag:s21], $0x2800  }
0x14c: {  	[sflag:s21] =	ssyncset.done $0x0  }
0x14d: {  	s18 =	rddreg [dreg:$0xf];
	[sflag:s21] =	ssyncadd.s32 $0xFFFFD800  }
0x14e: {  	[hbm4b:s18+s4] =	stream.linear.scatter [tilespmem:s25], [sflag:$0x5], $0x2800, $0x38;
	[tilespmem:$0x1DA00] =	vst v63  }
0x14f: {  	_ =	swait.ge [sflag:s21], $0x2800  }
0x150: {  	s30 =	sld [smem:$0x7FD]  }
0x151: {  	[sflag:s21] =	ssyncset.done $0x0  }
0x152: {  	[sflag:s21] =	ssyncadd.s32 $0xFFFFD800  }
0x153: {  	[tilespmem:s25], [sflag:$0x5] =	stream.linear.gather [spmem:s30], $0x2800, $0x38;
	[tilespmem:$0x1DA00] =	vst v63  }
0x154: {  	_ =	swait.ge [sflag:s21], $0x2800  }
0x155: {  	[sflag:s21] =	ssyncset.done $0x0  }
0x156: {  	s2 =	rddreg [dreg:$0x10];
	[sflag:s21] =	ssyncadd.s32 $0xFFFFD800  }
0x157: {  	[hbm4b:s2+s4] =	stream.linear.scatter [tilespmem:s25], [sflag:$0x5], $0x2800, $0x38;
	[tilespmem:$0x1DA00] =	vst v63  }
0x158: {  	_ =	swait.ge [sflag:s21], $0x2800  }
0x159: {  	[sflag:s21] =	ssyncset.done $0x0  }
0x15a: {  	s18 =	rddreg [dreg:$0x8];
	[sflag:s21] =	ssyncadd.s32 $0xFFFFD800  }
0x15b: {  	[tilespmem:s25], [sflag:$0x5] =	stream.linear.gather [spmem:s18], $0x2400, $0x38;
	[tilespmem:$0x1DA00] =	vst v63  }
0x15c: {  	_ =	swait.ge [sflag:s21], $0x2400  }
0x15d: {  	[sflag:s21] =	ssyncset.done $0x0  }
.Ltmp11:
0x15e: {  	s30 =	rddreg [dreg:$0x9];
	[sflag:s21] =	ssyncadd.s32 $0xFFFFDC00;
	(pc) =	sbr.rel .LBB2_16-.Ltmp11, $4  }
0x15f: {  	[hbm4b:s30+s4] =	stream.linear.scatter [tilespmem:s25], [sflag:$0x5], $0x2400, $0x38;
	[tilespmem:$0x1DA00] =	vst v63  }
0x160: {  	_ =	swait.ge [sflag:s21], $0x2400  }
0x161: {  	[sflag:s21] =	ssyncset.done $0x0  }
0x162: {  	[sflag:s21] =	ssyncadd.s32 $0xFFFFDC00  }
.LBB2_17:
0x163: {  	_ =	sfence.sel $0x180000  }
0x164: {  	[bflag:$0x0] =	sbarrier.arrive $0xFFFF  }
0x165: {  	_ =	strace $0x9000004D  }
0x166: {  	s0 =	stileid.u32;
	[bflag:$0x2] =	sbarrier.arrive $0xFFFF  }
0x167: {  	p0 =	sne.s32 s0, $0x0;
	s0 =	rddreg [dreg:$0x5]  }
0x168: {  	s0 =	sadd.s32 @!p0 $0x100000, s0  }
0x169: {  	[sflag:s0] =	ssyncadd.tile.s32 @!p0 $0x1;
	_ =	shalt  }
.Lfunc_end2:
_tile_overlayer_lowered:
.L_overlay_start_2:
0x16a: {  	(tag) =	ssettag $0x2  }
0x16b: {  	s0 =	rddreg [dreg:$0x0];
	s2 =	stileid.u32  }
0x16c: {  	s1 =	rddreg [dreg:$0x1];
	p0 =	sne.s32 s2, $0x0  }
0x16d: {  	s3 =	rddreg [dreg:$0x2];
	[bflag:$0x3] =	sbarrier.arrive $0xFFFF;
	s2 =	simm.s32 @!p0 $0x1C05  }
0x16e: {  	[timem:s3], [sflag:s2] =	dma.local @!p0 [hbm:s0], s1  }
0x16f: {  	s0 =	simm.s32 @!p0 $0x5  }
0x170: {  	_ =	swait.ge @!p0 [sflag:s0], s1  }
0x171: {  	s1 =	ssub.s32 @!p0 $0x0, s1;
	[sflag:s0] =	ssyncset.done @!p0 $0x0  }
0x172: {  	[sflag:s0] =	ssyncadd.s32 @!p0 s1  }
0x173: {  	[bflag:$0x3] =	sbarrier.arrive $0xFFFF  }
0x174: {  	_ =	shalt  }

// kernel: kernel.9.cloned.1.call-start
scs
__scs_entry_jumppad:
0x0: {  	(pc) =	sbr.rel $0x88, $3  }
0x1: {  	(tag) =	ssettag $0x0;
	lr =	simm.s32 $0x1  }
0x2: {  	[smem:$0x3F9C] =	sst lr;
	_ =	strace $0xD0000000  }
0x3: {  	_ = 	snop  }
0x4: {  	_ = 	snop  }
0x5: {  	_ = 	snop  }
0x6: {  	_ = 	snop  }
0x7: {  	_ = 	snop  }
__scs_overlays_trampoline_lowered:
0x8: {  	[smem:$0x3FAB] =	sst s0  }
0x9: {  	[smem:$0x3FAC] =	sst s1  }
0xa: {  	[smem:$0x3FAD] =	sst s2  }
0xb: {  	[smem:$0x3FAE] =	sst s3  }
0xc: {  	[smem:$0x3FAF] =	sst s4  }
0xd: {  	[smem:$0x3FB0] =	sst s5  }
0xe: {  	[smem:$0x3FB1] =	sst s6  }
0xf: {  	[smem:$0x3FB2] =	sst s7  }
0x10: {  	[smem:$0x3FB3] =	sst s8  }
0x11: {  	[smem:$0x3FB4] =	sst s9;
	s0 =	simm.s32 @!p0 $0x0  }
0x12: {  	s1 =	sld [smem:$0x3F9A];
	s0 =	simm.s32 @p0 $0x1  }
0x13: {  	[smem:$0x3FB5] =	sst s0;
	s0 =	simm.s32 @!p1 $0x0  }
0x14: {  	s2 =	sld [smem:$0x3F99];
	s0 =	simm.s32 @p1 $0x1  }
0x15: {  	[smem:$0x3FB6] =	sst s0;
	s0 =	simm.s32 @!p2 $0x0  }
0x16: {  	s3 =	sld [smem:$0x3FDB];
	s0 =	simm.s32 @p2 $0x1  }
0x17: {  	s4 =	simm.s32 $0x1BF5;
	[smem:$0x3FB8] =	sst s0  }
0x18: {  	s0 =	sld [smem:$0x3F9B];
	_ =	swait.ge [sflag:s4], $0x0  }
0x19: {  	s7 =	sld [smem:$0x3F9C]  }
0x1a: {  	s8 =	sadd.s32 $0xFFFFE003, lr  }
0x1b: {  	s9 =	sadd.s32 $0xFFFFFEF7, lr;
	s5 =	simm.s32 $0xFFFFFFFF;
	p2 =	slt.u32 s8, $0xFFFFF086  }
0x1c: {  	p1 =	slt.u32 s9, $0xF7A;
	s5 =	simm.s32 @!p2 $0x0  }
0x1d: {  	s5 =	simm.s32 @p1 $0x1;
	p0 =	seq.s32 s7, s2  }
0x1e: {  	s7 =	smul.u32 @!p0 $0xF7A, s2;
	p2 =	seq.s32 @!p0 s5, $0x0  }
0x1f: {  	s9 =	smul.u32 $0xF7A, s1;
	s8 =	simm.s32 @!p0 $0x1BF5;
	p2 =	por !p2, p0  }
0x20: {  	[sflag:s8] =	ssyncset.s32 @!p0 $0xFFFFF086;
	s6 =	sadd.s32 @!p0 s3, s7;
	s7 =	simm.s32 @!p0 $0x108  }
0x21: {  	s3 =	sadd.s32 s3, s9;
	s6 =	sadd.s32 @!p0 $0x88, s6;
	s7 =	simm.s32 @p2 $0x1082  }
0x22: {  	[simem:s7], [sflag:s8] =	dma.local @!p0 [hbm:s6], $0xF7A  }
0x23: {  	s9 =	sor.u32 $0xD0000000, s2;
	s6 =	simm.s32 $0x108;
	_ =	swait.ge @!p0 [sflag:s8], $0x0  }
0x24: {  	s3 =	sadd.s32 $0x88, s3;
	s6 =	simm.s32 @!p1 $0x1082;
	[sflag:s4] =	ssyncset.s32 $0xFFFFF086  }
0x25: {  	[simem:s6], [sflag:s4] =	dma.local [hbm:s3], $0xF7A  }
0x26: {  	[smem:$0x3F9C] =	sst s1;
	(tag) =	ssettag s2;
	_ =	strace s9  }
0x27: {  	s1 =	sld [smem:$0x3FAC]  }
0x28: {  	s2 =	sld [smem:$0x3FAD]  }
0x29: {  	s4 =	sld [smem:$0x3FAF]  }
0x2a: {  	p0 =	seq.s32 s5, $0x0;
	s5 =	sld [smem:$0x3FB0]  }
0x2b: {  	s6 =	sld [smem:$0x3FB1]  }
0x2c: {  	s7 =	sld [smem:$0x3FB2]  }
0x2d: {  	s3 =	simm.s32 $0x108;
	s8 =	sld [smem:$0x3FB3]  }
0x2e: {  	s3 =	simm.s32 @!p0 $0x1082;
	s9 =	sld [smem:$0x3FB4]  }
0x2f: {  	lr =	sadd.s32 s0, s3;
	s0 =	sld [smem:$0x3FAB]  }
0x30: {  	s3 =	sld [smem:$0x3FAE]  }
0x31: {  	[smem:$0x3FB7] =	sst s10  }
0x32: {  	s10 =	sld [smem:$0x3FB5];
	_ =	sdelay $0x3  }
0x33: {  	p0 =	seq.s32 s10, $0x1;
	s10 =	sld [smem:$0x3FB7];
	_ =	sdelay $0x3  }
0x34: {  	[smem:$0x3FB7] =	sst s10  }
0x35: {  	s10 =	sld [smem:$0x3FB6];
	_ =	sdelay $0x3  }
0x36: {  	p1 =	seq.s32 s10, $0x1;
	s10 =	sld [smem:$0x3FB7];
	_ =	sdelay $0x3  }
0x37: {  	[smem:$0x3FB7] =	sst s10  }
0x38: {  	s10 =	sld [smem:$0x3FB8]  }
0x39: {  	_ = 	snop;
	(pc) =	sbr.ind lr, $3  }
0x3a: {  	_ = 	snop  }
0x3b: {  	_ = 	snop  }
0x3c: {  	p2 =	seq.s32 s10, $0x1;
	s10 =	sld [smem:$0x3FB7]  }
0x3d: {  	_ =	shalt  }
0x3e: {  	_ =	shalt  }
0x3f: {  	_ =	shalt  }
0x40: {  	_ =	shalt  }
0x41: {  	_ =	shalt  }
0x42: {  	_ =	shalt  }
0x43: {  	_ =	shalt  }
0x44: {  	_ =	shalt  }
0x45: {  	_ =	shalt  }
0x46: {  	_ =	shalt  }
0x47: {  	_ =	shalt  }
0x48: {  	_ =	shalt  }
0x49: {  	_ =	shalt  }
0x4a: {  	_ =	shalt  }
0x4b: {  	_ =	shalt  }
0x4c: {  	_ =	shalt  }
0x4d: {  	_ =	shalt  }
0x4e: {  	_ =	shalt  }
0x4f: {  	_ =	shalt  }
0x50: {  	_ =	shalt  }
0x51: {  	_ =	shalt  }
0x52: {  	_ =	shalt  }
0x53: {  	_ =	shalt  }
0x54: {  	_ =	shalt  }
0x55: {  	_ =	shalt  }
0x56: {  	_ =	shalt  }
0x57: {  	_ =	shalt  }
0x58: {  	_ =	shalt  }
0x59: {  	_ =	shalt  }
0x5a: {  	_ =	shalt  }
0x5b: {  	_ =	shalt  }
0x5c: {  	_ =	shalt  }
0x5d: {  	_ =	shalt  }
0x5e: {  	_ =	shalt  }
0x5f: {  	_ =	shalt  }
0x60: {  	_ =	shalt  }
0x61: {  	_ =	shalt  }
0x62: {  	_ =	shalt  }
0x63: {  	_ =	shalt  }
0x64: {  	_ =	shalt  }
0x65: {  	_ =	shalt  }
0x66: {  	_ =	shalt  }
0x67: {  	_ =	shalt  }
0x68: {  	_ =	shalt  }
0x69: {  	_ =	shalt  }
0x6a: {  	_ =	shalt  }
0x6b: {  	_ =	shalt  }
0x6c: {  	_ =	shalt  }
0x6d: {  	_ =	shalt  }
0x6e: {  	_ =	shalt  }
0x6f: {  	_ =	shalt  }
0x70: {  	_ =	shalt  }
0x71: {  	_ =	shalt  }
0x72: {  	_ =	shalt  }
0x73: {  	_ =	shalt  }
0x74: {  	_ =	shalt  }
0x75: {  	_ =	shalt  }
0x76: {  	_ =	shalt  }
0x77: {  	_ =	shalt  }
0x78: {  	_ =	shalt  }
0x79: {  	_ =	shalt  }
0x7a: {  	_ =	shalt  }
0x7b: {  	_ =	shalt  }
0x7c: {  	_ =	shalt  }
0x7d: {  	_ =	shalt  }
0x7e: {  	_ =	shalt  }
0x7f: {  	_ =	shalt  }
0x80: {  	_ =	shalt  }
0x81: {  	_ =	shalt  }
0x82: {  	_ =	shalt  }
0x83: {  	_ =	shalt  }
0x84: {  	_ =	shalt  }
0x85: {  	_ =	shalt  }
0x86: {  	_ =	shalt  }
0x87: {  	_ =	shalt  }
.Lfunc_end0:
.L_simem_size_0:
called_computation_lowered:
.L_overlay_start_0:
0x88: {  	s2 =	sld [smem:$0x3FD9]  }
0x89: {  	s3 =	sld [smem:$0x3FFE];
	_ =	sdelay $0x1  }
0x8a: {  	s1 =	srdreg.scid  }
0x8b: {  	s0 =	sand.u32 $0x1, s1  }
0x8c: {  	s17 =	sshll.u32 s0, $0xA;
	s2 =	sadd.s32 s3, s2  }
0x8d: {  	s2 =	sadd.s32 s2, s17  }
0x8e: {  	[smem:$0x3FC3] =	sst s2  }
0x8f: {  	_ = 	snop  }
0x90: {  	s2 =	sld [smem:$0x3FC8]  }
0x91: {  	s18 =	sld [smem:$0x3FC7]  }
0x92: {  	s4 =	sld [smem:$0x3FD0];
	(tm) =	ssettm $0x1  }
0x93: {  	s5 =	sld [smem:$0x3FFB];
	_ =	sdelay $0x3  }
0x94: {  	_ =	strace s5  }
0x95: {  	s5 =	sld [smem:$0x3FFC];
	_ =	sdelay $0x3  }
0x96: {  	_ =	strace s5  }
0x97: {  	s5 =	sld [smem:$0x3FFD];
	_ =	sdelay $0x3  }
0x98: {  	_ =	strace s5  }
0x99: {  	_ =	strace $0x8FFFFFFF  }
0x9a: {  	s19 =	sld [smem:$0x3FDB];
	_ =	sdelay $0x1  }
0x9b: {  	s6 =	simm.s32 $_scs_section_size  }
0x9c: {  	s7 =	simm.s32 $_size__tile_overlayer_lowered;
	s8 =	simm.s32 $_tile_overlayer_lowered  }
0x9d: {  	s22 =	simm.s32 $0x1BFF;
	s21 =	sshll.u32 s8, $0x1;
	s5 =	sadd.s32 s6, s19  }
0x9e: {  	s9 =	simm.s32 $0x0;
	s20 =	sshll.u32 s7, $0x1;
	s7 =	sadd.s32 s21, s5  }
0x9f: {  	[timem:s9], [sflag:s22] =	dma.local [hbm:s7], s20  }
0xa0: {  	_ =	swait.ge [sflag:s22], s20  }
0xa1: {  	s6 =	ssub.s32 $0x0, s20;
	[sflag:s22] =	ssyncset.done $0x0  }
0xa2: {  	[sflag:s22] =	ssyncadd.s32 s6;
	_ =	sdelay $0x1  }
0xa3: {  	s23 =	simm.s32 $0x1B8B  }
0xa4: {  	_ =	swait.ge [sflag:s23], $0x1  }
0xa5: {  	[sflag:s23] =	ssyncset.done $0x0  }
0xa6: {  	s25 =	simm.s32 $0x1B8E;
	s24 =	sld [smem:$0x3FFE];
	[sflag:s23] =	ssyncadd.s32 $0xFFFFFFFF  }
0xa7: {  	s26 =	simm.s32 $execute0_lowered;
	[smem:$0x3FD2] =	sst s25  }
0xa8: {  	s7 =	sshll.u32 s26, $0x1;
	_ =	strace $0x80000046;
	[dreg:$0x1] =	wrdreg $0xFFFFFFFF  }
0xa9: {  	s28 =	simm.s32 $_size_execute0_lowered;
	s5 =	sadd.s32 s5, s7;
	[dreg:$0x0] =	wrdreg $0x0  }
0xaa: {  	s7 =	sshll.u32 s28, $0x1;
	[dreg:$0x2] =	wrdreg s5  }
0xab: {  	[dreg:$0x3] =	wrdreg s7  }
0xac: {  	[dreg:$0x4] =	wrdreg $0xC0  }
0xad: {  	_ =	task [dreg:s9], $0x5FFFF  }
0xae: {  	[dreg:$0x1] =	wrdreg $0xFFFFFFFF  }
0xaf: {  	[dreg:$0x0] =	wrdreg $0x60  }
0xb0: {  	[dreg:$0x2] =	wrdreg s2  }
0xb1: {  	[dreg:$0x3] =	wrdreg s18  }
0xb2: {  	[dreg:$0x4] =	wrdreg s4  }
0xb3: {  	[dreg:$0x5] =	wrdreg s24  }
0xb4: {  	[dreg:$0x6] =	wrdreg $0x54000  }
0xb5: {  	[dreg:$0x7] =	wrdreg $0x56800  }
0xb6: {  	[dreg:$0x8] =	wrdreg $0x9  }
0xb7: {  	_ =	task.clear_ibuf [dreg:s9], $0x9FFFF;
	_ =	strace $0x90000046  }
0xb8: {  	s29 =	simm.s32 $0x9;
	_ =	strace $0x80000048  }
0xb9: {  	_ =	swait.ge [sflag:s29], $0x1  }
0xba: {  	[sflag:s29] =	ssyncadd.s32 $0xFFFFFFFF  }
0xbb: {  	_ =	strace $0x90000048  }
0xbc: {  	_ =	sfence  }
0xbd: {  	s30 =	sld [smem:$0x0];
	_ =	sdelay $0x2  }
0xbe: {  	s31 =	sshll.u32 s1, $0xD;
	s1 =	sshrl.u32 s1, $0x2  }
0xbf: {  	s3 =	sand.u32 $0x4000, s31;
	s1 =	sadd.s32 s1, s30  }
0xc0: {  	s0 =	sor.u32 s3, s0;
	s1 =	sshll.u32 s1, $0x11  }
0xc1: {  	s0 =	sor.u32 s1, s0  }
0xc2: {  	s0 =	sadd.s32 $0x8F2B, s0  }
0xc3: {  	[sflag:s0] =	ssyncadd.remote.s32 $0x1  }
0xc4: {  	_ =	sfence.sel $0xFFFF  }
0xc5: {  	[dreg:$0x0] =	wrdreg $0xFFFFFFFF;
	(pc) =	sbr.abs _section_cstart, $3  }
0xc6: {  	[dreg:$0x1] =	wrdreg $0xFFFFFFFF  }
0xc7: {  	_ =	task.clear_ibuf [dreg:s9], $0x2FFFF;
	_ =	strace $0x9FFFFFFF  }
0xc8: {  	(tm) =	ssettm $0x7FFFFFFF  }
0xc9: {  	_ =	shalt  }
tec
execute0_lowered:
.L_overlay_start_1:
0x0: {  	(tag) =	ssettag $0x1  }
0x1: {  	s5 =	rddreg [dreg:$0x0]  }
0x2: {  	s6 =	rddreg [dreg:$0x1]  }
0x3: {  	s9 =	rddreg [dreg:$0x2]  }
0x4: {  	s7 =	rddreg [dreg:$0x3]  }
0x5: {  	s2 =	rddreg [dreg:$0x4]  }
0x6: {  	s3 =	rddreg [dreg:$0x5]  }
0x7: {  	s0 =	rddreg [dreg:$0x6]  }
0x8: {  	s4 =	srdreg.scid;
	s1 =	stileid.u32  }
0x9: {  	s16 =	simm.s32 $0x3;
	s17 =	simm.s32 $0x2;
	s18 =	simm.s32 $0x4  }
0xa: {  	s19 =	simm.s32 $0x50;
	s20 =	simm.s32 $0x4F80;
	s21 =	simm.s32 $0x5100  }
0xb: {  	s22 =	simm.s32 $0x5080;
	s23 =	simm.s32 $0x0;
	s10 =	smul.u32 $0x140, s1  }
0xc: {  	s8 =	sand.u32 $0x1, s4;
	s11 =	sshll.u32 s1, $0x1;
	s14 =	smul.u32 $0x280, s1  }
0xd: {  	s4 =	simm.s32 $0x0;
	s12 =	smul.u32 $0x1400, s8;
	s11 =	sor.u32 s8, s11  }
0xe: {  	[smem:$0x7FF] =	sst s4;
	s13 =	ssub.s32 $0x2, s8;
	s8 =	smul.u32 $0x2800, s8  }
0xf: {  	s11 =	smul.u32 $0x4E2, s11;
	s15 =	sshrl.u32 s13, $0x1;
	_ =	strace $0x80000047  }
0x10: {  	s12 =	sadd.s32 s10, s12;
	s13 =	ssub.s32 s13, s15;
	s30 =	sadd.s32 s14, s8  }
.Ltmp0:
0x11: {  	s8 =	sadd.s32 s10, s3;
	s15 =	simm.s32 $0x1;
	(pc) =	sbr.rel .LBB2_1-.Ltmp0, $4  }
0x12: {  	s12 =	sshrl.u32 s12, $0x3;
	s5 =	sadd.s32 s5, s11;
	s6 =	sadd.s32 s6, s11  }
0x13: {  	s31 =	sshrl.u32 s30, $0x3;
	s11 =	smax.u32 s13, $0x1;
	s13 =	simm.s32 $0x2780  }
0x14: {  	s12 =	sadd.s32 s12, s7;
	s7 =	sadd.s32 s14, s2;
	s9 =	sadd.s32 s9, s31  }
0x15: {  	v0 =	vimm.f32 $0.0e+00;
	v1 =	vimm.f32 $1.000000000e+00;
	s14 =	simm.s32 $0x5180;
	s10 =	sadd.s32 $0x2000, s12;
	s12 =	simm.s32 $0x5  }
.LBB2_5:
0x16: {  	_ =	swait.ge [sflag:s15], $0x50  }
0x17: {  	[sflag:s15] =	ssyncset.done $0x0  }
0x18: {  	[sflag:s15] =	ssyncadd.s32 $0xFFFFFFB0  }
0x19: {  	_ =	swait.ge [sflag:s16], $0x50  }
0x1a: {  	[sflag:s16] =	ssyncset.done $0x0  }
0x1b: {  	[sflag:s16] =	ssyncadd.s32 $0xFFFFFFB0  }
0x1c: {  	_ =	swait.ge [sflag:s17], $0x50  }
0x1d: {  	[sflag:s17] =	ssyncset.done $0x0  }
0x1e: {  	[sflag:s17] =	ssyncadd.s32 $0xFFFFFFB0  }
0x1f: {  	_ =	swait.ge [sflag:s18], $0x50  }
0x20: {  	[sflag:s18] =	ssyncset.done $0x0  }
0x21: {  	[sflag:s18] =	ssyncadd.s32 $0xFFFFFFB0  }
0x22: {  	[bflag:$0x0] =	sbarrier.arrive $0xFFFF  }
0x23: {  	[tilespmem:s14], [sflag:$0x5] =	stream.linear.gather [spmem:s7], $0x280, $0x38;
	[tilespmem:$0x57C0] =	vst v63  }
0x24: {  	_ =	swait.ge [sflag:s12], $0x280  }
0x25: {  	[sflag:s12] =	ssyncset.done $0x0  }
0x26: {  	[sflag:s12] =	ssyncadd.s32 $0xFFFFFD80  }
0x27: {  	[hbm4b:s9+s4] =	stream.linear.scatter [tilespmem:s14], [sflag:$0x5], $0x280, $0x38;
	[tilespmem:$0x57C0] =	vst v63  }
0x28: {  	_ =	swait.ge [sflag:s12], $0x280  }
0x29: {  	[sflag:s12] =	ssyncset.done $0x0  }
0x2a: {  	[sflag:s12] =	ssyncadd.s32 $0xFFFFFD80  }
0x2b: {  	[tilespmem:s14], [sflag:$0x5] =	stream.linear.gather [spmem:s8], $0x140, $0x38;
	[tilespmem:$0x57C0] =	vst v63  }
0x2c: {  	s23 =	sadd.s32 $0x1, s23;
	_ =	swait.ge [sflag:s12], $0x140  }
0x2d: {  	p0 =	sne.s32 s23, s11;
	[sflag:s12] =	ssyncset.done $0x0  }
.Ltmp1:
0x2e: {  	[sflag:s12] =	ssyncadd.s32 $0xFFFFFEC0;
	(pc) =	sbr.rel @!p0 .LBB2_6-.Ltmp1, $4  }
0x2f: {  	[hbm4b:s10+s4] =	stream.linear.scatter [tilespmem:s14], [sflag:$0x5], $0x140, $0x38;
	[tilespmem:$0x57C0] =	vst v63  }
0x30: {  	_ =	swait.ge [sflag:s12], $0x140  }
0x31: {  	[sflag:s12] =	ssyncset.done $0x0  }
0x32: {  	[sflag:s12] =	ssyncadd.s32 $0xFFFFFEC0  }
.LBB2_1:
0x33: {  	[tilespmem:s4], [sflag:$0x5] =	stream.linear.gather [hbm4b:s5+s4], $0x2710, $0x38;
	[tilespmem:$0x57C0] =	vst v63  }
0x34: {  	_ =	swait.ge [sflag:s12], $0x2710  }
0x35: {  	[sflag:s12] =	ssyncset.done $0x0  }
0x36: {  	[sflag:s12] =	ssyncadd.s32 $0xFFFFD8F0  }
0x37: {  	[tilespmem:s13], [sflag:$0x5] =	stream.linear.gather [hbm4b:s6+s4], $0x2710, $0x38;
	[tilespmem:$0x57C0] =	vst v63  }
0x38: {  	_ =	swait.ge [sflag:s12], $0x2710  }
0x39: {  	[sflag:s12] =	ssyncset.done $0x0  }
0x3a: {  	[sflag:s12] =	ssyncadd.s32 $0xFFFFD8F0  }
0x3b: {  	[tilespmem:$0x5180] =	vst v0  }
0x3c: {  	[tilespmem:$0x5190] =	vst v0  }
0x3d: {  	[tilespmem:$0x51A0] =	vst v0  }
0x3e: {  	[tilespmem:$0x51B0] =	vst v0  }
0x3f: {  	[tilespmem:$0x51C0] =	vst v0  }
0x40: {  	[tilespmem:$0x51D0] =	vst v0  }
0x41: {  	[tilespmem:$0x51E0] =	vst v0  }
0x42: {  	[tilespmem:$0x51F0] =	vst v0  }
0x43: {  	[tilespmem:$0x5200] =	vst v0  }
0x44: {  	[tilespmem:$0x5210] =	vst v0  }
0x45: {  	[tilespmem:$0x5220] =	vst v0  }
0x46: {  	[tilespmem:$0x5230] =	vst v0  }
0x47: {  	[tilespmem:$0x5240] =	vst v0  }
0x48: {  	[tilespmem:$0x5250] =	vst v0  }
0x49: {  	[tilespmem:$0x5260] =	vst v0  }
0x4a: {  	[tilespmem:$0x5270] =	vst v0  }
0x4b: {  	[tilespmem:$0x5280] =	vst v0  }
0x4c: {  	[tilespmem:$0x5290] =	vst v0  }
0x4d: {  	[tilespmem:$0x52A0] =	vst v0  }
0x4e: {  	[tilespmem:$0x52B0] =	vst v0  }
0x4f: {  	[tilespmem:$0x52C0] =	vst v0  }
0x50: {  	[tilespmem:$0x52D0] =	vst v0  }
0x51: {  	[tilespmem:$0x52E0] =	vst v0  }
0x52: {  	[tilespmem:$0x52F0] =	vst v0  }
0x53: {  	[tilespmem:$0x5300] =	vst v0  }
0x54: {  	[tilespmem:$0x5310] =	vst v0  }
0x55: {  	[tilespmem:$0x5320] =	vst v0  }
0x56: {  	[tilespmem:$0x5330] =	vst v0  }
0x57: {  	[tilespmem:$0x5340] =	vst v0  }
0x58: {  	[tilespmem:$0x5350] =	vst v0  }
0x59: {  	[tilespmem:$0x5360] =	vst v0  }
0x5a: {  	[tilespmem:$0x5370] =	vst v0  }
0x5b: {  	[tilespmem:$0x5380] =	vst v0  }
0x5c: {  	[tilespmem:$0x5390] =	vst v0  }
0x5d: {  	[tilespmem:$0x53A0] =	vst v0  }
0x5e: {  	[tilespmem:$0x53B0] =	vst v0  }
0x5f: {  	[tilespmem:$0x53C0] =	vst v0  }
0x60: {  	[tilespmem:$0x53D0] =	vst v0  }
0x61: {  	[tilespmem:$0x53E0] =	vst v0  }
0x62: {  	[tilespmem:$0x53F0] =	vst v0  }
0x63: {  	[tilespmem:$0x5100] =	vst v1  }
0x64: {  	[tilespmem:$0x5110] =	vst v1  }
0x65: {  	[tilespmem:$0x5120] =	vst v1  }
0x66: {  	[tilespmem:$0x5130] =	vst v1  }
0x67: {  	[tilespmem:$0x5140] =	vst v1  }
0x68: {  	[spmem:s7] =	stream.linear.scatter [tilespmem:s14], [sflag:$0x5], $0x280, $0x38;
	[tilespmem:$0x57C0] =	vst v63  }
0x69: {  	_ =	swait.ge [sflag:s12], $0x280  }
0x6a: {  	[sflag:s12] =	ssyncset.done $0x0  }
0x6b: {  	[sflag:s12] =	ssyncadd.s32 $0xFFFFFD80  }
0x6c: {  	[spmem:s8] =	stream.linear.scatter [tilespmem:s14], [sflag:$0x5], $0x140, $0x38;
	[tilespmem:$0x57C0] =	vst v63  }
.Ltmp2:
0x6d: {  	_ =	swait.ge [sflag:s12], $0x140;
	(pc) =	sbr.rel .LBB2_2-.Ltmp2, $4  }
0x6e: {  	[sflag:s12] =	ssyncset.done $0x0  }
0x6f: {  	[sflag:s12] =	ssyncadd.s32 $0xFFFFFEC0  }
0x70: {  	[bflag:$0x0] =	sbarrier.arrive $0xFFFF  }
0x71: {  	s24 =	simm.s32 $0x20;
	s25 =	simm.s32 $0x27A0;
	s26 =	simm.s32 $0x0  }
.LBB2_4:
0x72: {  	s26 =	sadd.s32 $0x1, s26  }
0x73: {  	p0 =	sne.s32 s26, $0x7D  }
.Ltmp3:
0x74: {  	_ = 	snop;
	(pc) =	sbr.rel @!p0 .LBB2_5-.Ltmp3, $2  }
0x75: {  	_ =	sdelay $0x2  }
0x76: {  	s24 =	sadd.s32 $0x50, s24;
	s25 =	sadd.s32 $0x50, s25  }
.LBB2_2:
0x77: {  	s28 =	sand.u32 $0x1, s26  }
0x78: {  	p0 =	seq.s32 s28, $0x1  }
0x79: {  	p1 =	slt.u32 @!p0 s26, $0x2  }
0x7a: {  	p1 =	por p1, p0  }
0x7b: {  	s29 =	simm.s32 @!p1 $0x1  }
0x7c: {  	_ =	swait.ge @!p1 [sflag:s29], $0x50  }
0x7d: {  	[sflag:s29] =	ssyncset.done @!p1 $0x0  }
0x7e: {  	[sflag:s29] =	ssyncadd.s32 @!p1 $0xFFFFFFB0;
	s29 =	simm.s32 @!p1 $0x3  }
0x7f: {  	_ =	swait.ge @!p1 [sflag:s29], $0x50  }
0x80: {  	[sflag:s29] =	ssyncset.done @!p1 $0x0  }
0x81: {  	[sflag:s29] =	ssyncadd.s32 @!p1 $0xFFFFFFB0  }
0x82: {  	v2 =	vld @!p0 [tilespmem:s24+$0xFFFFFFE0];
	_ =	sdelay $0x4  }
0x83: {  	[tilespmem:$0x4F00] =	vst @!p0 v2  }
0x84: {  	v2 =	vld @!p0 [tilespmem:s24+$0xFFFFFFF0];
	_ =	sdelay $0x4  }
0x85: {  	[tilespmem:$0x4F10] =	vst @!p0 v2  }
0x86: {  	v2 =	vld @!p0 [tilespmem:s24+$0x0];
	_ =	sdelay $0x4  }
0x87: {  	[tilespmem:$0x4F20] =	vst @!p0 v2  }
0x88: {  	v2 =	vld @!p0 [tilespmem:s24+$0x10];
	_ =	sdelay $0x4  }
0x89: {  	[tilespmem:$0x4F30] =	vst @!p0 v2  }
0x8a: {  	v2 =	vld @!p0 [tilespmem:s24+$0x20];
	_ =	sdelay $0x4  }
0x8b: {  	[tilespmem:$0x4F40] =	vst @!p0 v2  }
0x8c: {  	v2 =	vld @!p0 [tilespmem:s25+$0xFFFFFFE0];
	_ =	sdelay $0x4  }
0x8d: {  	[tilespmem:$0x5000] =	vst @!p0 v2  }
0x8e: {  	v2 =	vld @!p0 [tilespmem:s25+$0xFFFFFFF0];
	_ =	sdelay $0x4  }
0x8f: {  	[tilespmem:$0x5010] =	vst @!p0 v2  }
0x90: {  	v2 =	vld @!p0 [tilespmem:s25+$0x0];
	_ =	sdelay $0x4  }
0x91: {  	[tilespmem:$0x5020] =	vst @!p0 v2  }
0x92: {  	v2 =	vld @!p0 [tilespmem:s25+$0x10];
	_ =	sdelay $0x4  }
0x93: {  	[tilespmem:$0x5030] =	vst @!p0 v2  }
0x94: {  	v2 =	vld @!p0 [tilespmem:s25+$0x20];
	_ =	sdelay $0x4  }
0x95: {  	s30 =	simm.s32 @!p0 $0x4F00;
	s31 =	simm.s32 @!p0 $0x5100;
	s29 =	simm.s32 @!p0 $0x50;
	[tilespmem:$0x5040] =	vst @!p0 v2  }
0x96: {  	[spmem:s2] =	stream.indirect.scatter.add.f32 @!p0 [tilespmem:s31], [sflag:$0x1], $0x1, s30, s29, $0xb8;
	[tilespmem:$0x57C0] =	vst v63  }
0x97: {  	p1 =	seq.s32 @!p0 s28, $0x0;
	s30 =	simm.s32 @!p0 $0x5000  }
0x98: {  	[spmem:s3] =	stream.indirect.scatter.add.f32 @!p0 [tilespmem:s31], [sflag:$0x3], $0x1, s30, s29, $0xb8;
	[tilespmem:$0x57C0] =	vst v63  }
0x99: {  	p0 =	por p0, !p1  }
.Ltmp4:
0x9a: {  	_ = 	snop;
	(pc) =	sbr.rel @!p0 .LBB2_4-.Ltmp4, $1  }
0x9b: {  	_ =	sdelay $0x3  }
0x9c: {  	p0 =	slt.u32 s26, $0x2  }
0x9d: {  	s28 =	simm.s32 @!p0 $0x2  }
0x9e: {  	_ =	swait.ge @!p0 [sflag:s28], $0x50  }
0x9f: {  	[sflag:s28] =	ssyncset.done @!p0 $0x0  }
0xa0: {  	[sflag:s28] =	ssyncadd.s32 @!p0 $0xFFFFFFB0;
	s28 =	simm.s32 @!p0 $0x4  }
0xa1: {  	_ =	swait.ge @!p0 [sflag:s28], $0x50  }
0xa2: {  	[sflag:s28] =	ssyncset.done @!p0 $0x0  }
0xa3: {  	[sflag:s28] =	ssyncadd.s32 @!p0 $0xFFFFFFB0  }
0xa4: {  	v2 =	vld [tilespmem:s24+$0xFFFFFFE0];
	_ =	sdelay $0x4  }
0xa5: {  	[tilespmem:$0x4F80] =	vst v2  }
0xa6: {  	v2 =	vld [tilespmem:s24+$0xFFFFFFF0];
	_ =	sdelay $0x4  }
0xa7: {  	[tilespmem:$0x4F90] =	vst v2  }
0xa8: {  	v2 =	vld [tilespmem:s24+$0x0];
	_ =	sdelay $0x4  }
0xa9: {  	[tilespmem:$0x4FA0] =	vst v2  }
0xaa: {  	v2 =	vld [tilespmem:s24+$0x10];
	_ =	sdelay $0x4  }
0xab: {  	[tilespmem:$0x4FB0] =	vst v2  }
0xac: {  	v2 =	vld [tilespmem:s24+$0x20];
	_ =	sdelay $0x4  }
0xad: {  	[tilespmem:$0x4FC0] =	vst v2  }
0xae: {  	v2 =	vld [tilespmem:s25+$0xFFFFFFE0];
	_ =	sdelay $0x4  }
0xaf: {  	[tilespmem:$0x5080] =	vst v2  }
0xb0: {  	v2 =	vld [tilespmem:s25+$0xFFFFFFF0];
	_ =	sdelay $0x4  }
0xb1: {  	[tilespmem:$0x5090] =	vst v2  }
0xb2: {  	v2 =	vld [tilespmem:s25+$0x0];
	_ =	sdelay $0x4  }
0xb3: {  	[tilespmem:$0x50A0] =	vst v2  }
0xb4: {  	v2 =	vld [tilespmem:s25+$0x10];
	_ =	sdelay $0x4  }
0xb5: {  	[tilespmem:$0x50B0] =	vst v2  }
0xb6: {  	v2 =	vld [tilespmem:s25+$0x20];
	_ =	sdelay $0x3  }
.Ltmp5:
0xb7: {  	_ = 	snop;
	(pc) =	sbr.rel .LBB2_4-.Ltmp5, $4  }
0xb8: {  	[tilespmem:$0x50C0] =	vst v2  }
0xb9: {  	[spmem:s2] =	stream.indirect.scatter.add.f32 [tilespmem:s21], [sflag:$0x2], $0x1, s20, s19, $0xb8;
	[tilespmem:$0x57C0] =	vst v63  }
0xba: {  	_ = 	snop  }
0xbb: {  	[spmem:s3] =	stream.indirect.scatter.add.f32 [tilespmem:s21], [sflag:$0x4], $0x1, s22, s19, $0xb8;
	[tilespmem:$0x57C0] =	vst v63  }
.LBB2_6:
0xbc: {  	_ =	sfence.sel $0x180000  }
0xbd: {  	[bflag:$0x0] =	sbarrier.arrive $0xFFFF  }
0xbe: {  	p0 =	sne.s32 s1, $0x0;
	_ =	strace $0x90000047  }
0xbf: {  	s0 =	sadd.s32 @!p0 $0x100000, s0;
	[bflag:$0x2] =	sbarrier.arrive $0xFFFF  }
0xc0: {  	[sflag:s0] =	ssyncadd.tile.s32 @!p0 $0x1;
	_ =	shalt  }
.Lfunc_end2:
_tile_overlayer_lowered:
.L_overlay_start_2:
0xc1: {  	(tag) =	ssettag $0x2  }
0xc2: {  	s0 =	rddreg [dreg:$0x0];
	s2 =	stileid.u32  }
0xc3: {  	s1 =	rddreg [dreg:$0x1];
	p0 =	sne.s32 s2, $0x0  }
0xc4: {  	s3 =	rddreg [dreg:$0x2];
	[bflag:$0x3] =	sbarrier.arrive $0xFFFF;
	s2 =	simm.s32 @!p0 $0x1C05  }
0xc5: {  	[timem:s3], [sflag:s2] =	dma.local @!p0 [hbm:s0], s1  }
0xc6: {  	s0 =	simm.s32 @!p0 $0x5  }
0xc7: {  	_ =	swait.ge @!p0 [sflag:s0], s1  }
0xc8: {  	s1 =	ssub.s32 @!p0 $0x0, s1;
	[sflag:s0] =	ssyncset.done @!p0 $0x0  }
0xc9: {  	[sflag:s0] =	ssyncadd.s32 @!p0 s1  }
0xca: {  	[bflag:$0x3] =	sbarrier.arrive $0xFFFF  }
0xcb: {  	_ =	shalt  }

</sc_bundles>
